<compile_context>
chip_gen: v7x
topology: tpu7x:2x2x1
jax: 0.10.2.dev20260603
libtpu: 0.0.44.dev20260713+nightly
codegen_flags: <defaults>
</compile_context>

<pallas_src>
import functools

import jax
import jax.numpy as jnp
from jax import lax
from jax.experimental import pallas as pl
from jax.experimental.pallas import tpu as pltpu
from jax.experimental.pallas import tpu_sc as plsc

N = 10000
B = 2
M = 32 * 32 * 32
KH = 64
C = 128
OUT = 128
E = 320000
NTILES = 32
EPT = E // NTILES
ROWS = 400

HCH = 400


def _hist_body(dst_hbm, zeros_hbm, hist_out, dst0, dst1, hist_v,
               sem_h0, sem_h1):
    c = lax.axis_index("c")
    s = lax.axis_index("s")
    wid = c * 16 + s
    base = wid * EPT
    dstb = (dst0, dst1)
    sem = (sem_h0, sem_h1)

    def issue(i, b):
        pltpu.async_copy(dst_hbm.at[pl.ds(base + i * HCH, HCH)], dstb[b],
                         sem[b])

    def wait(b):
        pltpu.make_async_copy(dst_hbm.at[pl.ds(0, HCH)], dstb[b],
                              sem[b]).wait()

    issue(0, 0)
    issue(1, 1)
    pltpu.sync_copy(zeros_hbm, hist_v)
    ones = jnp.full((16,), 1.0, jnp.float32)
    nch = EPT // HCH

    def chunk(i2, _):
        for b in range(2):
            i = 2 * i2 + b
            wait(b)

            def vstep(j, _):
                d = dstb[b][pl.ds(j * 16, 16)]
                plsc.addupdate_scatter(hist_v, [d], ones)
                return 0

            lax.fori_loop(0, HCH // 16, vstep, 0, unroll=True)

            @pl.when(i + 2 <= nch - 1)
            def _():
                issue(i + 2, b)
        return 0

    lax.fori_loop(0, nch // 2, chunk, 0)
    wait(0)

    def vstep_last(j, _):
        d = dst0[pl.ds(j * 16, 16)]
        plsc.addupdate_scatter(hist_v, [d], ones)
        return 0

    lax.fori_loop(0, HCH // 16, vstep_last, 0, unroll=True)
    pltpu.sync_copy(hist_v, hist_out.at[wid])


def _hist(dst, zeros1):
    mesh = plsc.VectorSubcoreMesh(core_axis_name="c", subcore_axis_name="s")
    f = pl.kernel(
        _hist_body,
        out_type=jax.ShapeDtypeStruct((NTILES, B * M), jnp.float32),
        mesh=mesh,
        scratch_types=[
            pltpu.VMEM((HCH,), jnp.int32),
            pltpu.VMEM((HCH,), jnp.int32),
            pltpu.VMEM((B * M,), jnp.float32),
            pltpu.SemaphoreType.DMA,
            pltpu.SemaphoreType.DMA,
        ],
        compiler_params=pltpu.CompilerParams(needs_layout_passes=False),
    )
    return f(dst, zeros1)


UW = C
VW = C
ECH = 96
NCH = EPT // ECH
TAIL = EPT - NCH * ECH
_G2 = 1.5957691216057308
_GA = 0.044715


def _edge_chunk_compute(adj_b, u_rows, v_rows, a_sh, n_rows):

    def row(r, _):
        wv = u_rows[r, pl.ds(KH, 16)]
        for c4 in range(4):
            sl = pl.ds(c4 * 16, 16)
            z = u_rows[r, sl] + v_rows[r, sl]
            z2 = z * z
            y = _G2 * (z + _GA * z2 * z)
            g = z / (1.0 + jnp.exp(-y))
            u_rows[r, sl] = g * wv
        return 0

    lax.fori_loop(0, n_rows, row, 0)
    pltpu.sync_copy(u_rows, a_sh.at[adj_b], add=True)


def _edge_body(src_hbm, dst_hbm, u2_hbm, v2_hbm, zerosa_hbm,
               a_out,
               a_sh,
               src0, src1, dst0, dst1, adj0, adj1, u0, u1, v0, v1,
               src_t, dst_t, adj_t, u_t, v_t,
               sem_i0, sem_i1, sem_u0, sem_u1, sem_v0, sem_v1):
    c = lax.axis_index("c")
    s = lax.axis_index("s")
    wid = c * 16 + s
    base = wid * EPT
    coff = c * (N // 2)

    @pl.when(s < 5)
    def _():
        pltpu.sync_copy(zerosa_hbm.at[pl.ds(s * 1000, 1000)],
                        a_sh.at[pl.ds(s * 1000, 1000)])

    plsc.subcore_barrier()

    srcb = (src0, src1)
    dstb = (dst0, dst1)
    adjb = (adj0, adj1)
    ur = (u0, u1)
    vr = (v0, v1)

    def adj(b, n16):
        def vstep(j, _):
            sl = pl.ds(j * 16, 16)
            adjb[b][sl] = srcb[b][sl] - coff
            return 0
        lax.fori_loop(0, n16, vstep, 0, unroll=True)
    sem_i = (sem_i0, sem_i1)
    sem_u = (sem_u0, sem_u1)
    sem_v = (sem_v0, sem_v1)
    def issue_idx(ch, b):
        off = base + ch * ECH
        pltpu.async_copy(src_hbm.at[pl.ds(off, ECH)], srcb[b], sem_i[b])
        pltpu.async_copy(dst_hbm.at[pl.ds(off, ECH)], dstb[b], sem_i[b])

    def wait_idx(b):
        pltpu.make_async_copy(src_hbm.at[pl.ds(0, ECH)], srcb[b],
                              sem_i[b]).wait()
        pltpu.make_async_copy(dst_hbm.at[pl.ds(0, ECH)], dstb[b],
                              sem_i[b]).wait()

    def issue_gathers(b):
        pltpu.async_copy(u2_hbm.at[dstb[b]], ur[b], sem_u[b])
        pltpu.async_copy(v2_hbm.at[srcb[b]], vr[b], sem_v[b])

    def wait_gathers(b):
        pltpu.make_async_copy(u2_hbm.at[dstb[b]], ur[b], sem_u[b]).wait()
        pltpu.make_async_copy(v2_hbm.at[srcb[b]], vr[b], sem_v[b]).wait()

    pltpu.sync_copy(src_hbm.at[pl.ds(base, ECH)], srcb[0])
    pltpu.sync_copy(dst_hbm.at[pl.ds(base, ECH)], dstb[0])
    issue_gathers(0)
    adj(0, ECH // 16)
    issue_idx(1, 1)

    def pair(j, _):
        for b in range(2):
            ch = 2 * j + b
            nb = 1 - b
            @pl.when(ch + 1 <= NCH - 1)
            def _():
                wait_idx(nb)
                issue_gathers(nb)
                adj(nb, ECH // 16)

            wait_gathers(b)
            _edge_chunk_compute(adjb[b], ur[b], vr[b], a_sh, ECH)

            @pl.when(ch + 2 <= NCH - 1)
            def _():
                issue_idx(ch + 2, b)
        return 0

    lax.fori_loop(0, NCH // 2, pair, 0)
    toff = base + NCH * ECH
    pltpu.sync_copy(src_hbm.at[pl.ds(toff, TAIL)], src_t)
    pltpu.sync_copy(dst_hbm.at[pl.ds(toff, TAIL)], dst_t)
    pltpu.async_copy(u2_hbm.at[dst_t], u_t, sem_u0)
    pltpu.async_copy(v2_hbm.at[src_t], v_t, sem_v0)

    def tstep(j, _):
        sl = pl.ds(j * 16, 16)
        adj_t[sl] = src_t[sl] - coff
        return 0

    lax.fori_loop(0, TAIL // 16, tstep, 0, unroll=True)
    pltpu.make_async_copy(u2_hbm.at[dst_t], u_t, sem_u0).wait()
    pltpu.make_async_copy(v2_hbm.at[src_t], v_t, sem_v0).wait()
    _edge_chunk_compute(adj_t, u_t, v_t, a_sh, TAIL)

    plsc.subcore_barrier()

    @pl.when(s == 0)
    def _():
        pltpu.sync_copy(a_sh, a_out.at[c])


def _edge(src, dst, u2, v2, zerosa):
    mesh = plsc.VectorSubcoreMesh(core_axis_name="c", subcore_axis_name="s")
    f = pl.kernel(
        _edge_body,
        out_type=jax.ShapeDtypeStruct((2, N // 2, UW), jnp.float32),
        mesh=mesh,
        scratch_types=[
            pltpu.VMEM_SHARED((N // 2, UW), jnp.float32),
            pltpu.VMEM((ECH,), jnp.int32),
            pltpu.VMEM((ECH,), jnp.int32),
            pltpu.VMEM((ECH,), jnp.int32),
            pltpu.VMEM((ECH,), jnp.int32),
            pltpu.VMEM((ECH,), jnp.int32),
            pltpu.VMEM((ECH,), jnp.int32),
            pltpu.VMEM((ECH, UW), jnp.float32),
            pltpu.VMEM((ECH, UW), jnp.float32),
            pltpu.VMEM((ECH, VW), jnp.float32),
            pltpu.VMEM((ECH, VW), jnp.float32),
            pltpu.VMEM((TAIL,), jnp.int32),
            pltpu.VMEM((TAIL,), jnp.int32),
            pltpu.VMEM((TAIL,), jnp.int32),
            pltpu.VMEM((TAIL, UW), jnp.float32),
            pltpu.VMEM((TAIL, VW), jnp.float32),
            pltpu.SemaphoreType.DMA,
            pltpu.SemaphoreType.DMA,
            pltpu.SemaphoreType.DMA,
            pltpu.SemaphoreType.DMA,
            pltpu.SemaphoreType.DMA,
            pltpu.SemaphoreType.DMA,
        ],
        compiler_params=pltpu.CompilerParams(needs_layout_passes=False),
    )
    return f(src, dst, u2, v2, zerosa)


def _u2_body(lat8_ref, k8_ref, b_ref, hist_ref, o_ref):
    u = jnp.dot(lat8_ref[...], k8_ref[...],
                preferred_element_type=jnp.float32) + b_ref[...]
    cnt = jnp.sum(hist_ref[...], axis=0)
    w = 1.0 / jnp.maximum(cnt, 1.0)
    wrep = jnp.broadcast_to(w.reshape(u.shape[0], 1), (u.shape[0], 16))
    pad = jnp.zeros((u.shape[0], UW - KH - 16), jnp.float32)
    o_ref[...] = jnp.concatenate([u, wrep, pad], axis=1)


def _build_u2(lat8, kw1_8, kb1, hist_p):
    rows = 1024
    return pl.pallas_call(
        _u2_body,
        grid=(2, M // rows),
        in_specs=[
            pl.BlockSpec((rows, 8), lambda i, j: (j, 0)),
            pl.BlockSpec((8, KH), lambda i, j: (0, 0)),
            pl.BlockSpec((1, KH), lambda i, j: (0, 0)),
            pl.BlockSpec((NTILES, rows),
                         lambda i, j: (0, i * (M // rows) + j)),
        ],
        out_specs=pl.BlockSpec((rows, UW), lambda i, j: (i * (M // rows) + j, 0)),
        out_shape=jax.ShapeDtypeStruct((B * M, UW), jnp.float32),
    )(lat8, kw1_8, kb1, hist_p)


def _v2_body(pos8_ref, k8_ref, o_ref):
    v = -jnp.dot(pos8_ref[...], k8_ref[...], preferred_element_type=jnp.float32)
    pad = jnp.zeros((v.shape[0], VW - KH), jnp.float32)
    o_ref[...] = jnp.concatenate([v, pad], axis=1)


def _build_v2(pos8, kw1_8):
    return pl.pallas_call(
        _v2_body,
        grid=(N // ROWS,),
        in_specs=[
            pl.BlockSpec((ROWS, 8), lambda i: (i, 0)),
            pl.BlockSpec((8, KH), lambda i: (0, 0)),
        ],
        out_specs=pl.BlockSpec((ROWS, VW), lambda i: (i, 0)),
        out_shape=jax.ShapeDtypeStruct((N, VW), jnp.float32),
    )(pos8, kw1_8)


def _combine_body(x_ref, a_ref, bidx_ref, wl_ref, bl_ref, kw2_ref,
                  kb2_ref, y_ref, acc_ref):
    i = pl.program_id(0)

    @pl.when(i == 0)
    def _():
        acc_ref[...] = jnp.zeros_like(acc_ref)

    lifted = jnp.dot(x_ref[...], wl_ref[...],
                     preferred_element_type=jnp.float32) + bl_ref[...]
    a = a_ref[...]
    q = jnp.dot(a[:, :KH], kw2_ref[...], preferred_element_type=jnp.float32)
    cw = a[:, KH:KH + 1]
    r = q + cw * kb2_ref[...]
    prod = r * lifted
    bidx = bidx_ref[...]
    for b in range(B):
        mask = (bidx == b).astype(jnp.float32)
        acc_ref[b, :] += jnp.sum(prod * mask, axis=0)

    @pl.when(i == pl.num_programs(0) - 1)
    def _():
        y_ref[...] = acc_ref[...]


def _expand_body(y_ref, wout_ref, bout_ref, bidx_ref, out_ref):
    pooled = y_ref[...] * (1.0 / M)
    rows = jnp.dot(pooled, wout_ref[...],
                   preferred_element_type=jnp.float32) + bout_ref[...]
    bidx = bidx_ref[...]
    out_ref[...] = jnp.where(bidx == 0, rows[0, :][None, :], rows[1, :][None, :])


def kernel(x, pos, W_lift, b_lift, K_W1, K_b1, K_W2, K_b2, W_out, b_out,
           latent_tokens, edge_index, batch_idx):
    dst = edge_index[1]
    lat8 = jnp.pad(latent_tokens, ((0, 0), (0, 5)))
    pos8 = jnp.pad(pos, ((0, 0), (0, 5)))
    kw1_8 = jnp.pad(K_W1, ((0, 5), (0, 0)))
    zeros1 = jnp.zeros((B * M,), jnp.float32)
    zerosa = jnp.zeros((N // 2, UW), jnp.float32)

    hist_p = _hist(dst, zeros1)
    u2 = _build_u2(lat8, kw1_8, K_b1.reshape(1, KH), hist_p)
    v2 = _build_v2(pos8, kw1_8)
    a_p = _edge(edge_index[0], dst, u2, v2, zerosa)
    a_full = a_p.reshape(N, UW)

    bidx2d = batch_idx.reshape(N, 1)
    grid = N // ROWS
    y = pl.pallas_call(
        _combine_body,
        grid=(grid,),
        in_specs=[
            pl.BlockSpec((ROWS, 128), lambda i: (i, 0)),
            pl.BlockSpec((ROWS, UW), lambda i: (i, 0)),
            pl.BlockSpec((ROWS, 1), lambda i: (i, 0)),
            pl.BlockSpec((128, C), lambda i: (0, 0)),
            pl.BlockSpec((1, C), lambda i: (0, 0)),
            pl.BlockSpec((KH, C), lambda i: (0, 0)),
            pl.BlockSpec((1, C), lambda i: (0, 0)),
        ],
        out_specs=pl.BlockSpec((B, C), lambda i: (0, 0)),
        out_shape=jax.ShapeDtypeStruct((B, C), jnp.float32),
        scratch_shapes=[pltpu.VMEM((B, C), jnp.float32)],
    )(x, a_full, bidx2d, W_lift, b_lift.reshape(1, C), K_W2, K_b2.reshape(1, C))

    out = pl.pallas_call(
        _expand_body,
        grid=(grid,),
        in_specs=[
            pl.BlockSpec((B, C), lambda i: (0, 0)),
            pl.BlockSpec((C, OUT), lambda i: (0, 0)),
            pl.BlockSpec((1, OUT), lambda i: (0, 0)),
            pl.BlockSpec((ROWS, 1), lambda i: (i, 0)),
        ],
        out_specs=pl.BlockSpec((ROWS, OUT), lambda i: (i, 0)),
        out_shape=jax.ShapeDtypeStruct((N, OUT), jnp.float32),
    )(y, W_out, b_out.reshape(1, OUT), bidx2d)
    return out

# --- scband reference (transcript-rebuilt; emitter-appended) ---
"""Pipeline reference for scband-encoder-only-model-4380866642059 (READ-ONLY COPY).

The authoritative reference and input builder live on the scoring server;
editing this copy changes nothing except your own understanding.
"""

import jax, jax.numpy as jnp
import numpy as np

N = 10000
B = 2
D = H = W = 32
M = D * H * W
E = 320000
IN = 128
C = 128
OUT = 128
KH = 64


def setup_inputs(seed: int = 0) -> dict:
    key = jax.random.key(seed)
    ks = jax.random.split(key, 12)
    x = jax.random.normal(ks[0], (N, IN), dtype=jnp.float32)
    pos = jax.random.uniform(ks[1], (N, 3), dtype=jnp.float32, minval=-1.0, maxval=1.0)
    # sorted graph assignment (balanced, matching sorted_randint semantics)
    batch_idx = jnp.repeat(jnp.arange(B, dtype=jnp.int32), N // B)
    # edges connect physical nodes of graph g to latent tokens of graph g
    per = N // B
    graph_of_edge = jnp.repeat(jnp.arange(B, dtype=jnp.int32), E // B)
    src = jax.random.randint(ks[2], (E,), 0, per, dtype=jnp.int32) + graph_of_edge * per
    dst = jax.random.randint(ks[3], (E,), 0, M, dtype=jnp.int32) + graph_of_edge * M
    edge_index = jnp.stack([src, dst], axis=0)
    # latent token grid, as registered in __init__
    grid = jnp.stack(
        jnp.meshgrid(jnp.linspace(-1.0, 1.0, D), jnp.linspace(-1.0, 1.0, H), jnp.linspace(-1.0, 1.0, W), indexing='ij'),
        axis=-1,
    ).reshape(-1, 3).astype(jnp.float32)
    # learned parameters
    s = 0.05
    W_lift = jax.random.normal(ks[4], (IN, C), jnp.float32) * s
    b_lift = jnp.zeros((C,), jnp.float32)
    K_W1 = jax.random.normal(ks[5], (3, KH), jnp.float32) * 0.5
    K_b1 = jnp.zeros((KH,), jnp.float32)
    K_W2 = jax.random.normal(ks[6], (KH, C), jnp.float32) * s
    K_b2 = jnp.zeros((C,), jnp.float32)
    W_out = jax.random.normal(ks[7], (C, OUT), jnp.float32) * s
    b_out = jnp.zeros((OUT,), jnp.float32)
    return {
        'x': x, 'pos': pos,
        'W_lift': W_lift, 'b_lift': b_lift,
        'K_W1': K_W1, 'K_b1': K_b1, 'K_W2': K_W2, 'K_b2': K_b2,
        'W_out': W_out, 'b_out': b_out,
        'latent_tokens': grid,
        'edge_index': edge_index, 'batch_idx': batch_idx,
    }


def reference(x, pos, W_lift, b_lift, K_W1, K_b1, K_W2, K_b2, W_out, b_out, latent_tokens, edge_index, batch_idx):
    src = edge_index[0]
    dst = edge_index[1]
    # latent tokens repeated per-graph (B graphs)
    latent_pos = jnp.tile(latent_tokens, (B, 1))  # [B*M, 3]
    # GNOEncoder: lift node features, kernel-MLP on relative coords, mean-aggregate to latent tokens
    lifted = x @ W_lift + b_lift  # [N, C]
    rel = latent_pos[dst] - pos[src]  # [E, 3] gather
    h = jax.nn.gelu(rel @ K_W1 + K_b1)
    kern = h @ K_W2 + K_b2  # [E, C]
    msg = kern * lifted[src]  # gather + elementwise
    agg = jax.ops.segment_sum(msg, dst, num_segments=B * M)
    cnt = jax.ops.segment_sum(jnp.ones((msg.shape[0], 1), jnp.float32), dst, num_segments=B * M)
    mean = agg / jnp.maximum(cnt, 1.0)  # [B*M, C]
    rndata = mean.reshape(B, M, C)
    # global_mean_pool over latent tokens per graph
    pooled = rndata.mean(axis=1)  # [B, C]
    output = pooled @ W_out + b_out  # [B, OUT]
    # expand back to every physical node via batch assignment
    return output[batch_idx]  # [N, OUT]

if __name__ == "__main__":
    import jax
    _d = setup_inputs()
    print(jax.jit(kernel)(*tuple(_d.values())))

</pallas_src>

<mosaic_0001>
#map = affine_map<(d0, d1) -> (0)>
#map1 = affine_map<(d0, d1) -> (0, 0)>
module attributes {stable_mosaic.version = 14 : i64} {
  func.func @_hist_body(%arg0: i32, %arg1: i32, %arg2: memref<320000xi32, #tpu.memory_space<hbm>>, %arg3: memref<65536xf32, #tpu.memory_space<hbm>>, %arg4: memref<32x65536xf32, #tpu.memory_space<hbm>>, %arg5: memref<400xi32, #tpu.memory_space<vmem>>, %arg6: memref<400xi32, #tpu.memory_space<vmem>>, %arg7: memref<65536xf32, #tpu.memory_space<vmem>>, %arg8: memref<!tpu.dma_semaphore, #tpu.memory_space<semaphore_mem>>, %arg9: memref<!tpu.dma_semaphore, #tpu.memory_space<semaphore_mem>>) attributes {dimension_semantics = [#tpu.dimension_semantics<core_parallel>, #tpu.dimension_semantics<subcore_parallel>], iteration_bounds = array<i64: 2, 16>, scalar_prefetch = 0 : i64, scratch_operands = 5 : i64, tpu.core_type = #tpu.core_type<sc_vector_subcore>, window_params = [{transform_indices = #map}, {transform_indices = #map}, {transform_indices = #map1}]} {
    %mul3A = arith.constant 16 : i32
    %mul3A_0 = arith.muli %arg0, %mul3A : i32
    %add3A = arith.addi %mul3A_0, %arg1 : i32
    %mul3A_1 = arith.constant 10000 : i32
    %mul3A_2 = arith.muli %add3A, %mul3A_1 : i32
    %add3A_3 = arith.constant 0 : i32
    %add3A_4 = arith.addi %mul3A_2, %add3A_3 : i32
    %dma_start3A = tpu.memref_slice %arg2[%add3A_4] : memref<320000xi32, #tpu.memory_space<hbm>> -> memref<400xi32, #tpu.memory_space<hbm>>
    %dma_start3A_5 = tpu.memref_slice %arg2[%add3A_4] : memref<320000xi32, #tpu.memory_space<hbm>> -> memref<400xi32, #tpu.memory_space<hbm>>
    tpu.enqueue_dma source(%dma_start3A_5 : memref<400xi32, #tpu.memory_space<hbm>>) target(%arg5 : memref<400xi32, #tpu.memory_space<vmem>>) target_semaphore(%arg8 : memref<!tpu.dma_semaphore, #tpu.memory_space<semaphore_mem>>)
    %add3A_6 = arith.constant 400 : i32
    %add3A_7 = arith.addi %mul3A_2, %add3A_6 : i32
    %dma_start3A_8 = tpu.memref_slice %arg2[%add3A_7] : memref<320000xi32, #tpu.memory_space<hbm>> -> memref<400xi32, #tpu.memory_space<hbm>>
    %dma_start3A_9 = tpu.memref_slice %arg2[%add3A_7] : memref<320000xi32, #tpu.memory_space<hbm>> -> memref<400xi32, #tpu.memory_space<hbm>>
    tpu.enqueue_dma source(%dma_start3A_9 : memref<400xi32, #tpu.memory_space<hbm>>) target(%arg6 : memref<400xi32, #tpu.memory_space<vmem>>) target_semaphore(%arg9 : memref<!tpu.dma_semaphore, #tpu.memory_space<semaphore_mem>>)
    "tpu.region"() ({
      %run_scoped3A = tpu.sem_alloc : memref<!tpu.dma_semaphore, #tpu.memory_space<semaphore_mem>>
      tpu.enqueue_dma source(%arg3 : memref<65536xf32, #tpu.memory_space<hbm>>) target(%arg7 : memref<65536xf32, #tpu.memory_space<vmem>>) target_semaphore(%run_scoped3A : memref<!tpu.dma_semaphore, #tpu.memory_space<semaphore_mem>>)
      tpu.wait_dma2 semaphore(%run_scoped3A : memref<!tpu.dma_semaphore, #tpu.memory_space<semaphore_mem>>) src(%arg3 : memref<65536xf32, #tpu.memory_space<hbm>>) dst(%arg7 : memref<65536xf32, #tpu.memory_space<vmem>>)
      tpu.yield
    }) : () -> ()
    %broadcast_in_dim3A = arith.constant 1.000000e+00 : f32
    %broadcast_in_dim3A_10 = vector.broadcast %broadcast_in_dim3A : f32 to vector<16xf32>
    %scan3A = arith.constant 0 : i32
    %scan3A_11 = arith.constant 0 : i32
    %scan3A_12 = arith.constant 12 : i32
    %scan3A_13 = arith.addi %scan3A_11, %scan3A_12 : i32
    %scan3A_14 = arith.constant 1 : i32
    %scan3A_15 = scf.for %scan3A_171 = %scan3A_11 to %scan3A_13 step %scan3A_14 iter_args(%scan3A_172 = %scan3A) -> (i32)  : i32 {
      %mul3A_173 = arith.constant 2 : i32
      %mul3A_174 = arith.muli %mul3A_173, %scan3A_171 : i32
      %add3A_175 = arith.constant 0 : i32
      %add3A_176 = arith.addi %mul3A_174, %add3A_175 : i32
      %dma_wait3A_177 = arith.constant 0 : i32
      %dma_wait3A_178 = tpu.memref_slice %arg2[%dma_wait3A_177] : memref<320000xi32, #tpu.memory_space<hbm>> -> memref<400xi32, #tpu.memory_space<hbm>>
      %dma_wait3A_179 = arith.constant 0 : i32
      %dma_wait3A_180 = tpu.memref_slice %arg2[%dma_wait3A_179] : memref<320000xi32, #tpu.memory_space<hbm>> -> memref<400xi32, #tpu.memory_space<hbm>>
      tpu.wait_dma2 semaphore(%arg8 : memref<!tpu.dma_semaphore, #tpu.memory_space<semaphore_mem>>) src(%dma_wait3A_180 : memref<400xi32, #tpu.memory_space<hbm>>) dst(%arg5 : memref<400xi32, #tpu.memory_space<vmem>>)
      %scan3A_181 = arith.constant 0 : i32
      %scan3A_182 = arith.constant 0 : i32
      %mul3A_183 = arith.constant 16 : i32
      %mul3A_184 = arith.muli %scan3A_182, %mul3A_183 : i32
      %get3A_185 = arith.index_cast %mul3A_184 : i32 to index
      %get3A_186 = tpu.vector_load %arg5[%get3A_185] {strides = array<i32>} : memref<400xi32, #tpu.memory_space<vmem>>, vector<16xi32>,
      tpu.vector_store_idx %arg7[%get3A_186], %broadcast_in_dim3A_10 {add = true} : memref<65536xf32, #tpu.memory_space<vmem>>[vector<16xi32>], vector<16xf32>,
      %scan3A_187 = arith.constant 0 : i32
      %scan3A_188 = arith.constant 1 : i32
      %mul3A_189 = arith.constant 16 : i32
      %mul3A_190 = arith.muli %scan3A_188, %mul3A_189 : i32
      %get3A_191 = arith.index_cast %mul3A_190 : i32 to index
      %get3A_192 = tpu.vector_load %arg5[%get3A_191] {strides = array<i32>} : memref<400xi32, #tpu.memory_space<vmem>>, vector<16xi32>,
      tpu.vector_store_idx %arg7[%get3A_192], %broadcast_in_dim3A_10 {add = true} : memref<65536xf32, #tpu.memory_space<vmem>>[vector<16xi32>], vector<16xf32>,
      %scan3A_193 = arith.constant 0 : i32
      %scan3A_194 = arith.constant 2 : i32
      %mul3A_195 = arith.constant 16 : i32
      %mul3A_196 = arith.muli %scan3A_194, %mul3A_195 : i32
      %get3A_197 = arith.index_cast %mul3A_196 : i32 to index
      %get3A_198 = tpu.vector_load %arg5[%get3A_197] {strides = array<i32>} : memref<400xi32, #tpu.memory_space<vmem>>, vector<16xi32>,
      tpu.vector_store_idx %arg7[%get3A_198], %broadcast_in_dim3A_10 {add = true} : memref<65536xf32, #tpu.memory_space<vmem>>[vector<16xi32>], vector<16xf32>,
      %scan3A_199 = arith.constant 0 : i32
      %scan3A_200 = arith.constant 3 : i32
      %mul3A_201 = arith.constant 16 : i32
      %mul3A_202 = arith.muli %scan3A_200, %mul3A_201 : i32
      %get3A_203 = arith.index_cast %mul3A_202 : i32 to index
      %get3A_204 = tpu.vector_load %arg5[%get3A_203] {strides = array<i32>} : memref<400xi32, #tpu.memory_space<vmem>>, vector<16xi32>,
      tpu.vector_store_idx %arg7[%get3A_204], %broadcast_in_dim3A_10 {add = true} : memref<65536xf32, #tpu.memory_space<vmem>>[vector<16xi32>], vector<16xf32>,
      %scan3A_205 = arith.constant 0 : i32
      %scan3A_206 = arith.constant 4 : i32
      %mul3A_207 = arith.constant 16 : i32
      %mul3A_208 = arith.muli %scan3A_206, %mul3A_207 : i32
      %get3A_209 = arith.index_cast %mul3A_208 : i32 to index
      %get3A_210 = tpu.vector_load %arg5[%get3A_209] {strides = array<i32>} : memref<400xi32, #tpu.memory_space<vmem>>, vector<16xi32>,
      tpu.vector_store_idx %arg7[%get3A_210], %broadcast_in_dim3A_10 {add = true} : memref<65536xf32, #tpu.memory_space<vmem>>[vector<16xi32>], vector<16xf32>,
      %scan3A_211 = arith.constant 0 : i32
      %scan3A_212 = arith.constant 5 : i32
      %mul3A_213 = arith.constant 16 : i32
      %mul3A_214 = arith.muli %scan3A_212, %mul3A_213 : i32
      %get3A_215 = arith.index_cast %mul3A_214 : i32 to index
      %get3A_216 = tpu.vector_load %arg5[%get3A_215] {strides = array<i32>} : memref<400xi32, #tpu.memory_space<vmem>>, vector<16xi32>,
      tpu.vector_store_idx %arg7[%get3A_216], %broadcast_in_dim3A_10 {add = true} : memref<65536xf32, #tpu.memory_space<vmem>>[vector<16xi32>], vector<16xf32>,
      %scan3A_217 = arith.constant 0 : i32
      %scan3A_218 = arith.constant 6 : i32
      %mul3A_219 = arith.constant 16 : i32
      %mul3A_220 = arith.muli %scan3A_218, %mul3A_219 : i32
      %get3A_221 = arith.index_cast %mul3A_220 : i32 to index
      %get3A_222 = tpu.vector_load %arg5[%get3A_221] {strides = array<i32>} : memref<400xi32, #tpu.memory_space<vmem>>, vector<16xi32>,
      tpu.vector_store_idx %arg7[%get3A_222], %broadcast_in_dim3A_10 {add = true} : memref<65536xf32, #tpu.memory_space<vmem>>[vector<16xi32>], vector<16xf32>,
      %scan3A_223 = arith.constant 0 : i32
      %scan3A_224 = arith.constant 7 : i32
      %mul3A_225 = arith.constant 16 : i32
      %mul3A_226 = arith.muli %scan3A_224, %mul3A_225 : i32
      %get3A_227 = arith.index_cast %mul3A_226 : i32 to index
      %get3A_228 = tpu.vector_load %arg5[%get3A_227] {strides = array<i32>} : memref<400xi32, #tpu.memory_space<vmem>>, vector<16xi32>,
      tpu.vector_store_idx %arg7[%get3A_228], %broadcast_in_dim3A_10 {add = true} : memref<65536xf32, #tpu.memory_space<vmem>>[vector<16xi32>], vector<16xf32>,
      %scan3A_229 = arith.constant 0 : i32
      %scan3A_230 = arith.constant 8 : i32
      %mul3A_231 = arith.constant 16 : i32
      %mul3A_232 = arith.muli %scan3A_230, %mul3A_231 : i32
      %get3A_233 = arith.index_cast %mul3A_232 : i32 to index
      %get3A_234 = tpu.vector_load %arg5[%get3A_233] {strides = array<i32>} : memref<400xi32, #tpu.memory_space<vmem>>, vector<16xi32>,
      tpu.vector_store_idx %arg7[%get3A_234], %broadcast_in_dim3A_10 {add = true} : memref<65536xf32, #tpu.memory_space<vmem>>[vector<16xi32>], vector<16xf32>,
      %scan3A_235 = arith.constant 0 : i32
      %scan3A_236 = arith.constant 9 : i32
      %mul3A_237 = arith.constant 16 : i32
      %mul3A_238 = arith.muli %scan3A_236, %mul3A_237 : i32
      %get3A_239 = arith.index_cast %mul3A_238 : i32 to index
      %get3A_240 = tpu.vector_load %arg5[%get3A_239] {strides = array<i32>} : memref<400xi32, #tpu.memory_space<vmem>>, vector<16xi32>,
      tpu.vector_store_idx %arg7[%get3A_240], %broadcast_in_dim3A_10 {add = true} : memref<65536xf32, #tpu.memory_space<vmem>>[vector<16xi32>], vector<16xf32>,
      %scan3A_241 = arith.constant 0 : i32
      %scan3A_242 = arith.constant 10 : i32
      %mul3A_243 = arith.constant 16 : i32
      %mul3A_244 = arith.muli %scan3A_242, %mul3A_243 : i32
      %get3A_245 = arith.index_cast %mul3A_244 : i32 to index
      %get3A_246 = tpu.vector_load %arg5[%get3A_245] {strides = array<i32>} : memref<400xi32, #tpu.memory_space<vmem>>, vector<16xi32>,
      tpu.vector_store_idx %arg7[%get3A_246], %broadcast_in_dim3A_10 {add = true} : memref<65536xf32, #tpu.memory_space<vmem>>[vector<16xi32>], vector<16xf32>,
      %scan3A_247 = arith.constant 0 : i32
      %scan3A_248 = arith.constant 11 : i32
      %mul3A_249 = arith.constant 16 : i32
      %mul3A_250 = arith.muli %scan3A_248, %mul3A_249 : i32
      %get3A_251 = arith.index_cast %mul3A_250 : i32 to index
      %get3A_252 = tpu.vector_load %arg5[%get3A_251] {strides = array<i32>} : memref<400xi32, #tpu.memory_space<vmem>>, vector<16xi32>,
      tpu.vector_store_idx %arg7[%get3A_252], %broadcast_in_dim3A_10 {add = true} : memref<65536xf32, #tpu.memory_space<vmem>>[vector<16xi32>], vector<16xf32>,
      %scan3A_253 = arith.constant 0 : i32
      %scan3A_254 = arith.constant 12 : i32
      %mul3A_255 = arith.constant 16 : i32
      %mul3A_256 = arith.muli %scan3A_254, %mul3A_255 : i32
      %get3A_257 = arith.index_cast %mul3A_256 : i32 to index
      %get3A_258 = tpu.vector_load %arg5[%get3A_257] {strides = array<i32>} : memref<400xi32, #tpu.memory_space<vmem>>, vector<16xi32>,
      tpu.vector_store_idx %arg7[%get3A_258], %broadcast_in_dim3A_10 {add = true} : memref<65536xf32, #tpu.memory_space<vmem>>[vector<16xi32>], vector<16xf32>,
      %scan3A_259 = arith.constant 0 : i32
      %scan3A_260 = arith.constant 13 : i32
      %mul3A_261 = arith.constant 16 : i32
      %mul3A_262 = arith.muli %scan3A_260, %mul3A_261 : i32
      %get3A_263 = arith.index_cast %mul3A_262 : i32 to index
      %get3A_264 = tpu.vector_load %arg5[%get3A_263] {strides = array<i32>} : memref<400xi32, #tpu.memory_space<vmem>>, vector<16xi32>,
      tpu.vector_store_idx %arg7[%get3A_264], %broadcast_in_dim3A_10 {add = true} : memref<65536xf32, #tpu.memory_space<vmem>>[vector<16xi32>], vector<16xf32>,
      %scan3A_265 = arith.constant 0 : i32
      %scan3A_266 = arith.constant 14 : i32
      %mul3A_267 = arith.constant 16 : i32
      %mul3A_268 = arith.muli %scan3A_266, %mul3A_267 : i32
      %get3A_269 = arith.index_cast %mul3A_268 : i32 to index
      %get3A_270 = tpu.vector_load %arg5[%get3A_269] {strides = array<i32>} : memref<400xi32, #tpu.memory_space<vmem>>, vector<16xi32>,
      tpu.vector_store_idx %arg7[%get3A_270], %broadcast_in_dim3A_10 {add = true} : memref<65536xf32, #tpu.memory_space<vmem>>[vector<16xi32>], vector<16xf32>,
      %scan3A_271 = arith.constant 0 : i32
      %scan3A_272 = arith.constant 15 : i32
      %mul3A_273 = arith.constant 16 : i32
      %mul3A_274 = arith.muli %scan3A_272, %mul3A_273 : i32
      %get3A_275 = arith.index_cast %mul3A_274 : i32 to index
      %get3A_276 = tpu.vector_load %arg5[%get3A_275] {strides = array<i32>} : memref<400xi32, #tpu.memory_space<vmem>>, vector<16xi32>,
      tpu.vector_store_idx %arg7[%get3A_276], %broadcast_in_dim3A_10 {add = true} : memref<65536xf32, #tpu.memory_space<vmem>>[vector<16xi32>], vector<16xf32>,
      %scan3A_277 = arith.constant 0 : i32
      %scan3A_278 = arith.constant 16 : i32
      %mul3A_279 = arith.constant 16 : i32
      %mul3A_280 = arith.muli %scan3A_278, %mul3A_279 : i32
      %get3A_281 = arith.index_cast %mul3A_280 : i32 to index
      %get3A_282 = tpu.vector_load %arg5[%get3A_281] {strides = array<i32>} : memref<400xi32, #tpu.memory_space<vmem>>, vector<16xi32>,
      tpu.vector_store_idx %arg7[%get3A_282], %broadcast_in_dim3A_10 {add = true} : memref<65536xf32, #tpu.memory_space<vmem>>[vector<16xi32>], vector<16xf32>,
      %scan3A_283 = arith.constant 0 : i32
      %scan3A_284 = arith.constant 17 : i32
      %mul3A_285 = arith.constant 16 : i32
      %mul3A_286 = arith.muli %scan3A_284, %mul3A_285 : i32
      %get3A_287 = arith.index_cast %mul3A_286 : i32 to index
      %get3A_288 = tpu.vector_load %arg5[%get3A_287] {strides = array<i32>} : memref<400xi32, #tpu.memory_space<vmem>>, vector<16xi32>,
      tpu.vector_store_idx %arg7[%get3A_288], %broadcast_in_dim3A_10 {add = true} : memref<65536xf32, #tpu.memory_space<vmem>>[vector<16xi32>], vector<16xf32>,
      %scan3A_289 = arith.constant 0 : i32
      %scan3A_290 = arith.constant 18 : i32
      %mul3A_291 = arith.constant 16 : i32
      %mul3A_292 = arith.muli %scan3A_290, %mul3A_291 : i32
      %get3A_293 = arith.index_cast %mul3A_292 : i32 to index
      %get3A_294 = tpu.vector_load %arg5[%get3A_293] {strides = array<i32>} : memref<400xi32, #tpu.memory_space<vmem>>, vector<16xi32>,
      tpu.vector_store_idx %arg7[%get3A_294], %broadcast_in_dim3A_10 {add = true} : memref<65536xf32, #tpu.memory_space<vmem>>[vector<16xi32>], vector<16xf32>,
      %scan3A_295 = arith.constant 0 : i32
      %scan3A_296 = arith.constant 19 : i32
      %mul3A_297 = arith.constant 16 : i32
      %mul3A_298 = arith.muli %scan3A_296, %mul3A_297 : i32
      %get3A_299 = arith.index_cast %mul3A_298 : i32 to index
      %get3A_300 = tpu.vector_load %arg5[%get3A_299] {strides = array<i32>} : memref<400xi32, #tpu.memory_space<vmem>>, vector<16xi32>,
      tpu.vector_store_idx %arg7[%get3A_300], %broadcast_in_dim3A_10 {add = true} : memref<65536xf32, #tpu.memory_space<vmem>>[vector<16xi32>], vector<16xf32>,
      %scan3A_301 = arith.constant 0 : i32
      %scan3A_302 = arith.constant 20 : i32
      %mul3A_303 = arith.constant 16 : i32
      %mul3A_304 = arith.muli %scan3A_302, %mul3A_303 : i32
      %get3A_305 = arith.index_cast %mul3A_304 : i32 to index
      %get3A_306 = tpu.vector_load %arg5[%get3A_305] {strides = array<i32>} : memref<400xi32, #tpu.memory_space<vmem>>, vector<16xi32>,
      tpu.vector_store_idx %arg7[%get3A_306], %broadcast_in_dim3A_10 {add = true} : memref<65536xf32, #tpu.memory_space<vmem>>[vector<16xi32>], vector<16xf32>,
      %scan3A_307 = arith.constant 0 : i32
      %scan3A_308 = arith.constant 21 : i32
      %mul3A_309 = arith.constant 16 : i32
      %mul3A_310 = arith.muli %scan3A_308, %mul3A_309 : i32
      %get3A_311 = arith.index_cast %mul3A_310 : i32 to index
      %get3A_312 = tpu.vector_load %arg5[%get3A_311] {strides = array<i32>} : memref<400xi32, #tpu.memory_space<vmem>>, vector<16xi32>,
      tpu.vector_store_idx %arg7[%get3A_312], %broadcast_in_dim3A_10 {add = true} : memref<65536xf32, #tpu.memory_space<vmem>>[vector<16xi32>], vector<16xf32>,
      %scan3A_313 = arith.constant 0 : i32
      %scan3A_314 = arith.constant 22 : i32
      %mul3A_315 = arith.constant 16 : i32
      %mul3A_316 = arith.muli %scan3A_314, %mul3A_315 : i32
      %get3A_317 = arith.index_cast %mul3A_316 : i32 to index
      %get3A_318 = tpu.vector_load %arg5[%get3A_317] {strides = array<i32>} : memref<400xi32, #tpu.memory_space<vmem>>, vector<16xi32>,
      tpu.vector_store_idx %arg7[%get3A_318], %broadcast_in_dim3A_10 {add = true} : memref<65536xf32, #tpu.memory_space<vmem>>[vector<16xi32>], vector<16xf32>,
      %scan3A_319 = arith.constant 0 : i32
      %scan3A_320 = arith.constant 23 : i32
      %mul3A_321 = arith.constant 16 : i32
      %mul3A_322 = arith.muli %scan3A_320, %mul3A_321 : i32
      %get3A_323 = arith.index_cast %mul3A_322 : i32 to index
      %get3A_324 = tpu.vector_load %arg5[%get3A_323] {strides = array<i32>} : memref<400xi32, #tpu.memory_space<vmem>>, vector<16xi32>,
      tpu.vector_store_idx %arg7[%get3A_324], %broadcast_in_dim3A_10 {add = true} : memref<65536xf32, #tpu.memory_space<vmem>>[vector<16xi32>], vector<16xf32>,
      %scan3A_325 = arith.constant 0 : i32
      %scan3A_326 = arith.constant 24 : i32
      %mul3A_327 = arith.constant 16 : i32
      %mul3A_328 = arith.muli %scan3A_326, %mul3A_327 : i32
      %get3A_329 = arith.index_cast %mul3A_328 : i32 to index
      %get3A_330 = tpu.vector_load %arg5[%get3A_329] {strides = array<i32>} : memref<400xi32, #tpu.memory_space<vmem>>, vector<16xi32>,
      tpu.vector_store_idx %arg7[%get3A_330], %broadcast_in_dim3A_10 {add = true} : memref<65536xf32, #tpu.memory_space<vmem>>[vector<16xi32>], vector<16xf32>,
      %scan3A_331 = arith.constant 0 : i32
      %scan3A_332 = arith.constant 25 : i32
      %add3A_333 = arith.constant 2 : i32
      %add3A_334 = arith.addi %add3A_176, %add3A_333 : i32
      %le3A = arith.constant 24 : i32
      %le3A_335 = arith.cmpi sle, %add3A_334, %le3A : i32
      %convert_element_type3A = arith.extui %le3A_335 : i1 to i32
      %cond3A = arith.constant 0 : i32
      %cond3A_336 = arith.cmpi ne, %convert_element_type3A, %cond3A : i32
      scf.if %cond3A_336 {
        %add3A_505 = arith.constant 2 : i32
        %add3A_506 = arith.addi %add3A_176, %add3A_505 : i32
        %mul3A_507 = arith.constant 400 : i32
        %mul3A_508 = arith.muli %add3A_506, %mul3A_507 : i32
        %add3A_509 = arith.addi %mul3A_2, %mul3A_508 : i32
        %dma_start3A_510 = tpu.memref_slice %arg2[%add3A_509] : memref<320000xi32, #tpu.memory_space<hbm>> -> memref<400xi32, #tpu.memory_space<hbm>>
        %dma_start3A_511 = tpu.memref_slice %arg2[%add3A_509] : memref<320000xi32, #tpu.memory_space<hbm>> -> memref<400xi32, #tpu.memory_space<hbm>>
        tpu.enqueue_dma source(%dma_start3A_511 : memref<400xi32, #tpu.memory_space<hbm>>) target(%arg5 : memref<400xi32, #tpu.memory_space<vmem>>) target_semaphore(%arg8 : memref<!tpu.dma_semaphore, #tpu.memory_space<semaphore_mem>>)
      } else {
      }
      %mul3A_337 = arith.constant 2 : i32
      %mul3A_338 = arith.muli %mul3A_337, %scan3A_171 : i32
      %add3A_339 = arith.constant 1 : i32
      %add3A_340 = arith.addi %mul3A_338, %add3A_339 : i32
      %dma_wait3A_341 = arith.constant 0 : i32
      %dma_wait3A_342 = tpu.memref_slice %arg2[%dma_wait3A_341] : memref<320000xi32, #tpu.memory_space<hbm>> -> memref<400xi32, #tpu.memory_space<hbm>>
      %dma_wait3A_343 = arith.constant 0 : i32
      %dma_wait3A_344 = tpu.memref_slice %arg2[%dma_wait3A_343] : memref<320000xi32, #tpu.memory_space<hbm>> -> memref<400xi32, #tpu.memory_space<hbm>>
      tpu.wait_dma2 semaphore(%arg9 : memref<!tpu.dma_semaphore, #tpu.memory_space<semaphore_mem>>) src(%dma_wait3A_344 : memref<400xi32, #tpu.memory_space<hbm>>) dst(%arg6 : memref<400xi32, #tpu.memory_space<vmem>>)
      %scan3A_345 = arith.constant 0 : i32
      %scan3A_346 = arith.constant 0 : i32
      %mul3A_347 = arith.constant 16 : i32
      %mul3A_348 = arith.muli %scan3A_346, %mul3A_347 : i32
      %get3A_349 = arith.index_cast %mul3A_348 : i32 to index
      %get3A_350 = tpu.vector_load %arg6[%get3A_349] {strides = array<i32>} : memref<400xi32, #tpu.memory_space<vmem>>, vector<16xi32>,
      tpu.vector_store_idx %arg7[%get3A_350], %broadcast_in_dim3A_10 {add = true} : memref<65536xf32, #tpu.memory_space<vmem>>[vector<16xi32>], vector<16xf32>,
      %scan3A_351 = arith.constant 0 : i32
      %scan3A_352 = arith.constant 1 : i32
      %mul3A_353 = arith.constant 16 : i32
      %mul3A_354 = arith.muli %scan3A_352, %mul3A_353 : i32
      %get3A_355 = arith.index_cast %mul3A_354 : i32 to index
      %get3A_356 = tpu.vector_load %arg6[%get3A_355] {strides = array<i32>} : memref<400xi32, #tpu.memory_space<vmem>>, vector<16xi32>,
      tpu.vector_store_idx %arg7[%get3A_356], %broadcast_in_dim3A_10 {add = true} : memref<65536xf32, #tpu.memory_space<vmem>>[vector<16xi32>], vector<16xf32>,
      %scan3A_357 = arith.constant 0 : i32
      %scan3A_358 = arith.constant 2 : i32
      %mul3A_359 = arith.constant 16 : i32
      %mul3A_360 = arith.muli %scan3A_358, %mul3A_359 : i32
      %get3A_361 = arith.index_cast %mul3A_360 : i32 to index
      %get3A_362 = tpu.vector_load %arg6[%get3A_361] {strides = array<i32>} : memref<400xi32, #tpu.memory_space<vmem>>, vector<16xi32>,
      tpu.vector_store_idx %arg7[%get3A_362], %broadcast_in_dim3A_10 {add = true} : memref<65536xf32, #tpu.memory_space<vmem>>[vector<16xi32>], vector<16xf32>,
      %scan3A_363 = arith.constant 0 : i32
      %scan3A_364 = arith.constant 3 : i32
      %mul3A_365 = arith.constant 16 : i32
      %mul3A_366 = arith.muli %scan3A_364, %mul3A_365 : i32
      %get3A_367 = arith.index_cast %mul3A_366 : i32 to index
      %get3A_368 = tpu.vector_load %arg6[%get3A_367] {strides = array<i32>} : memref<400xi32, #tpu.memory_space<vmem>>, vector<16xi32>,
      tpu.vector_store_idx %arg7[%get3A_368], %broadcast_in_dim3A_10 {add = true} : memref<65536xf32, #tpu.memory_space<vmem>>[vector<16xi32>], vector<16xf32>,
      %scan3A_369 = arith.constant 0 : i32
      %scan3A_370 = arith.constant 4 : i32
      %mul3A_371 = arith.constant 16 : i32
      %mul3A_372 = arith.muli %scan3A_370, %mul3A_371 : i32
      %get3A_373 = arith.index_cast %mul3A_372 : i32 to index
      %get3A_374 = tpu.vector_load %arg6[%get3A_373] {strides = array<i32>} : memref<400xi32, #tpu.memory_space<vmem>>, vector<16xi32>,
      tpu.vector_store_idx %arg7[%get3A_374], %broadcast_in_dim3A_10 {add = true} : memref<65536xf32, #tpu.memory_space<vmem>>[vector<16xi32>], vector<16xf32>,
      %scan3A_375 = arith.constant 0 : i32
      %scan3A_376 = arith.constant 5 : i32
      %mul3A_377 = arith.constant 16 : i32
      %mul3A_378 = arith.muli %scan3A_376, %mul3A_377 : i32
      %get3A_379 = arith.index_cast %mul3A_378 : i32 to index
      %get3A_380 = tpu.vector_load %arg6[%get3A_379] {strides = array<i32>} : memref<400xi32, #tpu.memory_space<vmem>>, vector<16xi32>,
      tpu.vector_store_idx %arg7[%get3A_380], %broadcast_in_dim3A_10 {add = true} : memref<65536xf32, #tpu.memory_space<vmem>>[vector<16xi32>], vector<16xf32>,
      %scan3A_381 = arith.constant 0 : i32
      %scan3A_382 = arith.constant 6 : i32
      %mul3A_383 = arith.constant 16 : i32
      %mul3A_384 = arith.muli %scan3A_382, %mul3A_383 : i32
      %get3A_385 = arith.index_cast %mul3A_384 : i32 to index
      %get3A_386 = tpu.vector_load %arg6[%get3A_385] {strides = array<i32>} : memref<400xi32, #tpu.memory_space<vmem>>, vector<16xi32>,
      tpu.vector_store_idx %arg7[%get3A_386], %broadcast_in_dim3A_10 {add = true} : memref<65536xf32, #tpu.memory_space<vmem>>[vector<16xi32>], vector<16xf32>,
      %scan3A_387 = arith.constant 0 : i32
      %scan3A_388 = arith.constant 7 : i32
      %mul3A_389 = arith.constant 16 : i32
      %mul3A_390 = arith.muli %scan3A_388, %mul3A_389 : i32
      %get3A_391 = arith.index_cast %mul3A_390 : i32 to index
      %get3A_392 = tpu.vector_load %arg6[%get3A_391] {strides = array<i32>} : memref<400xi32, #tpu.memory_space<vmem>>, vector<16xi32>,
      tpu.vector_store_idx %arg7[%get3A_392], %broadcast_in_dim3A_10 {add = true} : memref<65536xf32, #tpu.memory_space<vmem>>[vector<16xi32>], vector<16xf32>,
      %scan3A_393 = arith.constant 0 : i32
      %scan3A_394 = arith.constant 8 : i32
      %mul3A_395 = arith.constant 16 : i32
      %mul3A_396 = arith.muli %scan3A_394, %mul3A_395 : i32
      %get3A_397 = arith.index_cast %mul3A_396 : i32 to index
      %get3A_398 = tpu.vector_load %arg6[%get3A_397] {strides = array<i32>} : memref<400xi32, #tpu.memory_space<vmem>>, vector<16xi32>,
      tpu.vector_store_idx %arg7[%get3A_398], %broadcast_in_dim3A_10 {add = true} : memref<65536xf32, #tpu.memory_space<vmem>>[vector<16xi32>], vector<16xf32>,
      %scan3A_399 = arith.constant 0 : i32
      %scan3A_400 = arith.constant 9 : i32
      %mul3A_401 = arith.constant 16 : i32
      %mul3A_402 = arith.muli %scan3A_400, %mul3A_401 : i32
      %get3A_403 = arith.index_cast %mul3A_402 : i32 to index
      %get3A_404 = tpu.vector_load %arg6[%get3A_403] {strides = array<i32>} : memref<400xi32, #tpu.memory_space<vmem>>, vector<16xi32>,
      tpu.vector_store_idx %arg7[%get3A_404], %broadcast_in_dim3A_10 {add = true} : memref<65536xf32, #tpu.memory_space<vmem>>[vector<16xi32>], vector<16xf32>,
      %scan3A_405 = arith.constant 0 : i32
      %scan3A_406 = arith.constant 10 : i32
      %mul3A_407 = arith.constant 16 : i32
      %mul3A_408 = arith.muli %scan3A_406, %mul3A_407 : i32
      %get3A_409 = arith.index_cast %mul3A_408 : i32 to index
      %get3A_410 = tpu.vector_load %arg6[%get3A_409] {strides = array<i32>} : memref<400xi32, #tpu.memory_space<vmem>>, vector<16xi32>,
      tpu.vector_store_idx %arg7[%get3A_410], %broadcast_in_dim3A_10 {add = true} : memref<65536xf32, #tpu.memory_space<vmem>>[vector<16xi32>], vector<16xf32>,
      %scan3A_411 = arith.constant 0 : i32
      %scan3A_412 = arith.constant 11 : i32
      %mul3A_413 = arith.constant 16 : i32
      %mul3A_414 = arith.muli %scan3A_412, %mul3A_413 : i32
      %get3A_415 = arith.index_cast %mul3A_414 : i32 to index
      %get3A_416 = tpu.vector_load %arg6[%get3A_415] {strides = array<i32>} : memref<400xi32, #tpu.memory_space<vmem>>, vector<16xi32>,
      tpu.vector_store_idx %arg7[%get3A_416], %broadcast_in_dim3A_10 {add = true} : memref<65536xf32, #tpu.memory_space<vmem>>[vector<16xi32>], vector<16xf32>,
      %scan3A_417 = arith.constant 0 : i32
      %scan3A_418 = arith.constant 12 : i32
      %mul3A_419 = arith.constant 16 : i32
      %mul3A_420 = arith.muli %scan3A_418, %mul3A_419 : i32
      %get3A_421 = arith.index_cast %mul3A_420 : i32 to index
      %get3A_422 = tpu.vector_load %arg6[%get3A_421] {strides = array<i32>} : memref<400xi32, #tpu.memory_space<vmem>>, vector<16xi32>,
      tpu.vector_store_idx %arg7[%get3A_422], %broadcast_in_dim3A_10 {add = true} : memref<65536xf32, #tpu.memory_space<vmem>>[vector<16xi32>], vector<16xf32>,
      %scan3A_423 = arith.constant 0 : i32
      %scan3A_424 = arith.constant 13 : i32
      %mul3A_425 = arith.constant 16 : i32
      %mul3A_426 = arith.muli %scan3A_424, %mul3A_425 : i32
      %get3A_427 = arith.index_cast %mul3A_426 : i32 to index
      %get3A_428 = tpu.vector_load %arg6[%get3A_427] {strides = array<i32>} : memref<400xi32, #tpu.memory_space<vmem>>, vector<16xi32>,
      tpu.vector_store_idx %arg7[%get3A_428], %broadcast_in_dim3A_10 {add = true} : memref<65536xf32, #tpu.memory_space<vmem>>[vector<16xi32>], vector<16xf32>,
      %scan3A_429 = arith.constant 0 : i32
      %scan3A_430 = arith.constant 14 : i32
      %mul3A_431 = arith.constant 16 : i32
      %mul3A_432 = arith.muli %scan3A_430, %mul3A_431 : i32
      %get3A_433 = arith.index_cast %mul3A_432 : i32 to index
      %get3A_434 = tpu.vector_load %arg6[%get3A_433] {strides = array<i32>} : memref<400xi32, #tpu.memory_space<vmem>>, vector<16xi32>,
      tpu.vector_store_idx %arg7[%get3A_434], %broadcast_in_dim3A_10 {add = true} : memref<65536xf32, #tpu.memory_space<vmem>>[vector<16xi32>], vector<16xf32>,
      %scan3A_435 = arith.constant 0 : i32
      %scan3A_436 = arith.constant 15 : i32
      %mul3A_437 = arith.constant 16 : i32
      %mul3A_438 = arith.muli %scan3A_436, %mul3A_437 : i32
      %get3A_439 = arith.index_cast %mul3A_438 : i32 to index
      %get3A_440 = tpu.vector_load %arg6[%get3A_439] {strides = array<i32>} : memref<400xi32, #tpu.memory_space<vmem>>, vector<16xi32>,
      tpu.vector_store_idx %arg7[%get3A_440], %broadcast_in_dim3A_10 {add = true} : memref<65536xf32, #tpu.memory_space<vmem>>[vector<16xi32>], vector<16xf32>,
      %scan3A_441 = arith.constant 0 : i32
      %scan3A_442 = arith.constant 16 : i32
      %mul3A_443 = arith.constant 16 : i32
      %mul3A_444 = arith.muli %scan3A_442, %mul3A_443 : i32
      %get3A_445 = arith.index_cast %mul3A_444 : i32 to index
      %get3A_446 = tpu.vector_load %arg6[%get3A_445] {strides = array<i32>} : memref<400xi32, #tpu.memory_space<vmem>>, vector<16xi32>,
      tpu.vector_store_idx %arg7[%get3A_446], %broadcast_in_dim3A_10 {add = true} : memref<65536xf32, #tpu.memory_space<vmem>>[vector<16xi32>], vector<16xf32>,
      %scan3A_447 = arith.constant 0 : i32
      %scan3A_448 = arith.constant 17 : i32
      %mul3A_449 = arith.constant 16 : i32
      %mul3A_450 = arith.muli %scan3A_448, %mul3A_449 : i32
      %get3A_451 = arith.index_cast %mul3A_450 : i32 to index
      %get3A_452 = tpu.vector_load %arg6[%get3A_451] {strides = array<i32>} : memref<400xi32, #tpu.memory_space<vmem>>, vector<16xi32>,
      tpu.vector_store_idx %arg7[%get3A_452], %broadcast_in_dim3A_10 {add = true} : memref<65536xf32, #tpu.memory_space<vmem>>[vector<16xi32>], vector<16xf32>,
      %scan3A_453 = arith.constant 0 : i32
      %scan3A_454 = arith.constant 18 : i32
      %mul3A_455 = arith.constant 16 : i32
      %mul3A_456 = arith.muli %scan3A_454, %mul3A_455 : i32
      %get3A_457 = arith.index_cast %mul3A_456 : i32 to index
      %get3A_458 = tpu.vector_load %arg6[%get3A_457] {strides = array<i32>} : memref<400xi32, #tpu.memory_space<vmem>>, vector<16xi32>,
      tpu.vector_store_idx %arg7[%get3A_458], %broadcast_in_dim3A_10 {add = true} : memref<65536xf32, #tpu.memory_space<vmem>>[vector<16xi32>], vector<16xf32>,
      %scan3A_459 = arith.constant 0 : i32
      %scan3A_460 = arith.constant 19 : i32
      %mul3A_461 = arith.constant 16 : i32
      %mul3A_462 = arith.muli %scan3A_460, %mul3A_461 : i32
      %get3A_463 = arith.index_cast %mul3A_462 : i32 to index
      %get3A_464 = tpu.vector_load %arg6[%get3A_463] {strides = array<i32>} : memref<400xi32, #tpu.memory_space<vmem>>, vector<16xi32>,
      tpu.vector_store_idx %arg7[%get3A_464], %broadcast_in_dim3A_10 {add = true} : memref<65536xf32, #tpu.memory_space<vmem>>[vector<16xi32>], vector<16xf32>,
      %scan3A_465 = arith.constant 0 : i32
      %scan3A_466 = arith.constant 20 : i32
      %mul3A_467 = arith.constant 16 : i32
      %mul3A_468 = arith.muli %scan3A_466, %mul3A_467 : i32
      %get3A_469 = arith.index_cast %mul3A_468 : i32 to index
      %get3A_470 = tpu.vector_load %arg6[%get3A_469] {strides = array<i32>} : memref<400xi32, #tpu.memory_space<vmem>>, vector<16xi32>,
      tpu.vector_store_idx %arg7[%get3A_470], %broadcast_in_dim3A_10 {add = true} : memref<65536xf32, #tpu.memory_space<vmem>>[vector<16xi32>], vector<16xf32>,
      %scan3A_471 = arith.constant 0 : i32
      %scan3A_472 = arith.constant 21 : i32
      %mul3A_473 = arith.constant 16 : i32
      %mul3A_474 = arith.muli %scan3A_472, %mul3A_473 : i32
      %get3A_475 = arith.index_cast %mul3A_474 : i32 to index
      %get3A_476 = tpu.vector_load %arg6[%get3A_475] {strides = array<i32>} : memref<400xi32, #tpu.memory_space<vmem>>, vector<16xi32>,
      tpu.vector_store_idx %arg7[%get3A_476], %broadcast_in_dim3A_10 {add = true} : memref<65536xf32, #tpu.memory_space<vmem>>[vector<16xi32>], vector<16xf32>,
      %scan3A_477 = arith.constant 0 : i32
      %scan3A_478 = arith.constant 22 : i32
      %mul3A_479 = arith.constant 16 : i32
      %mul3A_480 = arith.muli %scan3A_478, %mul3A_479 : i32
      %get3A_481 = arith.index_cast %mul3A_480 : i32 to index
      %get3A_482 = tpu.vector_load %arg6[%get3A_481] {strides = array<i32>} : memref<400xi32, #tpu.memory_space<vmem>>, vector<16xi32>,
      tpu.vector_store_idx %arg7[%get3A_482], %broadcast_in_dim3A_10 {add = true} : memref<65536xf32, #tpu.memory_space<vmem>>[vector<16xi32>], vector<16xf32>,
      %scan3A_483 = arith.constant 0 : i32
      %scan3A_484 = arith.constant 23 : i32
      %mul3A_485 = arith.constant 16 : i32
      %mul3A_486 = arith.muli %scan3A_484, %mul3A_485 : i32
      %get3A_487 = arith.index_cast %mul3A_486 : i32 to index
      %get3A_488 = tpu.vector_load %arg6[%get3A_487] {strides = array<i32>} : memref<400xi32, #tpu.memory_space<vmem>>, vector<16xi32>,
      tpu.vector_store_idx %arg7[%get3A_488], %broadcast_in_dim3A_10 {add = true} : memref<65536xf32, #tpu.memory_space<vmem>>[vector<16xi32>], vector<16xf32>,
      %scan3A_489 = arith.constant 0 : i32
      %scan3A_490 = arith.constant 24 : i32
      %mul3A_491 = arith.constant 16 : i32
      %mul3A_492 = arith.muli %scan3A_490, %mul3A_491 : i32
      %get3A_493 = arith.index_cast %mul3A_492 : i32 to index
      %get3A_494 = tpu.vector_load %arg6[%get3A_493] {strides = array<i32>} : memref<400xi32, #tpu.memory_space<vmem>>, vector<16xi32>,
      tpu.vector_store_idx %arg7[%get3A_494], %broadcast_in_dim3A_10 {add = true} : memref<65536xf32, #tpu.memory_space<vmem>>[vector<16xi32>], vector<16xf32>,
      %scan3A_495 = arith.constant 0 : i32
      %scan3A_496 = arith.constant 25 : i32
      %add3A_497 = arith.constant 2 : i32
      %add3A_498 = arith.addi %add3A_340, %add3A_497 : i32
      %le3A_499 = arith.constant 24 : i32
      %le3A_500 = arith.cmpi sle, %add3A_498, %le3A_499 : i32
      %convert_element_type3A_501 = arith.extui %le3A_500 : i1 to i32
      %cond3A_502 = arith.constant 0 : i32
      %cond3A_503 = arith.cmpi ne, %convert_element_type3A_501, %cond3A_502 : i32
      scf.if %cond3A_503 {
        %add3A_505 = arith.constant 2 : i32
        %add3A_506 = arith.addi %add3A_340, %add3A_505 : i32
        %mul3A_507 = arith.constant 400 : i32
        %mul3A_508 = arith.muli %add3A_506, %mul3A_507 : i32
        %add3A_509 = arith.addi %mul3A_2, %mul3A_508 : i32
        %dma_start3A_510 = tpu.memref_slice %arg2[%add3A_509] : memref<320000xi32, #tpu.memory_space<hbm>> -> memref<400xi32, #tpu.memory_space<hbm>>
        %dma_start3A_511 = tpu.memref_slice %arg2[%add3A_509] : memref<320000xi32, #tpu.memory_space<hbm>> -> memref<400xi32, #tpu.memory_space<hbm>>
        tpu.enqueue_dma source(%dma_start3A_511 : memref<400xi32, #tpu.memory_space<hbm>>) target(%arg6 : memref<400xi32, #tpu.memory_space<vmem>>) target_semaphore(%arg9 : memref<!tpu.dma_semaphore, #tpu.memory_space<semaphore_mem>>)
      } else {
      }
      %scan3A_504 = arith.constant 0 : i32
      scf.yield %scan3A_504 : i32
    }
    %scan3A_16 = arith.constant 12 : i32
    %dma_wait3A = arith.constant 0 : i32
    %dma_wait3A_17 = tpu.memref_slice %arg2[%dma_wait3A] : memref<320000xi32, #tpu.memory_space<hbm>> -> memref<400xi32, #tpu.memory_space<hbm>>
    %dma_wait3A_18 = arith.constant 0 : i32
    %dma_wait3A_19 = tpu.memref_slice %arg2[%dma_wait3A_18] : memref<320000xi32, #tpu.memory_space<hbm>> -> memref<400xi32, #tpu.memory_space<hbm>>
    tpu.wait_dma2 semaphore(%arg8 : memref<!tpu.dma_semaphore, #tpu.memory_space<semaphore_mem>>) src(%dma_wait3A_19 : memref<400xi32, #tpu.memory_space<hbm>>) dst(%arg5 : memref<400xi32, #tpu.memory_space<vmem>>)
    %scan3A_20 = arith.constant 0 : i32
    %scan3A_21 = arith.constant 0 : i32
    %mul3A_22 = arith.constant 16 : i32
    %mul3A_23 = arith.muli %scan3A_21, %mul3A_22 : i32
    %get3A = arith.index_cast %mul3A_23 : i32 to index
    %get3A_24 = tpu.vector_load %arg5[%get3A] {strides = array<i32>} : memref<400xi32, #tpu.memory_space<vmem>>, vector<16xi32>,
    tpu.vector_store_idx %arg7[%get3A_24], %broadcast_in_dim3A_10 {add = true} : memref<65536xf32, #tpu.memory_space<vmem>>[vector<16xi32>], vector<16xf32>,
    %scan3A_25 = arith.constant 0 : i32
    %scan3A_26 = arith.constant 1 : i32
    %mul3A_27 = arith.constant 16 : i32
    %mul3A_28 = arith.muli %scan3A_26, %mul3A_27 : i32
    %get3A_29 = arith.index_cast %mul3A_28 : i32 to index
    %get3A_30 = tpu.vector_load %arg5[%get3A_29] {strides = array<i32>} : memref<400xi32, #tpu.memory_space<vmem>>, vector<16xi32>,
    tpu.vector_store_idx %arg7[%get3A_30], %broadcast_in_dim3A_10 {add = true} : memref<65536xf32, #tpu.memory_space<vmem>>[vector<16xi32>], vector<16xf32>,
    %scan3A_31 = arith.constant 0 : i32
    %scan3A_32 = arith.constant 2 : i32
    %mul3A_33 = arith.constant 16 : i32
    %mul3A_34 = arith.muli %scan3A_32, %mul3A_33 : i32
    %get3A_35 = arith.index_cast %mul3A_34 : i32 to index
    %get3A_36 = tpu.vector_load %arg5[%get3A_35] {strides = array<i32>} : memref<400xi32, #tpu.memory_space<vmem>>, vector<16xi32>,
    tpu.vector_store_idx %arg7[%get3A_36], %broadcast_in_dim3A_10 {add = true} : memref<65536xf32, #tpu.memory_space<vmem>>[vector<16xi32>], vector<16xf32>,
    %scan3A_37 = arith.constant 0 : i32
    %scan3A_38 = arith.constant 3 : i32
    %mul3A_39 = arith.constant 16 : i32
    %mul3A_40 = arith.muli %scan3A_38, %mul3A_39 : i32
    %get3A_41 = arith.index_cast %mul3A_40 : i32 to index
    %get3A_42 = tpu.vector_load %arg5[%get3A_41] {strides = array<i32>} : memref<400xi32, #tpu.memory_space<vmem>>, vector<16xi32>,
    tpu.vector_store_idx %arg7[%get3A_42], %broadcast_in_dim3A_10 {add = true} : memref<65536xf32, #tpu.memory_space<vmem>>[vector<16xi32>], vector<16xf32>,
    %scan3A_43 = arith.constant 0 : i32
    %scan3A_44 = arith.constant 4 : i32
    %mul3A_45 = arith.constant 16 : i32
    %mul3A_46 = arith.muli %scan3A_44, %mul3A_45 : i32
    %get3A_47 = arith.index_cast %mul3A_46 : i32 to index
    %get3A_48 = tpu.vector_load %arg5[%get3A_47] {strides = array<i32>} : memref<400xi32, #tpu.memory_space<vmem>>, vector<16xi32>,
    tpu.vector_store_idx %arg7[%get3A_48], %broadcast_in_dim3A_10 {add = true} : memref<65536xf32, #tpu.memory_space<vmem>>[vector<16xi32>], vector<16xf32>,
    %scan3A_49 = arith.constant 0 : i32
    %scan3A_50 = arith.constant 5 : i32
    %mul3A_51 = arith.constant 16 : i32
    %mul3A_52 = arith.muli %scan3A_50, %mul3A_51 : i32
    %get3A_53 = arith.index_cast %mul3A_52 : i32 to index
    %get3A_54 = tpu.vector_load %arg5[%get3A_53] {strides = array<i32>} : memref<400xi32, #tpu.memory_space<vmem>>, vector<16xi32>,
    tpu.vector_store_idx %arg7[%get3A_54], %broadcast_in_dim3A_10 {add = true} : memref<65536xf32, #tpu.memory_space<vmem>>[vector<16xi32>], vector<16xf32>,
    %scan3A_55 = arith.constant 0 : i32
    %scan3A_56 = arith.constant 6 : i32
    %mul3A_57 = arith.constant 16 : i32
    %mul3A_58 = arith.muli %scan3A_56, %mul3A_57 : i32
    %get3A_59 = arith.index_cast %mul3A_58 : i32 to index
    %get3A_60 = tpu.vector_load %arg5[%get3A_59] {strides = array<i32>} : memref<400xi32, #tpu.memory_space<vmem>>, vector<16xi32>,
    tpu.vector_store_idx %arg7[%get3A_60], %broadcast_in_dim3A_10 {add = true} : memref<65536xf32, #tpu.memory_space<vmem>>[vector<16xi32>], vector<16xf32>,
    %scan3A_61 = arith.constant 0 : i32
    %scan3A_62 = arith.constant 7 : i32
    %mul3A_63 = arith.constant 16 : i32
    %mul3A_64 = arith.muli %scan3A_62, %mul3A_63 : i32
    %get3A_65 = arith.index_cast %mul3A_64 : i32 to index
    %get3A_66 = tpu.vector_load %arg5[%get3A_65] {strides = array<i32>} : memref<400xi32, #tpu.memory_space<vmem>>, vector<16xi32>,
    tpu.vector_store_idx %arg7[%get3A_66], %broadcast_in_dim3A_10 {add = true} : memref<65536xf32, #tpu.memory_space<vmem>>[vector<16xi32>], vector<16xf32>,
    %scan3A_67 = arith.constant 0 : i32
    %scan3A_68 = arith.constant 8 : i32
    %mul3A_69 = arith.constant 16 : i32
    %mul3A_70 = arith.muli %scan3A_68, %mul3A_69 : i32
    %get3A_71 = arith.index_cast %mul3A_70 : i32 to index
    %get3A_72 = tpu.vector_load %arg5[%get3A_71] {strides = array<i32>} : memref<400xi32, #tpu.memory_space<vmem>>, vector<16xi32>,
    tpu.vector_store_idx %arg7[%get3A_72], %broadcast_in_dim3A_10 {add = true} : memref<65536xf32, #tpu.memory_space<vmem>>[vector<16xi32>], vector<16xf32>,
    %scan3A_73 = arith.constant 0 : i32
    %scan3A_74 = arith.constant 9 : i32
    %mul3A_75 = arith.constant 16 : i32
    %mul3A_76 = arith.muli %scan3A_74, %mul3A_75 : i32
    %get3A_77 = arith.index_cast %mul3A_76 : i32 to index
    %get3A_78 = tpu.vector_load %arg5[%get3A_77] {strides = array<i32>} : memref<400xi32, #tpu.memory_space<vmem>>, vector<16xi32>,
    tpu.vector_store_idx %arg7[%get3A_78], %broadcast_in_dim3A_10 {add = true} : memref<65536xf32, #tpu.memory_space<vmem>>[vector<16xi32>], vector<16xf32>,
    %scan3A_79 = arith.constant 0 : i32
    %scan3A_80 = arith.constant 10 : i32
    %mul3A_81 = arith.constant 16 : i32
    %mul3A_82 = arith.muli %scan3A_80, %mul3A_81 : i32
    %get3A_83 = arith.index_cast %mul3A_82 : i32 to index
    %get3A_84 = tpu.vector_load %arg5[%get3A_83] {strides = array<i32>} : memref<400xi32, #tpu.memory_space<vmem>>, vector<16xi32>,
    tpu.vector_store_idx %arg7[%get3A_84], %broadcast_in_dim3A_10 {add = true} : memref<65536xf32, #tpu.memory_space<vmem>>[vector<16xi32>], vector<16xf32>,
    %scan3A_85 = arith.constant 0 : i32
    %scan3A_86 = arith.constant 11 : i32
    %mul3A_87 = arith.constant 16 : i32
    %mul3A_88 = arith.muli %scan3A_86, %mul3A_87 : i32
    %get3A_89 = arith.index_cast %mul3A_88 : i32 to index
    %get3A_90 = tpu.vector_load %arg5[%get3A_89] {strides = array<i32>} : memref<400xi32, #tpu.memory_space<vmem>>, vector<16xi32>,
    tpu.vector_store_idx %arg7[%get3A_90], %broadcast_in_dim3A_10 {add = true} : memref<65536xf32, #tpu.memory_space<vmem>>[vector<16xi32>], vector<16xf32>,
    %scan3A_91 = arith.constant 0 : i32
    %scan3A_92 = arith.constant 12 : i32
    %mul3A_93 = arith.constant 16 : i32
    %mul3A_94 = arith.muli %scan3A_92, %mul3A_93 : i32
    %get3A_95 = arith.index_cast %mul3A_94 : i32 to index
    %get3A_96 = tpu.vector_load %arg5[%get3A_95] {strides = array<i32>} : memref<400xi32, #tpu.memory_space<vmem>>, vector<16xi32>,
    tpu.vector_store_idx %arg7[%get3A_96], %broadcast_in_dim3A_10 {add = true} : memref<65536xf32, #tpu.memory_space<vmem>>[vector<16xi32>], vector<16xf32>,
    %scan3A_97 = arith.constant 0 : i32
    %scan3A_98 = arith.constant 13 : i32
    %mul3A_99 = arith.constant 16 : i32
    %mul3A_100 = arith.muli %scan3A_98, %mul3A_99 : i32
    %get3A_101 = arith.index_cast %mul3A_100 : i32 to index
    %get3A_102 = tpu.vector_load %arg5[%get3A_101] {strides = array<i32>} : memref<400xi32, #tpu.memory_space<vmem>>, vector<16xi32>,
    tpu.vector_store_idx %arg7[%get3A_102], %broadcast_in_dim3A_10 {add = true} : memref<65536xf32, #tpu.memory_space<vmem>>[vector<16xi32>], vector<16xf32>,
    %scan3A_103 = arith.constant 0 : i32
    %scan3A_104 = arith.constant 14 : i32
    %mul3A_105 = arith.constant 16 : i32
    %mul3A_106 = arith.muli %scan3A_104, %mul3A_105 : i32
    %get3A_107 = arith.index_cast %mul3A_106 : i32 to index
    %get3A_108 = tpu.vector_load %arg5[%get3A_107] {strides = array<i32>} : memref<400xi32, #tpu.memory_space<vmem>>, vector<16xi32>,
    tpu.vector_store_idx %arg7[%get3A_108], %broadcast_in_dim3A_10 {add = true} : memref<65536xf32, #tpu.memory_space<vmem>>[vector<16xi32>], vector<16xf32>,
    %scan3A_109 = arith.constant 0 : i32
    %scan3A_110 = arith.constant 15 : i32
    %mul3A_111 = arith.constant 16 : i32
    %mul3A_112 = arith.muli %scan3A_110, %mul3A_111 : i32
    %get3A_113 = arith.index_cast %mul3A_112 : i32 to index
    %get3A_114 = tpu.vector_load %arg5[%get3A_113] {strides = array<i32>} : memref<400xi32, #tpu.memory_space<vmem>>, vector<16xi32>,
    tpu.vector_store_idx %arg7[%get3A_114], %broadcast_in_dim3A_10 {add = true} : memref<65536xf32, #tpu.memory_space<vmem>>[vector<16xi32>], vector<16xf32>,
    %scan3A_115 = arith.constant 0 : i32
    %scan3A_116 = arith.constant 16 : i32
    %mul3A_117 = arith.constant 16 : i32
    %mul3A_118 = arith.muli %scan3A_116, %mul3A_117 : i32
    %get3A_119 = arith.index_cast %mul3A_118 : i32 to index
    %get3A_120 = tpu.vector_load %arg5[%get3A_119] {strides = array<i32>} : memref<400xi32, #tpu.memory_space<vmem>>, vector<16xi32>,
    tpu.vector_store_idx %arg7[%get3A_120], %broadcast_in_dim3A_10 {add = true} : memref<65536xf32, #tpu.memory_space<vmem>>[vector<16xi32>], vector<16xf32>,
    %scan3A_121 = arith.constant 0 : i32
    %scan3A_122 = arith.constant 17 : i32
    %mul3A_123 = arith.constant 16 : i32
    %mul3A_124 = arith.muli %scan3A_122, %mul3A_123 : i32
    %get3A_125 = arith.index_cast %mul3A_124 : i32 to index
    %get3A_126 = tpu.vector_load %arg5[%get3A_125] {strides = array<i32>} : memref<400xi32, #tpu.memory_space<vmem>>, vector<16xi32>,
    tpu.vector_store_idx %arg7[%get3A_126], %broadcast_in_dim3A_10 {add = true} : memref<65536xf32, #tpu.memory_space<vmem>>[vector<16xi32>], vector<16xf32>,
    %scan3A_127 = arith.constant 0 : i32
    %scan3A_128 = arith.constant 18 : i32
    %mul3A_129 = arith.constant 16 : i32
    %mul3A_130 = arith.muli %scan3A_128, %mul3A_129 : i32
    %get3A_131 = arith.index_cast %mul3A_130 : i32 to index
    %get3A_132 = tpu.vector_load %arg5[%get3A_131] {strides = array<i32>} : memref<400xi32, #tpu.memory_space<vmem>>, vector<16xi32>,
    tpu.vector_store_idx %arg7[%get3A_132], %broadcast_in_dim3A_10 {add = true} : memref<65536xf32, #tpu.memory_space<vmem>>[vector<16xi32>], vector<16xf32>,
    %scan3A_133 = arith.constant 0 : i32
    %scan3A_134 = arith.constant 19 : i32
    %mul3A_135 = arith.constant 16 : i32
    %mul3A_136 = arith.muli %scan3A_134, %mul3A_135 : i32
    %get3A_137 = arith.index_cast %mul3A_136 : i32 to index
    %get3A_138 = tpu.vector_load %arg5[%get3A_137] {strides = array<i32>} : memref<400xi32, #tpu.memory_space<vmem>>, vector<16xi32>,
    tpu.vector_store_idx %arg7[%get3A_138], %broadcast_in_dim3A_10 {add = true} : memref<65536xf32, #tpu.memory_space<vmem>>[vector<16xi32>], vector<16xf32>,
    %scan3A_139 = arith.constant 0 : i32
    %scan3A_140 = arith.constant 20 : i32
    %mul3A_141 = arith.constant 16 : i32
    %mul3A_142 = arith.muli %scan3A_140, %mul3A_141 : i32
    %get3A_143 = arith.index_cast %mul3A_142 : i32 to index
    %get3A_144 = tpu.vector_load %arg5[%get3A_143] {strides = array<i32>} : memref<400xi32, #tpu.memory_space<vmem>>, vector<16xi32>,
    tpu.vector_store_idx %arg7[%get3A_144], %broadcast_in_dim3A_10 {add = true} : memref<65536xf32, #tpu.memory_space<vmem>>[vector<16xi32>], vector<16xf32>,
    %scan3A_145 = arith.constant 0 : i32
    %scan3A_146 = arith.constant 21 : i32
    %mul3A_147 = arith.constant 16 : i32
    %mul3A_148 = arith.muli %scan3A_146, %mul3A_147 : i32
    %get3A_149 = arith.index_cast %mul3A_148 : i32 to index
    %get3A_150 = tpu.vector_load %arg5[%get3A_149] {strides = array<i32>} : memref<400xi32, #tpu.memory_space<vmem>>, vector<16xi32>,
    tpu.vector_store_idx %arg7[%get3A_150], %broadcast_in_dim3A_10 {add = true} : memref<65536xf32, #tpu.memory_space<vmem>>[vector<16xi32>], vector<16xf32>,
    %scan3A_151 = arith.constant 0 : i32
    %scan3A_152 = arith.constant 22 : i32
    %mul3A_153 = arith.constant 16 : i32
    %mul3A_154 = arith.muli %scan3A_152, %mul3A_153 : i32
    %get3A_155 = arith.index_cast %mul3A_154 : i32 to index
    %get3A_156 = tpu.vector_load %arg5[%get3A_155] {strides = array<i32>} : memref<400xi32, #tpu.memory_space<vmem>>, vector<16xi32>,
    tpu.vector_store_idx %arg7[%get3A_156], %broadcast_in_dim3A_10 {add = true} : memref<65536xf32, #tpu.memory_space<vmem>>[vector<16xi32>], vector<16xf32>,
    %scan3A_157 = arith.constant 0 : i32
    %scan3A_158 = arith.constant 23 : i32
    %mul3A_159 = arith.constant 16 : i32
    %mul3A_160 = arith.muli %scan3A_158, %mul3A_159 : i32
    %get3A_161 = arith.index_cast %mul3A_160 : i32 to index
    %get3A_162 = tpu.vector_load %arg5[%get3A_161] {strides = array<i32>} : memref<400xi32, #tpu.memory_space<vmem>>, vector<16xi32>,
    tpu.vector_store_idx %arg7[%get3A_162], %broadcast_in_dim3A_10 {add = true} : memref<65536xf32, #tpu.memory_space<vmem>>[vector<16xi32>], vector<16xf32>,
    %scan3A_163 = arith.constant 0 : i32
    %scan3A_164 = arith.constant 24 : i32
    %mul3A_165 = arith.constant 16 : i32
    %mul3A_166 = arith.muli %scan3A_164, %mul3A_165 : i32
    %get3A_167 = arith.index_cast %mul3A_166 : i32 to index
    %get3A_168 = tpu.vector_load %arg5[%get3A_167] {strides = array<i32>} : memref<400xi32, #tpu.memory_space<vmem>>, vector<16xi32>,
    tpu.vector_store_idx %arg7[%get3A_168], %broadcast_in_dim3A_10 {add = true} : memref<65536xf32, #tpu.memory_space<vmem>>[vector<16xi32>], vector<16xf32>,
    %scan3A_169 = arith.constant 0 : i32
    %scan3A_170 = arith.constant 25 : i32
    "tpu.region"() ({
      %run_scoped3A = tpu.sem_alloc : memref<!tpu.dma_semaphore, #tpu.memory_space<semaphore_mem>>
      %dma_start3A_171 = arith.constant 0 : i32
      %dma_start3A_172 = tpu.memref_slice %arg4[%add3A, %dma_start3A_171] : memref<32x65536xf32, #tpu.memory_space<hbm>> -> memref<1x65536xf32, #tpu.memory_space<hbm>>
      %dma_start3A_173 = tpu.memref_squeeze %dma_start3A_172 : memref<1x65536xf32, #tpu.memory_space<hbm>> -> memref<65536xf32, #tpu.memory_space<hbm>>
      %dma_start3A_174 = arith.constant 0 : i32
      %dma_start3A_175 = tpu.memref_slice %arg4[%add3A, %dma_start3A_174] : memref<32x65536xf32, #tpu.memory_space<hbm>> -> memref<1x65536xf32, #tpu.memory_space<hbm>>
      %dma_start3A_176 = tpu.memref_squeeze %dma_start3A_175 : memref<1x65536xf32, #tpu.memory_space<hbm>> -> memref<65536xf32, #tpu.memory_space<hbm>>
      tpu.enqueue_dma source(%arg7 : memref<65536xf32, #tpu.memory_space<vmem>>) target(%dma_start3A_176 : memref<65536xf32, #tpu.memory_space<hbm>>) target_semaphore(%run_scoped3A : memref<!tpu.dma_semaphore, #tpu.memory_space<semaphore_mem>>)
      %dma_wait3A_177 = arith.constant 0 : i32
      %dma_wait3A_178 = tpu.memref_slice %arg4[%add3A, %dma_wait3A_177] : memref<32x65536xf32, #tpu.memory_space<hbm>> -> memref<1x65536xf32, #tpu.memory_space<hbm>>
      %dma_wait3A_179 = tpu.memref_squeeze %dma_wait3A_178 : memref<1x65536xf32, #tpu.memory_space<hbm>> -> memref<65536xf32, #tpu.memory_space<hbm>>
      %dma_wait3A_180 = arith.constant 0 : i32
      %dma_wait3A_181 = tpu.memref_slice %arg4[%add3A, %dma_wait3A_180] : memref<32x65536xf32, #tpu.memory_space<hbm>> -> memref<1x65536xf32, #tpu.memory_space<hbm>>
      %dma_wait3A_182 = tpu.memref_squeeze %dma_wait3A_181 : memref<1x65536xf32, #tpu.memory_space<hbm>> -> memref<65536xf32, #tpu.memory_space<hbm>>
      tpu.wait_dma2 semaphore(%run_scoped3A : memref<!tpu.dma_semaphore, #tpu.memory_space<semaphore_mem>>) src(%arg7 : memref<65536xf32, #tpu.memory_space<vmem>>) dst(%dma_wait3A_182 : memref<65536xf32, #tpu.memory_space<hbm>>)
      tpu.yield
    }) : () -> ()
    return
  }
}

#map = affine_map<(d0, d1) -> (0)>
#map1 = affine_map<(d0, d1) -> (0, 0)>
#map2 = affine_map<(d0, d1) -> (0, 0, 0)>
module attributes {stable_mosaic.version = 14 : i64} {
  func.func @_edge_body(%arg0: i32, %arg1: i32, %arg2: memref<320000xi32, #tpu.memory_space<hbm>>, %arg3: memref<320000xi32, #tpu.memory_space<hbm>>, %arg4: memref<65536x128xf32, #tpu.memory_space<hbm>>, %arg5: memref<10000x128xf32, #tpu.memory_space<hbm>>, %arg6: memref<5000x128xf32, #tpu.memory_space<hbm>>, %arg7: memref<2x5000x128xf32, #tpu.memory_space<hbm>>, %arg8: memref<5000x128xf32, #tpu.memory_space<vmem_shared>>, %arg9: memref<96xi32, #tpu.memory_space<vmem>>, %arg10: memref<96xi32, #tpu.memory_space<vmem>>, %arg11: memref<96xi32, #tpu.memory_space<vmem>>, %arg12: memref<96xi32, #tpu.memory_space<vmem>>, %arg13: memref<96xi32, #tpu.memory_space<vmem>>, %arg14: memref<96xi32, #tpu.memory_space<vmem>>, %arg15: memref<96x128xf32, #tpu.memory_space<vmem>>, %arg16: memref<96x128xf32, #tpu.memory_space<vmem>>, %arg17: memref<96x128xf32, #tpu.memory_space<vmem>>, %arg18: memref<96x128xf32, #tpu.memory_space<vmem>>, %arg19: memref<16xi32, #tpu.memory_space<vmem>>, %arg20: memref<16xi32, #tpu.memory_space<vmem>>, %arg21: memref<16xi32, #tpu.memory_space<vmem>>, %arg22: memref<16x128xf32, #tpu.memory_space<vmem>>, %arg23: memref<16x128xf32, #tpu.memory_space<vmem>>, %arg24: memref<!tpu.dma_semaphore, #tpu.memory_space<semaphore_mem>>, %arg25: memref<!tpu.dma_semaphore, #tpu.memory_space<semaphore_mem>>, %arg26: memref<!tpu.dma_semaphore, #tpu.memory_space<semaphore_mem>>, %arg27: memref<!tpu.dma_semaphore, #tpu.memory_space<semaphore_mem>>, %arg28: memref<!tpu.dma_semaphore, #tpu.memory_space<semaphore_mem>>, %arg29: memref<!tpu.dma_semaphore, #tpu.memory_space<semaphore_mem>>) attributes {dimension_semantics = [#tpu.dimension_semantics<core_parallel>, #tpu.dimension_semantics<subcore_parallel>], iteration_bounds = array<i64: 2, 16>, scalar_prefetch = 0 : i64, scratch_operands = 22 : i64, tpu.core_type = #tpu.core_type<sc_vector_subcore>, window_params = [{transform_indices = #map}, {transform_indices = #map}, {transform_indices = #map1}, {transform_indices = #map1}, {transform_indices = #map1}, {transform_indices = #map2}]} {
    %mul3A = arith.constant 16 : i32
    %mul3A_0 = arith.muli %arg0, %mul3A : i32
    %add3A = arith.addi %mul3A_0, %arg1 : i32
    %mul3A_1 = arith.constant 10000 : i32
    %mul3A_2 = arith.muli %add3A, %mul3A_1 : i32
    %mul3A_3 = arith.constant 5000 : i32
    %mul3A_4 = arith.muli %arg0, %mul3A_3 : i32
    %lt3A = arith.constant 5 : i32
    %lt3A_5 = arith.cmpi slt, %arg1, %lt3A : i32
    %convert_element_type3A = arith.extui %lt3A_5 : i1 to i32
    %cond3A = arith.constant 0 : i32
    %cond3A_6 = arith.cmpi ne, %convert_element_type3A, %cond3A : i32
    scf.if %cond3A_6 {
      %mul3A_120 = arith.constant 1000 : i32
      %mul3A_121 = arith.muli %arg1, %mul3A_120 : i32
      %mul3A_122 = arith.constant 1000 : i32
      %mul3A_123 = arith.muli %arg1, %mul3A_122 : i32
      "tpu.region"() ({
        %run_scoped3A = tpu.sem_alloc : memref<!tpu.dma_semaphore, #tpu.memory_space<semaphore_mem>>
        %dma_start3A_124 = arith.constant 0 : i32
        %dma_start3A_125 = tpu.memref_slice %arg8[%mul3A_123, %dma_start3A_124] : memref<5000x128xf32, #tpu.memory_space<vmem_shared>> -> memref<1000x128xf32, #tpu.memory_space<vmem_shared>>
        %dma_start3A_126 = arith.constant 0 : i32
        %dma_start3A_127 = tpu.memref_slice %arg6[%mul3A_121, %dma_start3A_126] : memref<5000x128xf32, #tpu.memory_space<hbm>> -> memref<1000x128xf32, #tpu.memory_space<hbm>>
        tpu.enqueue_dma source(%dma_start3A_127 : memref<1000x128xf32, #tpu.memory_space<hbm>>) target(%dma_start3A_125 : memref<1000x128xf32, #tpu.memory_space<vmem_shared>>) target_semaphore(%run_scoped3A : memref<!tpu.dma_semaphore, #tpu.memory_space<semaphore_mem>>)
        %dma_wait3A_128 = arith.constant 0 : i32
        %dma_wait3A_129 = tpu.memref_slice %arg8[%mul3A_123, %dma_wait3A_128] : memref<5000x128xf32, #tpu.memory_space<vmem_shared>> -> memref<1000x128xf32, #tpu.memory_space<vmem_shared>>
        %dma_wait3A_130 = arith.constant 0 : i32
        %dma_wait3A_131 = tpu.memref_slice %arg6[%mul3A_121, %dma_wait3A_130] : memref<5000x128xf32, #tpu.memory_space<hbm>> -> memref<1000x128xf32, #tpu.memory_space<hbm>>
        tpu.wait_dma2 semaphore(%run_scoped3A : memref<!tpu.dma_semaphore, #tpu.memory_space<semaphore_mem>>) src(%dma_wait3A_131 : memref<1000x128xf32, #tpu.memory_space<hbm>>) dst(%dma_wait3A_129 : memref<1000x128xf32, #tpu.memory_space<vmem_shared>>)
        tpu.yield
      }) : () -> ()
    } else {
    }
    %barrier3A = arith.constant 0 : index
    tpu.barrier barrier_id(%barrier3A)
    "tpu.region"() ({
      %run_scoped3A = tpu.sem_alloc : memref<!tpu.dma_semaphore, #tpu.memory_space<semaphore_mem>>
      %dma_start3A_120 = tpu.memref_slice %arg2[%mul3A_2] : memref<320000xi32, #tpu.memory_space<hbm>> -> memref<96xi32, #tpu.memory_space<hbm>>
      %dma_start3A_121 = tpu.memref_slice %arg2[%mul3A_2] : memref<320000xi32, #tpu.memory_space<hbm>> -> memref<96xi32, #tpu.memory_space<hbm>>
      tpu.enqueue_dma source(%dma_start3A_121 : memref<96xi32, #tpu.memory_space<hbm>>) target(%arg9 : memref<96xi32, #tpu.memory_space<vmem>>) target_semaphore(%run_scoped3A : memref<!tpu.dma_semaphore, #tpu.memory_space<semaphore_mem>>)
      %dma_wait3A_122 = tpu.memref_slice %arg2[%mul3A_2] : memref<320000xi32, #tpu.memory_space<hbm>> -> memref<96xi32, #tpu.memory_space<hbm>>
      %dma_wait3A_123 = tpu.memref_slice %arg2[%mul3A_2] : memref<320000xi32, #tpu.memory_space<hbm>> -> memref<96xi32, #tpu.memory_space<hbm>>
      tpu.wait_dma2 semaphore(%run_scoped3A : memref<!tpu.dma_semaphore, #tpu.memory_space<semaphore_mem>>) src(%dma_wait3A_123 : memref<96xi32, #tpu.memory_space<hbm>>) dst(%arg9 : memref<96xi32, #tpu.memory_space<vmem>>)
      tpu.yield
    }) : () -> ()
    "tpu.region"() ({
      %run_scoped3A = tpu.sem_alloc : memref<!tpu.dma_semaphore, #tpu.memory_space<semaphore_mem>>
      %dma_start3A_120 = tpu.memref_slice %arg3[%mul3A_2] : memref<320000xi32, #tpu.memory_space<hbm>> -> memref<96xi32, #tpu.memory_space<hbm>>
      %dma_start3A_121 = tpu.memref_slice %arg3[%mul3A_2] : memref<320000xi32, #tpu.memory_space<hbm>> -> memref<96xi32, #tpu.memory_space<hbm>>
      tpu.enqueue_dma source(%dma_start3A_121 : memref<96xi32, #tpu.memory_space<hbm>>) target(%arg11 : memref<96xi32, #tpu.memory_space<vmem>>) target_semaphore(%run_scoped3A : memref<!tpu.dma_semaphore, #tpu.memory_space<semaphore_mem>>)
      %dma_wait3A_122 = tpu.memref_slice %arg3[%mul3A_2] : memref<320000xi32, #tpu.memory_space<hbm>> -> memref<96xi32, #tpu.memory_space<hbm>>
      %dma_wait3A_123 = tpu.memref_slice %arg3[%mul3A_2] : memref<320000xi32, #tpu.memory_space<hbm>> -> memref<96xi32, #tpu.memory_space<hbm>>
      tpu.wait_dma2 semaphore(%run_scoped3A : memref<!tpu.dma_semaphore, #tpu.memory_space<semaphore_mem>>) src(%dma_wait3A_123 : memref<96xi32, #tpu.memory_space<hbm>>) dst(%arg11 : memref<96xi32, #tpu.memory_space<vmem>>)
      tpu.yield
    }) : () -> ()
    %dma_start3A = arith.constant 0 : i32
    %dma_start3A_7 = arith.constant 0 : i32
    %dma_start3A_8 = tpu.memref_slice %arg4[%dma_start3A, %dma_start3A_7] : memref<65536x128xf32, #tpu.memory_space<hbm>> -> memref<65536x128xf32, #tpu.memory_space<hbm>>
    tpu.enqueue_indirect_dma source(%dma_start3A_8 : memref<65536x128xf32, #tpu.memory_space<hbm>>) target(%arg15 : memref<96x128xf32, #tpu.memory_space<vmem>>) offsets(%arg11 : memref<96xi32, #tpu.memory_space<vmem>>) semaphore(%arg26 : memref<!tpu.dma_semaphore, #tpu.memory_space<semaphore_mem>>)
    %dma_start3A_9 = arith.constant 0 : i32
    %dma_start3A_10 = arith.constant 0 : i32
    %dma_start3A_11 = tpu.memref_slice %arg5[%dma_start3A_9, %dma_start3A_10] : memref<10000x128xf32, #tpu.memory_space<hbm>> -> memref<10000x128xf32, #tpu.memory_space<hbm>>
    tpu.enqueue_indirect_dma source(%dma_start3A_11 : memref<10000x128xf32, #tpu.memory_space<hbm>>) target(%arg17 : memref<96x128xf32, #tpu.memory_space<vmem>>) offsets(%arg9 : memref<96xi32, #tpu.memory_space<vmem>>) semaphore(%arg28 : memref<!tpu.dma_semaphore, #tpu.memory_space<semaphore_mem>>)
    %scan3A = arith.constant 0 : i32
    %scan3A_12 = arith.constant 0 : i32
    %mul3A_13 = arith.constant 16 : i32
    %mul3A_14 = arith.muli %scan3A_12, %mul3A_13 : i32
    %get3A = arith.index_cast %mul3A_14 : i32 to index
    %get3A_15 = tpu.vector_load %arg9[%get3A] {strides = array<i32>} : memref<96xi32, #tpu.memory_space<vmem>>, vector<16xi32>,
    %sub3A = vector.broadcast %mul3A_4 : i32 to vector<16xi32>
    %sub3A_16 = arith.subi %get3A_15, %sub3A : vector<16xi32>
    %swap3A = arith.index_cast %mul3A_14 : i32 to index
    %swap3A_17 = tpu.vector_load %arg13[%swap3A] {strides = array<i32>} : memref<96xi32, #tpu.memory_space<vmem>>, vector<16xi32>,
    tpu.vector_store %arg13[%swap3A], %sub3A_16 {strides = array<i32>} : memref<96xi32, #tpu.memory_space<vmem>>, vector<16xi32>,
    %scan3A_18 = arith.constant 0 : i32
    %scan3A_19 = arith.constant 1 : i32
    %mul3A_20 = arith.constant 16 : i32
    %mul3A_21 = arith.muli %scan3A_19, %mul3A_20 : i32
    %get3A_22 = arith.index_cast %mul3A_21 : i32 to index
    %get3A_23 = tpu.vector_load %arg9[%get3A_22] {strides = array<i32>} : memref<96xi32, #tpu.memory_space<vmem>>, vector<16xi32>,
    %sub3A_24 = vector.broadcast %mul3A_4 : i32 to vector<16xi32>
    %sub3A_25 = arith.subi %get3A_23, %sub3A_24 : vector<16xi32>
    %swap3A_26 = arith.index_cast %mul3A_21 : i32 to index
    %swap3A_27 = tpu.vector_load %arg13[%swap3A_26] {strides = array<i32>} : memref<96xi32, #tpu.memory_space<vmem>>, vector<16xi32>,
    tpu.vector_store %arg13[%swap3A_26], %sub3A_25 {strides = array<i32>} : memref<96xi32, #tpu.memory_space<vmem>>, vector<16xi32>,
    %scan3A_28 = arith.constant 0 : i32
    %scan3A_29 = arith.constant 2 : i32
    %mul3A_30 = arith.constant 16 : i32
    %mul3A_31 = arith.muli %scan3A_29, %mul3A_30 : i32
    %get3A_32 = arith.index_cast %mul3A_31 : i32 to index
    %get3A_33 = tpu.vector_load %arg9[%get3A_32] {strides = array<i32>} : memref<96xi32, #tpu.memory_space<vmem>>, vector<16xi32>,
    %sub3A_34 = vector.broadcast %mul3A_4 : i32 to vector<16xi32>
    %sub3A_35 = arith.subi %get3A_33, %sub3A_34 : vector<16xi32>
    %swap3A_36 = arith.index_cast %mul3A_31 : i32 to index
    %swap3A_37 = tpu.vector_load %arg13[%swap3A_36] {strides = array<i32>} : memref<96xi32, #tpu.memory_space<vmem>>, vector<16xi32>,
    tpu.vector_store %arg13[%swap3A_36], %sub3A_35 {strides = array<i32>} : memref<96xi32, #tpu.memory_space<vmem>>, vector<16xi32>,
    %scan3A_38 = arith.constant 0 : i32
    %scan3A_39 = arith.constant 3 : i32
    %mul3A_40 = arith.constant 16 : i32
    %mul3A_41 = arith.muli %scan3A_39, %mul3A_40 : i32
    %get3A_42 = arith.index_cast %mul3A_41 : i32 to index
    %get3A_43 = tpu.vector_load %arg9[%get3A_42] {strides = array<i32>} : memref<96xi32, #tpu.memory_space<vmem>>, vector<16xi32>,
    %sub3A_44 = vector.broadcast %mul3A_4 : i32 to vector<16xi32>
    %sub3A_45 = arith.subi %get3A_43, %sub3A_44 : vector<16xi32>
    %swap3A_46 = arith.index_cast %mul3A_41 : i32 to index
    %swap3A_47 = tpu.vector_load %arg13[%swap3A_46] {strides = array<i32>} : memref<96xi32, #tpu.memory_space<vmem>>, vector<16xi32>,
    tpu.vector_store %arg13[%swap3A_46], %sub3A_45 {strides = array<i32>} : memref<96xi32, #tpu.memory_space<vmem>>, vector<16xi32>,
    %scan3A_48 = arith.constant 0 : i32
    %scan3A_49 = arith.constant 4 : i32
    %mul3A_50 = arith.constant 16 : i32
    %mul3A_51 = arith.muli %scan3A_49, %mul3A_50 : i32
    %get3A_52 = arith.index_cast %mul3A_51 : i32 to index
    %get3A_53 = tpu.vector_load %arg9[%get3A_52] {strides = array<i32>} : memref<96xi32, #tpu.memory_space<vmem>>, vector<16xi32>,
    %sub3A_54 = vector.broadcast %mul3A_4 : i32 to vector<16xi32>
    %sub3A_55 = arith.subi %get3A_53, %sub3A_54 : vector<16xi32>
    %swap3A_56 = arith.index_cast %mul3A_51 : i32 to index
    %swap3A_57 = tpu.vector_load %arg13[%swap3A_56] {strides = array<i32>} : memref<96xi32, #tpu.memory_space<vmem>>, vector<16xi32>,
    tpu.vector_store %arg13[%swap3A_56], %sub3A_55 {strides = array<i32>} : memref<96xi32, #tpu.memory_space<vmem>>, vector<16xi32>,
    %scan3A_58 = arith.constant 0 : i32
    %scan3A_59 = arith.constant 5 : i32
    %mul3A_60 = arith.constant 16 : i32
    %mul3A_61 = arith.muli %scan3A_59, %mul3A_60 : i32
    %get3A_62 = arith.index_cast %mul3A_61 : i32 to index
    %get3A_63 = tpu.vector_load %arg9[%get3A_62] {strides = array<i32>} : memref<96xi32, #tpu.memory_space<vmem>>, vector<16xi32>,
    %sub3A_64 = vector.broadcast %mul3A_4 : i32 to vector<16xi32>
    %sub3A_65 = arith.subi %get3A_63, %sub3A_64 : vector<16xi32>
    %swap3A_66 = arith.index_cast %mul3A_61 : i32 to index
    %swap3A_67 = tpu.vector_load %arg13[%swap3A_66] {strides = array<i32>} : memref<96xi32, #tpu.memory_space<vmem>>, vector<16xi32>,
    tpu.vector_store %arg13[%swap3A_66], %sub3A_65 {strides = array<i32>} : memref<96xi32, #tpu.memory_space<vmem>>, vector<16xi32>,
    %scan3A_68 = arith.constant 0 : i32
    %scan3A_69 = arith.constant 6 : i32
    %add3A_70 = arith.constant 96 : i32
    %add3A_71 = arith.addi %mul3A_2, %add3A_70 : i32
    %dma_start3A_72 = tpu.memref_slice %arg2[%add3A_71] : memref<320000xi32, #tpu.memory_space<hbm>> -> memref<96xi32, #tpu.memory_space<hbm>>
    %dma_start3A_73 = tpu.memref_slice %arg2[%add3A_71] : memref<320000xi32, #tpu.memory_space<hbm>> -> memref<96xi32, #tpu.memory_space<hbm>>
    tpu.enqueue_dma source(%dma_start3A_73 : memref<96xi32, #tpu.memory_space<hbm>>) target(%arg10 : memref<96xi32, #tpu.memory_space<vmem>>) target_semaphore(%arg25 : memref<!tpu.dma_semaphore, #tpu.memory_space<semaphore_mem>>)
    %dma_start3A_74 = tpu.memref_slice %arg3[%add3A_71] : memref<320000xi32, #tpu.memory_space<hbm>> -> memref<96xi32, #tpu.memory_space<hbm>>
    %dma_start3A_75 = tpu.memref_slice %arg3[%add3A_71] : memref<320000xi32, #tpu.memory_space<hbm>> -> memref<96xi32, #tpu.memory_space<hbm>>
    tpu.enqueue_dma source(%dma_start3A_75 : memref<96xi32, #tpu.memory_space<hbm>>) target(%arg12 : memref<96xi32, #tpu.memory_space<vmem>>) target_semaphore(%arg25 : memref<!tpu.dma_semaphore, #tpu.memory_space<semaphore_mem>>)
    %scan3A_76 = arith.constant 0 : i32
    %scan3A_77 = arith.constant 0 : i32
    %scan3A_78 = arith.constant 52 : i32
    %scan3A_79 = arith.addi %scan3A_77, %scan3A_78 : i32
    %scan3A_80 = arith.constant 1 : i32
    %scan3A_81 = scf.for %scan3A_120 = %scan3A_77 to %scan3A_79 step %scan3A_80 iter_args(%scan3A_121 = %scan3A_76) -> (i32)  : i32 {
      %mul3A_122 = arith.constant 2 : i32
      %mul3A_123 = arith.muli %mul3A_122, %scan3A_120 : i32
      %add3A_124 = arith.constant 0 : i32
      %add3A_125 = arith.addi %mul3A_123, %add3A_124 : i32
      %add3A_126 = arith.constant 1 : i32
      %add3A_127 = arith.addi %add3A_125, %add3A_126 : i32
      %le3A = arith.constant 103 : i32
      %le3A_128 = arith.cmpi sle, %add3A_127, %le3A : i32
      %convert_element_type3A_129 = arith.extui %le3A_128 : i1 to i32
      %cond3A_130 = arith.constant 0 : i32
      %cond3A_131 = arith.cmpi ne, %convert_element_type3A_129, %cond3A_130 : i32
      scf.if %cond3A_131 {
        %dma_wait3A_184 = arith.constant 0 : i32
        %dma_wait3A_185 = tpu.memref_slice %arg2[%dma_wait3A_184] : memref<320000xi32, #tpu.memory_space<hbm>> -> memref<96xi32, #tpu.memory_space<hbm>>
        %dma_wait3A_186 = arith.constant 0 : i32
        %dma_wait3A_187 = tpu.memref_slice %arg2[%dma_wait3A_186] : memref<320000xi32, #tpu.memory_space<hbm>> -> memref<96xi32, #tpu.memory_space<hbm>>
        tpu.wait_dma2 semaphore(%arg25 : memref<!tpu.dma_semaphore, #tpu.memory_space<semaphore_mem>>) src(%dma_wait3A_187 : memref<96xi32, #tpu.memory_space<hbm>>) dst(%arg10 : memref<96xi32, #tpu.memory_space<vmem>>)
        %dma_wait3A_188 = arith.constant 0 : i32
        %dma_wait3A_189 = tpu.memref_slice %arg3[%dma_wait3A_188] : memref<320000xi32, #tpu.memory_space<hbm>> -> memref<96xi32, #tpu.memory_space<hbm>>
        %dma_wait3A_190 = arith.constant 0 : i32
        %dma_wait3A_191 = tpu.memref_slice %arg3[%dma_wait3A_190] : memref<320000xi32, #tpu.memory_space<hbm>> -> memref<96xi32, #tpu.memory_space<hbm>>
        tpu.wait_dma2 semaphore(%arg25 : memref<!tpu.dma_semaphore, #tpu.memory_space<semaphore_mem>>) src(%dma_wait3A_191 : memref<96xi32, #tpu.memory_space<hbm>>) dst(%arg12 : memref<96xi32, #tpu.memory_space<vmem>>)
        %dma_start3A_192 = arith.constant 0 : i32
        %dma_start3A_193 = arith.constant 0 : i32
        %dma_start3A_194 = tpu.memref_slice %arg4[%dma_start3A_192, %dma_start3A_193] : memref<65536x128xf32, #tpu.memory_space<hbm>> -> memref<65536x128xf32, #tpu.memory_space<hbm>>
        tpu.enqueue_indirect_dma source(%dma_start3A_194 : memref<65536x128xf32, #tpu.memory_space<hbm>>) target(%arg16 : memref<96x128xf32, #tpu.memory_space<vmem>>) offsets(%arg12 : memref<96xi32, #tpu.memory_space<vmem>>) semaphore(%arg27 : memref<!tpu.dma_semaphore, #tpu.memory_space<semaphore_mem>>)
        %dma_start3A_195 = arith.constant 0 : i32
        %dma_start3A_196 = arith.constant 0 : i32
        %dma_start3A_197 = tpu.memref_slice %arg5[%dma_start3A_195, %dma_start3A_196] : memref<10000x128xf32, #tpu.memory_space<hbm>> -> memref<10000x128xf32, #tpu.memory_space<hbm>>
        tpu.enqueue_indirect_dma source(%dma_start3A_197 : memref<10000x128xf32, #tpu.memory_space<hbm>>) target(%arg18 : memref<96x128xf32, #tpu.memory_space<vmem>>) offsets(%arg10 : memref<96xi32, #tpu.memory_space<vmem>>) semaphore(%arg29 : memref<!tpu.dma_semaphore, #tpu.memory_space<semaphore_mem>>)
        %scan3A_198 = arith.constant 0 : i32
        %scan3A_199 = arith.constant 0 : i32
        %mul3A_200 = arith.constant 16 : i32
        %mul3A_201 = arith.muli %scan3A_199, %mul3A_200 : i32
        %get3A_202 = arith.index_cast %mul3A_201 : i32 to index
        %get3A_203 = tpu.vector_load %arg10[%get3A_202] {strides = array<i32>} : memref<96xi32, #tpu.memory_space<vmem>>, vector<16xi32>,
        %sub3A_204 = vector.broadcast %mul3A_4 : i32 to vector<16xi32>
        %sub3A_205 = arith.subi %get3A_203, %sub3A_204 : vector<16xi32>
        %swap3A_206 = arith.index_cast %mul3A_201 : i32 to index
        %swap3A_207 = tpu.vector_load %arg14[%swap3A_206] {strides = array<i32>} : memref<96xi32, #tpu.memory_space<vmem>>, vector<16xi32>,
        tpu.vector_store %arg14[%swap3A_206], %sub3A_205 {strides = array<i32>} : memref<96xi32, #tpu.memory_space<vmem>>, vector<16xi32>,
        %scan3A_208 = arith.constant 0 : i32
        %scan3A_209 = arith.constant 1 : i32
        %mul3A_210 = arith.constant 16 : i32
        %mul3A_211 = arith.muli %scan3A_209, %mul3A_210 : i32
        %get3A_212 = arith.index_cast %mul3A_211 : i32 to index
        %get3A_213 = tpu.vector_load %arg10[%get3A_212] {strides = array<i32>} : memref<96xi32, #tpu.memory_space<vmem>>, vector<16xi32>,
        %sub3A_214 = vector.broadcast %mul3A_4 : i32 to vector<16xi32>
        %sub3A_215 = arith.subi %get3A_213, %sub3A_214 : vector<16xi32>
        %swap3A_216 = arith.index_cast %mul3A_211 : i32 to index
        %swap3A_217 = tpu.vector_load %arg14[%swap3A_216] {strides = array<i32>} : memref<96xi32, #tpu.memory_space<vmem>>, vector<16xi32>,
        tpu.vector_store %arg14[%swap3A_216], %sub3A_215 {strides = array<i32>} : memref<96xi32, #tpu.memory_space<vmem>>, vector<16xi32>,
        %scan3A_218 = arith.constant 0 : i32
        %scan3A_219 = arith.constant 2 : i32
        %mul3A_220 = arith.constant 16 : i32
        %mul3A_221 = arith.muli %scan3A_219, %mul3A_220 : i32
        %get3A_222 = arith.index_cast %mul3A_221 : i32 to index
        %get3A_223 = tpu.vector_load %arg10[%get3A_222] {strides = array<i32>} : memref<96xi32, #tpu.memory_space<vmem>>, vector<16xi32>,
        %sub3A_224 = vector.broadcast %mul3A_4 : i32 to vector<16xi32>
        %sub3A_225 = arith.subi %get3A_223, %sub3A_224 : vector<16xi32>
        %swap3A_226 = arith.index_cast %mul3A_221 : i32 to index
        %swap3A_227 = tpu.vector_load %arg14[%swap3A_226] {strides = array<i32>} : memref<96xi32, #tpu.memory_space<vmem>>, vector<16xi32>,
        tpu.vector_store %arg14[%swap3A_226], %sub3A_225 {strides = array<i32>} : memref<96xi32, #tpu.memory_space<vmem>>, vector<16xi32>,
        %scan3A_228 = arith.constant 0 : i32
        %scan3A_229 = arith.constant 3 : i32
        %mul3A_230 = arith.constant 16 : i32
        %mul3A_231 = arith.muli %scan3A_229, %mul3A_230 : i32
        %get3A_232 = arith.index_cast %mul3A_231 : i32 to index
        %get3A_233 = tpu.vector_load %arg10[%get3A_232] {strides = array<i32>} : memref<96xi32, #tpu.memory_space<vmem>>, vector<16xi32>,
        %sub3A_234 = vector.broadcast %mul3A_4 : i32 to vector<16xi32>
        %sub3A_235 = arith.subi %get3A_233, %sub3A_234 : vector<16xi32>
        %swap3A_236 = arith.index_cast %mul3A_231 : i32 to index
        %swap3A_237 = tpu.vector_load %arg14[%swap3A_236] {strides = array<i32>} : memref<96xi32, #tpu.memory_space<vmem>>, vector<16xi32>,
        tpu.vector_store %arg14[%swap3A_236], %sub3A_235 {strides = array<i32>} : memref<96xi32, #tpu.memory_space<vmem>>, vector<16xi32>,
        %scan3A_238 = arith.constant 0 : i32
        %scan3A_239 = arith.constant 4 : i32
        %mul3A_240 = arith.constant 16 : i32
        %mul3A_241 = arith.muli %scan3A_239, %mul3A_240 : i32
        %get3A_242 = arith.index_cast %mul3A_241 : i32 to index
        %get3A_243 = tpu.vector_load %arg10[%get3A_242] {strides = array<i32>} : memref<96xi32, #tpu.memory_space<vmem>>, vector<16xi32>,
        %sub3A_244 = vector.broadcast %mul3A_4 : i32 to vector<16xi32>
        %sub3A_245 = arith.subi %get3A_243, %sub3A_244 : vector<16xi32>
        %swap3A_246 = arith.index_cast %mul3A_241 : i32 to index
        %swap3A_247 = tpu.vector_load %arg14[%swap3A_246] {strides = array<i32>} : memref<96xi32, #tpu.memory_space<vmem>>, vector<16xi32>,
        tpu.vector_store %arg14[%swap3A_246], %sub3A_245 {strides = array<i32>} : memref<96xi32, #tpu.memory_space<vmem>>, vector<16xi32>,
        %scan3A_248 = arith.constant 0 : i32
        %scan3A_249 = arith.constant 5 : i32
        %mul3A_250 = arith.constant 16 : i32
        %mul3A_251 = arith.muli %scan3A_249, %mul3A_250 : i32
        %get3A_252 = arith.index_cast %mul3A_251 : i32 to index
        %get3A_253 = tpu.vector_load %arg10[%get3A_252] {strides = array<i32>} : memref<96xi32, #tpu.memory_space<vmem>>, vector<16xi32>,
        %sub3A_254 = vector.broadcast %mul3A_4 : i32 to vector<16xi32>
        %sub3A_255 = arith.subi %get3A_253, %sub3A_254 : vector<16xi32>
        %swap3A_256 = arith.index_cast %mul3A_251 : i32 to index
        %swap3A_257 = tpu.vector_load %arg14[%swap3A_256] {strides = array<i32>} : memref<96xi32, #tpu.memory_space<vmem>>, vector<16xi32>,
        tpu.vector_store %arg14[%swap3A_256], %sub3A_255 {strides = array<i32>} : memref<96xi32, #tpu.memory_space<vmem>>, vector<16xi32>,
        %scan3A_258 = arith.constant 0 : i32
        %scan3A_259 = arith.constant 6 : i32
      } else {
      }
      %dma_wait3A_132 = arith.constant 0 : i32
      %dma_wait3A_133 = arith.constant 0 : i32
      %dma_wait3A_134 = tpu.memref_slice %arg4[%dma_wait3A_132, %dma_wait3A_133] : memref<65536x128xf32, #tpu.memory_space<hbm>> -> memref<65536x128xf32, #tpu.memory_space<hbm>>
      tpu.wait_indirect_dma semaphore(%arg26 : memref<!tpu.dma_semaphore, #tpu.memory_space<semaphore_mem>>) src(%dma_wait3A_134 : memref<65536x128xf32, #tpu.memory_space<hbm>>) dst(%arg15 : memref<96x128xf32, #tpu.memory_space<vmem>>)
      %dma_wait3A_135 = arith.constant 0 : i32
      %dma_wait3A_136 = arith.constant 0 : i32
      %dma_wait3A_137 = tpu.memref_slice %arg5[%dma_wait3A_135, %dma_wait3A_136] : memref<10000x128xf32, #tpu.memory_space<hbm>> -> memref<10000x128xf32, #tpu.memory_space<hbm>>
      tpu.wait_indirect_dma semaphore(%arg28 : memref<!tpu.dma_semaphore, #tpu.memory_space<semaphore_mem>>) src(%dma_wait3A_137 : memref<10000x128xf32, #tpu.memory_space<hbm>>) dst(%arg17 : memref<96x128xf32, #tpu.memory_space<vmem>>)
      %scan3A_138 = arith.constant 0 : i32
      %scan3A_139 = arith.constant 0 : i32
      %scan3A_140 = arith.constant 96 : i32
      %scan3A_141 = arith.addi %scan3A_139, %scan3A_140 : i32
      %scan3A_142 = arith.constant 1 : i32
      %scan3A_143 = scf.for %scan3A_184 = %scan3A_139 to %scan3A_141 step %scan3A_142 iter_args(%scan3A_185 = %scan3A_138) -> (i32)  : i32 {
        %get3A_186 = arith.index_cast %scan3A_184 : i32 to index
        %get3A_187 = arith.constant 64 : index
        %get3A_188 = tpu.vector_load %arg15[%get3A_186, %get3A_187] {strides = array<i32>} : memref<96x128xf32, #tpu.memory_space<vmem>>, vector<16xf32>,
        %get3A_189 = arith.index_cast %scan3A_184 : i32 to index
        %get3A_190 = arith.constant 0 : index
        %get3A_191 = tpu.vector_load %arg15[%get3A_189, %get3A_190] {strides = array<i32>} : memref<96x128xf32, #tpu.memory_space<vmem>>, vector<16xf32>,
        %get3A_192 = arith.index_cast %scan3A_184 : i32 to index
        %get3A_193 = arith.constant 0 : index
        %get3A_194 = tpu.vector_load %arg17[%get3A_192, %get3A_193] {strides = array<i32>} : memref<96x128xf32, #tpu.memory_space<vmem>>, vector<16xf32>,
        %add3A_195 = arith.addf %get3A_191, %get3A_194 : vector<16xf32>
        %mul3A_196 = arith.mulf %add3A_195, %add3A_195 : vector<16xf32>
        %mul3A_197 = arith.constant 4.471500e-02 : f32
        %mul3A_198 = vector.broadcast %mul3A_197 : f32 to vector<16xf32>
        %mul3A_199 = arith.mulf %mul3A_198, %mul3A_196 : vector<16xf32>
        %mul3A_200 = arith.mulf %mul3A_199, %add3A_195 : vector<16xf32>
        %add3A_201 = arith.addf %add3A_195, %mul3A_200 : vector<16xf32>
        %mul3A_202 = arith.constant 1.59576917 : f32
        %mul3A_203 = vector.broadcast %mul3A_202 : f32 to vector<16xf32>
        %mul3A_204 = arith.mulf %mul3A_203, %add3A_201 : vector<16xf32>
        %neg3A = arith.constant 0.000000e+00 : f32
        %neg3A_205 = vector.broadcast %neg3A : f32 to vector<16xf32>
        %neg3A_206 = arith.subf %neg3A_205, %mul3A_204 : vector<16xf32>
        %exp3A = math.exp %neg3A_206 : vector<16xf32>
        %add3A_207 = arith.constant 1.000000e+00 : f32
        %add3A_208 = vector.broadcast %add3A_207 : f32 to vector<16xf32>
        %add3A_209 = arith.addf %add3A_208, %exp3A : vector<16xf32>
        %div3A = arith.divf %add3A_195, %add3A_209 : vector<16xf32>
        %mul3A_210 = arith.mulf %div3A, %get3A_188 : vector<16xf32>
        %swap3A_211 = arith.index_cast %scan3A_184 : i32 to index
        %swap3A_212 = arith.constant 0 : index
        %swap3A_213 = tpu.vector_load %arg15[%swap3A_211, %swap3A_212] {strides = array<i32>} : memref<96x128xf32, #tpu.memory_space<vmem>>, vector<16xf32>,
        tpu.vector_store %arg15[%swap3A_211, %swap3A_212], %mul3A_210 {strides = array<i32>} : memref<96x128xf32, #tpu.memory_space<vmem>>, vector<16xf32>,
        %get3A_214 = arith.index_cast %scan3A_184 : i32 to index
        %get3A_215 = arith.constant 16 : index
        %get3A_216 = tpu.vector_load %arg15[%get3A_214, %get3A_215] {strides = array<i32>} : memref<96x128xf32, #tpu.memory_space<vmem>>, vector<16xf32>,
        %get3A_217 = arith.index_cast %scan3A_184 : i32 to index
        %get3A_218 = arith.constant 16 : index
        %get3A_219 = tpu.vector_load %arg17[%get3A_217, %get3A_218] {strides = array<i32>} : memref<96x128xf32, #tpu.memory_space<vmem>>, vector<16xf32>,
        %add3A_220 = arith.addf %get3A_216, %get3A_219 : vector<16xf32>
        %mul3A_221 = arith.mulf %add3A_220, %add3A_220 : vector<16xf32>
        %mul3A_222 = arith.constant 4.471500e-02 : f32
        %mul3A_223 = vector.broadcast %mul3A_222 : f32 to vector<16xf32>
        %mul3A_224 = arith.mulf %mul3A_223, %mul3A_221 : vector<16xf32>
        %mul3A_225 = arith.mulf %mul3A_224, %add3A_220 : vector<16xf32>
        %add3A_226 = arith.addf %add3A_220, %mul3A_225 : vector<16xf32>
        %mul3A_227 = arith.constant 1.59576917 : f32
        %mul3A_228 = vector.broadcast %mul3A_227 : f32 to vector<16xf32>
        %mul3A_229 = arith.mulf %mul3A_228, %add3A_226 : vector<16xf32>
        %neg3A_230 = arith.constant 0.000000e+00 : f32
        %neg3A_231 = vector.broadcast %neg3A_230 : f32 to vector<16xf32>
        %neg3A_232 = arith.subf %neg3A_231, %mul3A_229 : vector<16xf32>
        %exp3A_233 = math.exp %neg3A_232 : vector<16xf32>
        %add3A_234 = arith.constant 1.000000e+00 : f32
        %add3A_235 = vector.broadcast %add3A_234 : f32 to vector<16xf32>
        %add3A_236 = arith.addf %add3A_235, %exp3A_233 : vector<16xf32>
        %div3A_237 = arith.divf %add3A_220, %add3A_236 : vector<16xf32>
        %mul3A_238 = arith.mulf %div3A_237, %get3A_188 : vector<16xf32>
        %swap3A_239 = arith.index_cast %scan3A_184 : i32 to index
        %swap3A_240 = arith.constant 16 : index
        %swap3A_241 = tpu.vector_load %arg15[%swap3A_239, %swap3A_240] {strides = array<i32>} : memref<96x128xf32, #tpu.memory_space<vmem>>, vector<16xf32>,
        tpu.vector_store %arg15[%swap3A_239, %swap3A_240], %mul3A_238 {strides = array<i32>} : memref<96x128xf32, #tpu.memory_space<vmem>>, vector<16xf32>,
        %get3A_242 = arith.index_cast %scan3A_184 : i32 to index
        %get3A_243 = arith.constant 32 : index
        %get3A_244 = tpu.vector_load %arg15[%get3A_242, %get3A_243] {strides = array<i32>} : memref<96x128xf32, #tpu.memory_space<vmem>>, vector<16xf32>,
        %get3A_245 = arith.index_cast %scan3A_184 : i32 to index
        %get3A_246 = arith.constant 32 : index
        %get3A_247 = tpu.vector_load %arg17[%get3A_245, %get3A_246] {strides = array<i32>} : memref<96x128xf32, #tpu.memory_space<vmem>>, vector<16xf32>,
        %add3A_248 = arith.addf %get3A_244, %get3A_247 : vector<16xf32>
        %mul3A_249 = arith.mulf %add3A_248, %add3A_248 : vector<16xf32>
        %mul3A_250 = arith.constant 4.471500e-02 : f32
        %mul3A_251 = vector.broadcast %mul3A_250 : f32 to vector<16xf32>
        %mul3A_252 = arith.mulf %mul3A_251, %mul3A_249 : vector<16xf32>
        %mul3A_253 = arith.mulf %mul3A_252, %add3A_248 : vector<16xf32>
        %add3A_254 = arith.addf %add3A_248, %mul3A_253 : vector<16xf32>
        %mul3A_255 = arith.constant 1.59576917 : f32
        %mul3A_256 = vector.broadcast %mul3A_255 : f32 to vector<16xf32>
        %mul3A_257 = arith.mulf %mul3A_256, %add3A_254 : vector<16xf32>
        %neg3A_258 = arith.constant 0.000000e+00 : f32
        %neg3A_259 = vector.broadcast %neg3A_258 : f32 to vector<16xf32>
        %neg3A_260 = arith.subf %neg3A_259, %mul3A_257 : vector<16xf32>
        %exp3A_261 = math.exp %neg3A_260 : vector<16xf32>
        %add3A_262 = arith.constant 1.000000e+00 : f32
        %add3A_263 = vector.broadcast %add3A_262 : f32 to vector<16xf32>
        %add3A_264 = arith.addf %add3A_263, %exp3A_261 : vector<16xf32>
        %div3A_265 = arith.divf %add3A_248, %add3A_264 : vector<16xf32>
        %mul3A_266 = arith.mulf %div3A_265, %get3A_188 : vector<16xf32>
        %swap3A_267 = arith.index_cast %scan3A_184 : i32 to index
        %swap3A_268 = arith.constant 32 : index
        %swap3A_269 = tpu.vector_load %arg15[%swap3A_267, %swap3A_268] {strides = array<i32>} : memref<96x128xf32, #tpu.memory_space<vmem>>, vector<16xf32>,
        tpu.vector_store %arg15[%swap3A_267, %swap3A_268], %mul3A_266 {strides = array<i32>} : memref<96x128xf32, #tpu.memory_space<vmem>>, vector<16xf32>,
        %get3A_270 = arith.index_cast %scan3A_184 : i32 to index
        %get3A_271 = arith.constant 48 : index
        %get3A_272 = tpu.vector_load %arg15[%get3A_270, %get3A_271] {strides = array<i32>} : memref<96x128xf32, #tpu.memory_space<vmem>>, vector<16xf32>,
        %get3A_273 = arith.index_cast %scan3A_184 : i32 to index
        %get3A_274 = arith.constant 48 : index
        %get3A_275 = tpu.vector_load %arg17[%get3A_273, %get3A_274] {strides = array<i32>} : memref<96x128xf32, #tpu.memory_space<vmem>>, vector<16xf32>,
        %add3A_276 = arith.addf %get3A_272, %get3A_275 : vector<16xf32>
        %mul3A_277 = arith.mulf %add3A_276, %add3A_276 : vector<16xf32>
        %mul3A_278 = arith.constant 4.471500e-02 : f32
        %mul3A_279 = vector.broadcast %mul3A_278 : f32 to vector<16xf32>
        %mul3A_280 = arith.mulf %mul3A_279, %mul3A_277 : vector<16xf32>
        %mul3A_281 = arith.mulf %mul3A_280, %add3A_276 : vector<16xf32>
        %add3A_282 = arith.addf %add3A_276, %mul3A_281 : vector<16xf32>
        %mul3A_283 = arith.constant 1.59576917 : f32
        %mul3A_284 = vector.broadcast %mul3A_283 : f32 to vector<16xf32>
        %mul3A_285 = arith.mulf %mul3A_284, %add3A_282 : vector<16xf32>
        %neg3A_286 = arith.constant 0.000000e+00 : f32
        %neg3A_287 = vector.broadcast %neg3A_286 : f32 to vector<16xf32>
        %neg3A_288 = arith.subf %neg3A_287, %mul3A_285 : vector<16xf32>
        %exp3A_289 = math.exp %neg3A_288 : vector<16xf32>
        %add3A_290 = arith.constant 1.000000e+00 : f32
        %add3A_291 = vector.broadcast %add3A_290 : f32 to vector<16xf32>
        %add3A_292 = arith.addf %add3A_291, %exp3A_289 : vector<16xf32>
        %div3A_293 = arith.divf %add3A_276, %add3A_292 : vector<16xf32>
        %mul3A_294 = arith.mulf %div3A_293, %get3A_188 : vector<16xf32>
        %swap3A_295 = arith.index_cast %scan3A_184 : i32 to index
        %swap3A_296 = arith.constant 48 : index
        %swap3A_297 = tpu.vector_load %arg15[%swap3A_295, %swap3A_296] {strides = array<i32>} : memref<96x128xf32, #tpu.memory_space<vmem>>, vector<16xf32>,
        tpu.vector_store %arg15[%swap3A_295, %swap3A_296], %mul3A_294 {strides = array<i32>} : memref<96x128xf32, #tpu.memory_space<vmem>>, vector<16xf32>,
        %scan3A_298 = arith.constant 0 : i32
        scf.yield %scan3A_298 : i32
      }
      %scan3A_144 = arith.constant 96 : i32
      "tpu.region"() ({
        %run_scoped3A = tpu.sem_alloc : memref<!tpu.dma_semaphore, #tpu.memory_space<semaphore_mem>>
        %dma_start3A_184 = arith.constant 0 : i32
        %dma_start3A_185 = arith.constant 0 : i32
        %dma_start3A_186 = tpu.memref_slice %arg8[%dma_start3A_184, %dma_start3A_185] : memref<5000x128xf32, #tpu.memory_space<vmem_shared>> -> memref<5000x128xf32, #tpu.memory_space<vmem_shared>>
        tpu.enqueue_indirect_dma source(%arg15 : memref<96x128xf32, #tpu.memory_space<vmem>>) target(%dma_start3A_186 : memref<5000x128xf32, #tpu.memory_space<vmem_shared>>) offsets(%arg13 : memref<96xi32, #tpu.memory_space<vmem>>) semaphore(%run_scoped3A : memref<!tpu.dma_semaphore, #tpu.memory_space<semaphore_mem>>) {add = true}
        %dma_wait3A_187 = arith.constant 0 : i32
        %dma_wait3A_188 = arith.constant 0 : i32
        %dma_wait3A_189 = tpu.memref_slice %arg8[%dma_wait3A_187, %dma_wait3A_188] : memref<5000x128xf32, #tpu.memory_space<vmem_shared>> -> memref<5000x128xf32, #tpu.memory_space<vmem_shared>>
        tpu.wait_indirect_dma semaphore(%run_scoped3A : memref<!tpu.dma_semaphore, #tpu.memory_space<semaphore_mem>>) src(%arg15 : memref<96x128xf32, #tpu.memory_space<vmem>>) dst(%dma_wait3A_189 : memref<5000x128xf32, #tpu.memory_space<vmem_shared>>)
        tpu.yield
      }) : () -> ()
      %add3A_145 = arith.constant 2 : i32
      %add3A_146 = arith.addi %add3A_125, %add3A_145 : i32
      %le3A_147 = arith.constant 103 : i32
      %le3A_148 = arith.cmpi sle, %add3A_146, %le3A_147 : i32
      %convert_element_type3A_149 = arith.extui %le3A_148 : i1 to i32
      %cond3A_150 = arith.constant 0 : i32
      %cond3A_151 = arith.cmpi ne, %convert_element_type3A_149, %cond3A_150 : i32
      scf.if %cond3A_151 {
        %add3A_184 = arith.constant 2 : i32
        %add3A_185 = arith.addi %add3A_125, %add3A_184 : i32
        %mul3A_186 = arith.constant 96 : i32
        %mul3A_187 = arith.muli %add3A_185, %mul3A_186 : i32
        %add3A_188 = arith.addi %mul3A_2, %mul3A_187 : i32
        %dma_start3A_189 = tpu.memref_slice %arg2[%add3A_188] : memref<320000xi32, #tpu.memory_space<hbm>> -> memref<96xi32, #tpu.memory_space<hbm>>
        %dma_start3A_190 = tpu.memref_slice %arg2[%add3A_188] : memref<320000xi32, #tpu.memory_space<hbm>> -> memref<96xi32, #tpu.memory_space<hbm>>
        tpu.enqueue_dma source(%dma_start3A_190 : memref<96xi32, #tpu.memory_space<hbm>>) target(%arg9 : memref<96xi32, #tpu.memory_space<vmem>>) target_semaphore(%arg24 : memref<!tpu.dma_semaphore, #tpu.memory_space<semaphore_mem>>)
        %dma_start3A_191 = tpu.memref_slice %arg3[%add3A_188] : memref<320000xi32, #tpu.memory_space<hbm>> -> memref<96xi32, #tpu.memory_space<hbm>>
        %dma_start3A_192 = tpu.memref_slice %arg3[%add3A_188] : memref<320000xi32, #tpu.memory_space<hbm>> -> memref<96xi32, #tpu.memory_space<hbm>>
        tpu.enqueue_dma source(%dma_start3A_192 : memref<96xi32, #tpu.memory_space<hbm>>) target(%arg11 : memref<96xi32, #tpu.memory_space<vmem>>) target_semaphore(%arg24 : memref<!tpu.dma_semaphore, #tpu.memory_space<semaphore_mem>>)
      } else {
      }
      %mul3A_152 = arith.constant 2 : i32
      %mul3A_153 = arith.muli %mul3A_152, %scan3A_120 : i32
      %add3A_154 = arith.constant 1 : i32
      %add3A_155 = arith.addi %mul3A_153, %add3A_154 : i32
      %add3A_156 = arith.constant 1 : i32
      %add3A_157 = arith.addi %add3A_155, %add3A_156 : i32
      %le3A_158 = arith.constant 103 : i32
      %le3A_159 = arith.cmpi sle, %add3A_157, %le3A_158 : i32
      %convert_element_type3A_160 = arith.extui %le3A_159 : i1 to i32
      %cond3A_161 = arith.constant 0 : i32
      %cond3A_162 = arith.cmpi ne, %convert_element_type3A_160, %cond3A_161 : i32
      scf.if %cond3A_162 {
        %dma_wait3A_184 = arith.constant 0 : i32
        %dma_wait3A_185 = tpu.memref_slice %arg2[%dma_wait3A_184] : memref<320000xi32, #tpu.memory_space<hbm>> -> memref<96xi32, #tpu.memory_space<hbm>>
        %dma_wait3A_186 = arith.constant 0 : i32
        %dma_wait3A_187 = tpu.memref_slice %arg2[%dma_wait3A_186] : memref<320000xi32, #tpu.memory_space<hbm>> -> memref<96xi32, #tpu.memory_space<hbm>>
        tpu.wait_dma2 semaphore(%arg24 : memref<!tpu.dma_semaphore, #tpu.memory_space<semaphore_mem>>) src(%dma_wait3A_187 : memref<96xi32, #tpu.memory_space<hbm>>) dst(%arg9 : memref<96xi32, #tpu.memory_space<vmem>>)
        %dma_wait3A_188 = arith.constant 0 : i32
        %dma_wait3A_189 = tpu.memref_slice %arg3[%dma_wait3A_188] : memref<320000xi32, #tpu.memory_space<hbm>> -> memref<96xi32, #tpu.memory_space<hbm>>
        %dma_wait3A_190 = arith.constant 0 : i32
        %dma_wait3A_191 = tpu.memref_slice %arg3[%dma_wait3A_190] : memref<320000xi32, #tpu.memory_space<hbm>> -> memref<96xi32, #tpu.memory_space<hbm>>
        tpu.wait_dma2 semaphore(%arg24 : memref<!tpu.dma_semaphore, #tpu.memory_space<semaphore_mem>>) src(%dma_wait3A_191 : memref<96xi32, #tpu.memory_space<hbm>>) dst(%arg11 : memref<96xi32, #tpu.memory_space<vmem>>)
        %dma_start3A_192 = arith.constant 0 : i32
        %dma_start3A_193 = arith.constant 0 : i32
        %dma_start3A_194 = tpu.memref_slice %arg4[%dma_start3A_192, %dma_start3A_193] : memref<65536x128xf32, #tpu.memory_space<hbm>> -> memref<65536x128xf32, #tpu.memory_space<hbm>>
        tpu.enqueue_indirect_dma source(%dma_start3A_194 : memref<65536x128xf32, #tpu.memory_space<hbm>>) target(%arg15 : memref<96x128xf32, #tpu.memory_space<vmem>>) offsets(%arg11 : memref<96xi32, #tpu.memory_space<vmem>>) semaphore(%arg26 : memref<!tpu.dma_semaphore, #tpu.memory_space<semaphore_mem>>)
        %dma_start3A_195 = arith.constant 0 : i32
        %dma_start3A_196 = arith.constant 0 : i32
        %dma_start3A_197 = tpu.memref_slice %arg5[%dma_start3A_195, %dma_start3A_196] : memref<10000x128xf32, #tpu.memory_space<hbm>> -> memref<10000x128xf32, #tpu.memory_space<hbm>>
        tpu.enqueue_indirect_dma source(%dma_start3A_197 : memref<10000x128xf32, #tpu.memory_space<hbm>>) target(%arg17 : memref<96x128xf32, #tpu.memory_space<vmem>>) offsets(%arg9 : memref<96xi32, #tpu.memory_space<vmem>>) semaphore(%arg28 : memref<!tpu.dma_semaphore, #tpu.memory_space<semaphore_mem>>)
        %scan3A_198 = arith.constant 0 : i32
        %scan3A_199 = arith.constant 0 : i32
        %mul3A_200 = arith.constant 16 : i32
        %mul3A_201 = arith.muli %scan3A_199, %mul3A_200 : i32
        %get3A_202 = arith.index_cast %mul3A_201 : i32 to index
        %get3A_203 = tpu.vector_load %arg9[%get3A_202] {strides = array<i32>} : memref<96xi32, #tpu.memory_space<vmem>>, vector<16xi32>,
        %sub3A_204 = vector.broadcast %mul3A_4 : i32 to vector<16xi32>
        %sub3A_205 = arith.subi %get3A_203, %sub3A_204 : vector<16xi32>
        %swap3A_206 = arith.index_cast %mul3A_201 : i32 to index
        %swap3A_207 = tpu.vector_load %arg13[%swap3A_206] {strides = array<i32>} : memref<96xi32, #tpu.memory_space<vmem>>, vector<16xi32>,
        tpu.vector_store %arg13[%swap3A_206], %sub3A_205 {strides = array<i32>} : memref<96xi32, #tpu.memory_space<vmem>>, vector<16xi32>,
        %scan3A_208 = arith.constant 0 : i32
        %scan3A_209 = arith.constant 1 : i32
        %mul3A_210 = arith.constant 16 : i32
        %mul3A_211 = arith.muli %scan3A_209, %mul3A_210 : i32
        %get3A_212 = arith.index_cast %mul3A_211 : i32 to index
        %get3A_213 = tpu.vector_load %arg9[%get3A_212] {strides = array<i32>} : memref<96xi32, #tpu.memory_space<vmem>>, vector<16xi32>,
        %sub3A_214 = vector.broadcast %mul3A_4 : i32 to vector<16xi32>
        %sub3A_215 = arith.subi %get3A_213, %sub3A_214 : vector<16xi32>
        %swap3A_216 = arith.index_cast %mul3A_211 : i32 to index
        %swap3A_217 = tpu.vector_load %arg13[%swap3A_216] {strides = array<i32>} : memref<96xi32, #tpu.memory_space<vmem>>, vector<16xi32>,
        tpu.vector_store %arg13[%swap3A_216], %sub3A_215 {strides = array<i32>} : memref<96xi32, #tpu.memory_space<vmem>>, vector<16xi32>,
        %scan3A_218 = arith.constant 0 : i32
        %scan3A_219 = arith.constant 2 : i32
        %mul3A_220 = arith.constant 16 : i32
        %mul3A_221 = arith.muli %scan3A_219, %mul3A_220 : i32
        %get3A_222 = arith.index_cast %mul3A_221 : i32 to index
        %get3A_223 = tpu.vector_load %arg9[%get3A_222] {strides = array<i32>} : memref<96xi32, #tpu.memory_space<vmem>>, vector<16xi32>,
        %sub3A_224 = vector.broadcast %mul3A_4 : i32 to vector<16xi32>
        %sub3A_225 = arith.subi %get3A_223, %sub3A_224 : vector<16xi32>
        %swap3A_226 = arith.index_cast %mul3A_221 : i32 to index
        %swap3A_227 = tpu.vector_load %arg13[%swap3A_226] {strides = array<i32>} : memref<96xi32, #tpu.memory_space<vmem>>, vector<16xi32>,
        tpu.vector_store %arg13[%swap3A_226], %sub3A_225 {strides = array<i32>} : memref<96xi32, #tpu.memory_space<vmem>>, vector<16xi32>,
        %scan3A_228 = arith.constant 0 : i32
        %scan3A_229 = arith.constant 3 : i32
        %mul3A_230 = arith.constant 16 : i32
        %mul3A_231 = arith.muli %scan3A_229, %mul3A_230 : i32
        %get3A_232 = arith.index_cast %mul3A_231 : i32 to index
        %get3A_233 = tpu.vector_load %arg9[%get3A_232] {strides = array<i32>} : memref<96xi32, #tpu.memory_space<vmem>>, vector<16xi32>,
        %sub3A_234 = vector.broadcast %mul3A_4 : i32 to vector<16xi32>
        %sub3A_235 = arith.subi %get3A_233, %sub3A_234 : vector<16xi32>
        %swap3A_236 = arith.index_cast %mul3A_231 : i32 to index
        %swap3A_237 = tpu.vector_load %arg13[%swap3A_236] {strides = array<i32>} : memref<96xi32, #tpu.memory_space<vmem>>, vector<16xi32>,
        tpu.vector_store %arg13[%swap3A_236], %sub3A_235 {strides = array<i32>} : memref<96xi32, #tpu.memory_space<vmem>>, vector<16xi32>,
        %scan3A_238 = arith.constant 0 : i32
        %scan3A_239 = arith.constant 4 : i32
        %mul3A_240 = arith.constant 16 : i32
        %mul3A_241 = arith.muli %scan3A_239, %mul3A_240 : i32
        %get3A_242 = arith.index_cast %mul3A_241 : i32 to index
        %get3A_243 = tpu.vector_load %arg9[%get3A_242] {strides = array<i32>} : memref<96xi32, #tpu.memory_space<vmem>>, vector<16xi32>,
        %sub3A_244 = vector.broadcast %mul3A_4 : i32 to vector<16xi32>
        %sub3A_245 = arith.subi %get3A_243, %sub3A_244 : vector<16xi32>
        %swap3A_246 = arith.index_cast %mul3A_241 : i32 to index
        %swap3A_247 = tpu.vector_load %arg13[%swap3A_246] {strides = array<i32>} : memref<96xi32, #tpu.memory_space<vmem>>, vector<16xi32>,
        tpu.vector_store %arg13[%swap3A_246], %sub3A_245 {strides = array<i32>} : memref<96xi32, #tpu.memory_space<vmem>>, vector<16xi32>,
        %scan3A_248 = arith.constant 0 : i32
        %scan3A_249 = arith.constant 5 : i32
        %mul3A_250 = arith.constant 16 : i32
        %mul3A_251 = arith.muli %scan3A_249, %mul3A_250 : i32
        %get3A_252 = arith.index_cast %mul3A_251 : i32 to index
        %get3A_253 = tpu.vector_load %arg9[%get3A_252] {strides = array<i32>} : memref<96xi32, #tpu.memory_space<vmem>>, vector<16xi32>,
        %sub3A_254 = vector.broadcast %mul3A_4 : i32 to vector<16xi32>
        %sub3A_255 = arith.subi %get3A_253, %sub3A_254 : vector<16xi32>
        %swap3A_256 = arith.index_cast %mul3A_251 : i32 to index
        %swap3A_257 = tpu.vector_load %arg13[%swap3A_256] {strides = array<i32>} : memref<96xi32, #tpu.memory_space<vmem>>, vector<16xi32>,
        tpu.vector_store %arg13[%swap3A_256], %sub3A_255 {strides = array<i32>} : memref<96xi32, #tpu.memory_space<vmem>>, vector<16xi32>,
        %scan3A_258 = arith.constant 0 : i32
        %scan3A_259 = arith.constant 6 : i32
      } else {
      }
      %dma_wait3A_163 = arith.constant 0 : i32
      %dma_wait3A_164 = arith.constant 0 : i32
      %dma_wait3A_165 = tpu.memref_slice %arg4[%dma_wait3A_163, %dma_wait3A_164] : memref<65536x128xf32, #tpu.memory_space<hbm>> -> memref<65536x128xf32, #tpu.memory_space<hbm>>
      tpu.wait_indirect_dma semaphore(%arg27 : memref<!tpu.dma_semaphore, #tpu.memory_space<semaphore_mem>>) src(%dma_wait3A_165 : memref<65536x128xf32, #tpu.memory_space<hbm>>) dst(%arg16 : memref<96x128xf32, #tpu.memory_space<vmem>>)
      %dma_wait3A_166 = arith.constant 0 : i32
      %dma_wait3A_167 = arith.constant 0 : i32
      %dma_wait3A_168 = tpu.memref_slice %arg5[%dma_wait3A_166, %dma_wait3A_167] : memref<10000x128xf32, #tpu.memory_space<hbm>> -> memref<10000x128xf32, #tpu.memory_space<hbm>>
      tpu.wait_indirect_dma semaphore(%arg29 : memref<!tpu.dma_semaphore, #tpu.memory_space<semaphore_mem>>) src(%dma_wait3A_168 : memref<10000x128xf32, #tpu.memory_space<hbm>>) dst(%arg18 : memref<96x128xf32, #tpu.memory_space<vmem>>)
      %scan3A_169 = arith.constant 0 : i32
      %scan3A_170 = arith.constant 0 : i32
      %scan3A_171 = arith.constant 96 : i32
      %scan3A_172 = arith.addi %scan3A_170, %scan3A_171 : i32
      %scan3A_173 = arith.constant 1 : i32
      %scan3A_174 = scf.for %scan3A_184 = %scan3A_170 to %scan3A_172 step %scan3A_173 iter_args(%scan3A_185 = %scan3A_169) -> (i32)  : i32 {
        %get3A_186 = arith.index_cast %scan3A_184 : i32 to index
        %get3A_187 = arith.constant 64 : index
        %get3A_188 = tpu.vector_load %arg16[%get3A_186, %get3A_187] {strides = array<i32>} : memref<96x128xf32, #tpu.memory_space<vmem>>, vector<16xf32>,
        %get3A_189 = arith.index_cast %scan3A_184 : i32 to index
        %get3A_190 = arith.constant 0 : index
        %get3A_191 = tpu.vector_load %arg16[%get3A_189, %get3A_190] {strides = array<i32>} : memref<96x128xf32, #tpu.memory_space<vmem>>, vector<16xf32>,
        %get3A_192 = arith.index_cast %scan3A_184 : i32 to index
        %get3A_193 = arith.constant 0 : index
        %get3A_194 = tpu.vector_load %arg18[%get3A_192, %get3A_193] {strides = array<i32>} : memref<96x128xf32, #tpu.memory_space<vmem>>, vector<16xf32>,
        %add3A_195 = arith.addf %get3A_191, %get3A_194 : vector<16xf32>
        %mul3A_196 = arith.mulf %add3A_195, %add3A_195 : vector<16xf32>
        %mul3A_197 = arith.constant 4.471500e-02 : f32
        %mul3A_198 = vector.broadcast %mul3A_197 : f32 to vector<16xf32>
        %mul3A_199 = arith.mulf %mul3A_198, %mul3A_196 : vector<16xf32>
        %mul3A_200 = arith.mulf %mul3A_199, %add3A_195 : vector<16xf32>
        %add3A_201 = arith.addf %add3A_195, %mul3A_200 : vector<16xf32>
        %mul3A_202 = arith.constant 1.59576917 : f32
        %mul3A_203 = vector.broadcast %mul3A_202 : f32 to vector<16xf32>
        %mul3A_204 = arith.mulf %mul3A_203, %add3A_201 : vector<16xf32>
        %neg3A = arith.constant 0.000000e+00 : f32
        %neg3A_205 = vector.broadcast %neg3A : f32 to vector<16xf32>
        %neg3A_206 = arith.subf %neg3A_205, %mul3A_204 : vector<16xf32>
        %exp3A = math.exp %neg3A_206 : vector<16xf32>
        %add3A_207 = arith.constant 1.000000e+00 : f32
        %add3A_208 = vector.broadcast %add3A_207 : f32 to vector<16xf32>
        %add3A_209 = arith.addf %add3A_208, %exp3A : vector<16xf32>
        %div3A = arith.divf %add3A_195, %add3A_209 : vector<16xf32>
        %mul3A_210 = arith.mulf %div3A, %get3A_188 : vector<16xf32>
        %swap3A_211 = arith.index_cast %scan3A_184 : i32 to index
        %swap3A_212 = arith.constant 0 : index
        %swap3A_213 = tpu.vector_load %arg16[%swap3A_211, %swap3A_212] {strides = array<i32>} : memref<96x128xf32, #tpu.memory_space<vmem>>, vector<16xf32>,
        tpu.vector_store %arg16[%swap3A_211, %swap3A_212], %mul3A_210 {strides = array<i32>} : memref<96x128xf32, #tpu.memory_space<vmem>>, vector<16xf32>,
        %get3A_214 = arith.index_cast %scan3A_184 : i32 to index
        %get3A_215 = arith.constant 16 : index
        %get3A_216 = tpu.vector_load %arg16[%get3A_214, %get3A_215] {strides = array<i32>} : memref<96x128xf32, #tpu.memory_space<vmem>>, vector<16xf32>,
        %get3A_217 = arith.index_cast %scan3A_184 : i32 to index
        %get3A_218 = arith.constant 16 : index
        %get3A_219 = tpu.vector_load %arg18[%get3A_217, %get3A_218] {strides = array<i32>} : memref<96x128xf32, #tpu.memory_space<vmem>>, vector<16xf32>,
        %add3A_220 = arith.addf %get3A_216, %get3A_219 : vector<16xf32>
        %mul3A_221 = arith.mulf %add3A_220, %add3A_220 : vector<16xf32>
        %mul3A_222 = arith.constant 4.471500e-02 : f32
        %mul3A_223 = vector.broadcast %mul3A_222 : f32 to vector<16xf32>
        %mul3A_224 = arith.mulf %mul3A_223, %mul3A_221 : vector<16xf32>
        %mul3A_225 = arith.mulf %mul3A_224, %add3A_220 : vector<16xf32>
        %add3A_226 = arith.addf %add3A_220, %mul3A_225 : vector<16xf32>
        %mul3A_227 = arith.constant 1.59576917 : f32
        %mul3A_228 = vector.broadcast %mul3A_227 : f32 to vector<16xf32>
        %mul3A_229 = arith.mulf %mul3A_228, %add3A_226 : vector<16xf32>
        %neg3A_230 = arith.constant 0.000000e+00 : f32
        %neg3A_231 = vector.broadcast %neg3A_230 : f32 to vector<16xf32>
        %neg3A_232 = arith.subf %neg3A_231, %mul3A_229 : vector<16xf32>
        %exp3A_233 = math.exp %neg3A_232 : vector<16xf32>
        %add3A_234 = arith.constant 1.000000e+00 : f32
        %add3A_235 = vector.broadcast %add3A_234 : f32 to vector<16xf32>
        %add3A_236 = arith.addf %add3A_235, %exp3A_233 : vector<16xf32>
        %div3A_237 = arith.divf %add3A_220, %add3A_236 : vector<16xf32>
        %mul3A_238 = arith.mulf %div3A_237, %get3A_188 : vector<16xf32>
        %swap3A_239 = arith.index_cast %scan3A_184 : i32 to index
        %swap3A_240 = arith.constant 16 : index
        %swap3A_241 = tpu.vector_load %arg16[%swap3A_239, %swap3A_240] {strides = array<i32>} : memref<96x128xf32, #tpu.memory_space<vmem>>, vector<16xf32>,
        tpu.vector_store %arg16[%swap3A_239, %swap3A_240], %mul3A_238 {strides = array<i32>} : memref<96x128xf32, #tpu.memory_space<vmem>>, vector<16xf32>,
        %get3A_242 = arith.index_cast %scan3A_184 : i32 to index
        %get3A_243 = arith.constant 32 : index
        %get3A_244 = tpu.vector_load %arg16[%get3A_242, %get3A_243] {strides = array<i32>} : memref<96x128xf32, #tpu.memory_space<vmem>>, vector<16xf32>,
        %get3A_245 = arith.index_cast %scan3A_184 : i32 to index
        %get3A_246 = arith.constant 32 : index
        %get3A_247 = tpu.vector_load %arg18[%get3A_245, %get3A_246] {strides = array<i32>} : memref<96x128xf32, #tpu.memory_space<vmem>>, vector<16xf32>,
        %add3A_248 = arith.addf %get3A_244, %get3A_247 : vector<16xf32>
        %mul3A_249 = arith.mulf %add3A_248, %add3A_248 : vector<16xf32>
        %mul3A_250 = arith.constant 4.471500e-02 : f32
        %mul3A_251 = vector.broadcast %mul3A_250 : f32 to vector<16xf32>
        %mul3A_252 = arith.mulf %mul3A_251, %mul3A_249 : vector<16xf32>
        %mul3A_253 = arith.mulf %mul3A_252, %add3A_248 : vector<16xf32>
        %add3A_254 = arith.addf %add3A_248, %mul3A_253 : vector<16xf32>
        %mul3A_255 = arith.constant 1.59576917 : f32
        %mul3A_256 = vector.broadcast %mul3A_255 : f32 to vector<16xf32>
        %mul3A_257 = arith.mulf %mul3A_256, %add3A_254 : vector<16xf32>
        %neg3A_258 = arith.constant 0.000000e+00 : f32
        %neg3A_259 = vector.broadcast %neg3A_258 : f32 to vector<16xf32>
        %neg3A_260 = arith.subf %neg3A_259, %mul3A_257 : vector<16xf32>
        %exp3A_261 = math.exp %neg3A_260 : vector<16xf32>
        %add3A_262 = arith.constant 1.000000e+00 : f32
        %add3A_263 = vector.broadcast %add3A_262 : f32 to vector<16xf32>
        %add3A_264 = arith.addf %add3A_263, %exp3A_261 : vector<16xf32>
        %div3A_265 = arith.divf %add3A_248, %add3A_264 : vector<16xf32>
        %mul3A_266 = arith.mulf %div3A_265, %get3A_188 : vector<16xf32>
        %swap3A_267 = arith.index_cast %scan3A_184 : i32 to index
        %swap3A_268 = arith.constant 32 : index
        %swap3A_269 = tpu.vector_load %arg16[%swap3A_267, %swap3A_268] {strides = array<i32>} : memref<96x128xf32, #tpu.memory_space<vmem>>, vector<16xf32>,
        tpu.vector_store %arg16[%swap3A_267, %swap3A_268], %mul3A_266 {strides = array<i32>} : memref<96x128xf32, #tpu.memory_space<vmem>>, vector<16xf32>,
        %get3A_270 = arith.index_cast %scan3A_184 : i32 to index
        %get3A_271 = arith.constant 48 : index
        %get3A_272 = tpu.vector_load %arg16[%get3A_270, %get3A_271] {strides = array<i32>} : memref<96x128xf32, #tpu.memory_space<vmem>>, vector<16xf32>,
        %get3A_273 = arith.index_cast %scan3A_184 : i32 to index
        %get3A_274 = arith.constant 48 : index
        %get3A_275 = tpu.vector_load %arg18[%get3A_273, %get3A_274] {strides = array<i32>} : memref<96x128xf32, #tpu.memory_space<vmem>>, vector<16xf32>,
        %add3A_276 = arith.addf %get3A_272, %get3A_275 : vector<16xf32>
        %mul3A_277 = arith.mulf %add3A_276, %add3A_276 : vector<16xf32>
        %mul3A_278 = arith.constant 4.471500e-02 : f32
        %mul3A_279 = vector.broadcast %mul3A_278 : f32 to vector<16xf32>
        %mul3A_280 = arith.mulf %mul3A_279, %mul3A_277 : vector<16xf32>
        %mul3A_281 = arith.mulf %mul3A_280, %add3A_276 : vector<16xf32>
        %add3A_282 = arith.addf %add3A_276, %mul3A_281 : vector<16xf32>
        %mul3A_283 = arith.constant 1.59576917 : f32
        %mul3A_284 = vector.broadcast %mul3A_283 : f32 to vector<16xf32>
        %mul3A_285 = arith.mulf %mul3A_284, %add3A_282 : vector<16xf32>
        %neg3A_286 = arith.constant 0.000000e+00 : f32
        %neg3A_287 = vector.broadcast %neg3A_286 : f32 to vector<16xf32>
        %neg3A_288 = arith.subf %neg3A_287, %mul3A_285 : vector<16xf32>
        %exp3A_289 = math.exp %neg3A_288 : vector<16xf32>
        %add3A_290 = arith.constant 1.000000e+00 : f32
        %add3A_291 = vector.broadcast %add3A_290 : f32 to vector<16xf32>
        %add3A_292 = arith.addf %add3A_291, %exp3A_289 : vector<16xf32>
        %div3A_293 = arith.divf %add3A_276, %add3A_292 : vector<16xf32>
        %mul3A_294 = arith.mulf %div3A_293, %get3A_188 : vector<16xf32>
        %swap3A_295 = arith.index_cast %scan3A_184 : i32 to index
        %swap3A_296 = arith.constant 48 : index
        %swap3A_297 = tpu.vector_load %arg16[%swap3A_295, %swap3A_296] {strides = array<i32>} : memref<96x128xf32, #tpu.memory_space<vmem>>, vector<16xf32>,
        tpu.vector_store %arg16[%swap3A_295, %swap3A_296], %mul3A_294 {strides = array<i32>} : memref<96x128xf32, #tpu.memory_space<vmem>>, vector<16xf32>,
        %scan3A_298 = arith.constant 0 : i32
        scf.yield %scan3A_298 : i32
      }
      %scan3A_175 = arith.constant 96 : i32
      "tpu.region"() ({
        %run_scoped3A = tpu.sem_alloc : memref<!tpu.dma_semaphore, #tpu.memory_space<semaphore_mem>>
        %dma_start3A_184 = arith.constant 0 : i32
        %dma_start3A_185 = arith.constant 0 : i32
        %dma_start3A_186 = tpu.memref_slice %arg8[%dma_start3A_184, %dma_start3A_185] : memref<5000x128xf32, #tpu.memory_space<vmem_shared>> -> memref<5000x128xf32, #tpu.memory_space<vmem_shared>>
        tpu.enqueue_indirect_dma source(%arg16 : memref<96x128xf32, #tpu.memory_space<vmem>>) target(%dma_start3A_186 : memref<5000x128xf32, #tpu.memory_space<vmem_shared>>) offsets(%arg14 : memref<96xi32, #tpu.memory_space<vmem>>) semaphore(%run_scoped3A : memref<!tpu.dma_semaphore, #tpu.memory_space<semaphore_mem>>) {add = true}
        %dma_wait3A_187 = arith.constant 0 : i32
        %dma_wait3A_188 = arith.constant 0 : i32
        %dma_wait3A_189 = tpu.memref_slice %arg8[%dma_wait3A_187, %dma_wait3A_188] : memref<5000x128xf32, #tpu.memory_space<vmem_shared>> -> memref<5000x128xf32, #tpu.memory_space<vmem_shared>>
        tpu.wait_indirect_dma semaphore(%run_scoped3A : memref<!tpu.dma_semaphore, #tpu.memory_space<semaphore_mem>>) src(%arg16 : memref<96x128xf32, #tpu.memory_space<vmem>>) dst(%dma_wait3A_189 : memref<5000x128xf32, #tpu.memory_space<vmem_shared>>)
        tpu.yield
      }) : () -> ()
      %add3A_176 = arith.constant 2 : i32
      %add3A_177 = arith.addi %add3A_155, %add3A_176 : i32
      %le3A_178 = arith.constant 103 : i32
      %le3A_179 = arith.cmpi sle, %add3A_177, %le3A_178 : i32
      %convert_element_type3A_180 = arith.extui %le3A_179 : i1 to i32
      %cond3A_181 = arith.constant 0 : i32
      %cond3A_182 = arith.cmpi ne, %convert_element_type3A_180, %cond3A_181 : i32
      scf.if %cond3A_182 {
        %add3A_184 = arith.constant 2 : i32
        %add3A_185 = arith.addi %add3A_155, %add3A_184 : i32
        %mul3A_186 = arith.constant 96 : i32
        %mul3A_187 = arith.muli %add3A_185, %mul3A_186 : i32
        %add3A_188 = arith.addi %mul3A_2, %mul3A_187 : i32
        %dma_start3A_189 = tpu.memref_slice %arg2[%add3A_188] : memref<320000xi32, #tpu.memory_space<hbm>> -> memref<96xi32, #tpu.memory_space<hbm>>
        %dma_start3A_190 = tpu.memref_slice %arg2[%add3A_188] : memref<320000xi32, #tpu.memory_space<hbm>> -> memref<96xi32, #tpu.memory_space<hbm>>
        tpu.enqueue_dma source(%dma_start3A_190 : memref<96xi32, #tpu.memory_space<hbm>>) target(%arg10 : memref<96xi32, #tpu.memory_space<vmem>>) target_semaphore(%arg25 : memref<!tpu.dma_semaphore, #tpu.memory_space<semaphore_mem>>)
        %dma_start3A_191 = tpu.memref_slice %arg3[%add3A_188] : memref<320000xi32, #tpu.memory_space<hbm>> -> memref<96xi32, #tpu.memory_space<hbm>>
        %dma_start3A_192 = tpu.memref_slice %arg3[%add3A_188] : memref<320000xi32, #tpu.memory_space<hbm>> -> memref<96xi32, #tpu.memory_space<hbm>>
        tpu.enqueue_dma source(%dma_start3A_192 : memref<96xi32, #tpu.memory_space<hbm>>) target(%arg12 : memref<96xi32, #tpu.memory_space<vmem>>) target_semaphore(%arg25 : memref<!tpu.dma_semaphore, #tpu.memory_space<semaphore_mem>>)
      } else {
      }
      %scan3A_183 = arith.constant 0 : i32
      scf.yield %scan3A_183 : i32
    }
    %scan3A_82 = arith.constant 52 : i32
    %add3A_83 = arith.constant 9984 : i32
    %add3A_84 = arith.addi %mul3A_2, %add3A_83 : i32
    "tpu.region"() ({
      %run_scoped3A = tpu.sem_alloc : memref<!tpu.dma_semaphore, #tpu.memory_space<semaphore_mem>>
      %dma_start3A_120 = tpu.memref_slice %arg2[%add3A_84] : memref<320000xi32, #tpu.memory_space<hbm>> -> memref<16xi32, #tpu.memory_space<hbm>>
      %dma_start3A_121 = tpu.memref_slice %arg2[%add3A_84] : memref<320000xi32, #tpu.memory_space<hbm>> -> memref<16xi32, #tpu.memory_space<hbm>>
      tpu.enqueue_dma source(%dma_start3A_121 : memref<16xi32, #tpu.memory_space<hbm>>) target(%arg19 : memref<16xi32, #tpu.memory_space<vmem>>) target_semaphore(%run_scoped3A : memref<!tpu.dma_semaphore, #tpu.memory_space<semaphore_mem>>)
      %dma_wait3A_122 = tpu.memref_slice %arg2[%add3A_84] : memref<320000xi32, #tpu.memory_space<hbm>> -> memref<16xi32, #tpu.memory_space<hbm>>
      %dma_wait3A_123 = tpu.memref_slice %arg2[%add3A_84] : memref<320000xi32, #tpu.memory_space<hbm>> -> memref<16xi32, #tpu.memory_space<hbm>>
      tpu.wait_dma2 semaphore(%run_scoped3A : memref<!tpu.dma_semaphore, #tpu.memory_space<semaphore_mem>>) src(%dma_wait3A_123 : memref<16xi32, #tpu.memory_space<hbm>>) dst(%arg19 : memref<16xi32, #tpu.memory_space<vmem>>)
      tpu.yield
    }) : () -> ()
    "tpu.region"() ({
      %run_scoped3A = tpu.sem_alloc : memref<!tpu.dma_semaphore, #tpu.memory_space<semaphore_mem>>
      %dma_start3A_120 = tpu.memref_slice %arg3[%add3A_84] : memref<320000xi32, #tpu.memory_space<hbm>> -> memref<16xi32, #tpu.memory_space<hbm>>
      %dma_start3A_121 = tpu.memref_slice %arg3[%add3A_84] : memref<320000xi32, #tpu.memory_space<hbm>> -> memref<16xi32, #tpu.memory_space<hbm>>
      tpu.enqueue_dma source(%dma_start3A_121 : memref<16xi32, #tpu.memory_space<hbm>>) target(%arg20 : memref<16xi32, #tpu.memory_space<vmem>>) target_semaphore(%run_scoped3A : memref<!tpu.dma_semaphore, #tpu.memory_space<semaphore_mem>>)
      %dma_wait3A_122 = tpu.memref_slice %arg3[%add3A_84] : memref<320000xi32, #tpu.memory_space<hbm>> -> memref<16xi32, #tpu.memory_space<hbm>>
      %dma_wait3A_123 = tpu.memref_slice %arg3[%add3A_84] : memref<320000xi32, #tpu.memory_space<hbm>> -> memref<16xi32, #tpu.memory_space<hbm>>
      tpu.wait_dma2 semaphore(%run_scoped3A : memref<!tpu.dma_semaphore, #tpu.memory_space<semaphore_mem>>) src(%dma_wait3A_123 : memref<16xi32, #tpu.memory_space<hbm>>) dst(%arg20 : memref<16xi32, #tpu.memory_space<vmem>>)
      tpu.yield
    }) : () -> ()
    %dma_start3A_85 = arith.constant 0 : i32
    %dma_start3A_86 = arith.constant 0 : i32
    %dma_start3A_87 = tpu.memref_slice %arg4[%dma_start3A_85, %dma_start3A_86] : memref<65536x128xf32, #tpu.memory_space<hbm>> -> memref<65536x128xf32, #tpu.memory_space<hbm>>
    tpu.enqueue_indirect_dma source(%dma_start3A_87 : memref<65536x128xf32, #tpu.memory_space<hbm>>) target(%arg22 : memref<16x128xf32, #tpu.memory_space<vmem>>) offsets(%arg20 : memref<16xi32, #tpu.memory_space<vmem>>) semaphore(%arg26 : memref<!tpu.dma_semaphore, #tpu.memory_space<semaphore_mem>>)
    %dma_start3A_88 = arith.constant 0 : i32
    %dma_start3A_89 = arith.constant 0 : i32
    %dma_start3A_90 = tpu.memref_slice %arg5[%dma_start3A_88, %dma_start3A_89] : memref<10000x128xf32, #tpu.memory_space<hbm>> -> memref<10000x128xf32, #tpu.memory_space<hbm>>
    tpu.enqueue_indirect_dma source(%dma_start3A_90 : memref<10000x128xf32, #tpu.memory_space<hbm>>) target(%arg23 : memref<16x128xf32, #tpu.memory_space<vmem>>) offsets(%arg19 : memref<16xi32, #tpu.memory_space<vmem>>) semaphore(%arg28 : memref<!tpu.dma_semaphore, #tpu.memory_space<semaphore_mem>>)
    %scan3A_91 = arith.constant 0 : i32
    %scan3A_92 = arith.constant 0 : i32
    %mul3A_93 = arith.constant 16 : i32
    %mul3A_94 = arith.muli %scan3A_92, %mul3A_93 : i32
    %get3A_95 = arith.index_cast %mul3A_94 : i32 to index
    %get3A_96 = tpu.vector_load %arg19[%get3A_95] {strides = array<i32>} : memref<16xi32, #tpu.memory_space<vmem>>, vector<16xi32>,
    %sub3A_97 = vector.broadcast %mul3A_4 : i32 to vector<16xi32>
    %sub3A_98 = arith.subi %get3A_96, %sub3A_97 : vector<16xi32>
    %swap3A_99 = arith.index_cast %mul3A_94 : i32 to index
    %swap3A_100 = tpu.vector_load %arg21[%swap3A_99] {strides = array<i32>} : memref<16xi32, #tpu.memory_space<vmem>>, vector<16xi32>,
    tpu.vector_store %arg21[%swap3A_99], %sub3A_98 {strides = array<i32>} : memref<16xi32, #tpu.memory_space<vmem>>, vector<16xi32>,
    %scan3A_101 = arith.constant 0 : i32
    %scan3A_102 = arith.constant 1 : i32
    %dma_wait3A = arith.constant 0 : i32
    %dma_wait3A_103 = arith.constant 0 : i32
    %dma_wait3A_104 = tpu.memref_slice %arg4[%dma_wait3A, %dma_wait3A_103] : memref<65536x128xf32, #tpu.memory_space<hbm>> -> memref<65536x128xf32, #tpu.memory_space<hbm>>
    tpu.wait_indirect_dma semaphore(%arg26 : memref<!tpu.dma_semaphore, #tpu.memory_space<semaphore_mem>>) src(%dma_wait3A_104 : memref<65536x128xf32, #tpu.memory_space<hbm>>) dst(%arg22 : memref<16x128xf32, #tpu.memory_space<vmem>>)
    %dma_wait3A_105 = arith.constant 0 : i32
    %dma_wait3A_106 = arith.constant 0 : i32
    %dma_wait3A_107 = tpu.memref_slice %arg5[%dma_wait3A_105, %dma_wait3A_106] : memref<10000x128xf32, #tpu.memory_space<hbm>> -> memref<10000x128xf32, #tpu.memory_space<hbm>>
    tpu.wait_indirect_dma semaphore(%arg28 : memref<!tpu.dma_semaphore, #tpu.memory_space<semaphore_mem>>) src(%dma_wait3A_107 : memref<10000x128xf32, #tpu.memory_space<hbm>>) dst(%arg23 : memref<16x128xf32, #tpu.memory_space<vmem>>)
    %scan3A_108 = arith.constant 0 : i32
    %scan3A_109 = arith.constant 0 : i32
    %scan3A_110 = arith.constant 16 : i32
    %scan3A_111 = arith.addi %scan3A_109, %scan3A_110 : i32
    %scan3A_112 = arith.constant 1 : i32
    %scan3A_113 = scf.for %scan3A_120 = %scan3A_109 to %scan3A_111 step %scan3A_112 iter_args(%scan3A_121 = %scan3A_108) -> (i32)  : i32 {
      %get3A_122 = arith.index_cast %scan3A_120 : i32 to index
      %get3A_123 = arith.constant 64 : index
      %get3A_124 = tpu.vector_load %arg22[%get3A_122, %get3A_123] {strides = array<i32>} : memref<16x128xf32, #tpu.memory_space<vmem>>, vector<16xf32>,
      %get3A_125 = arith.index_cast %scan3A_120 : i32 to index
      %get3A_126 = arith.constant 0 : index
      %get3A_127 = tpu.vector_load %arg22[%get3A_125, %get3A_126] {strides = array<i32>} : memref<16x128xf32, #tpu.memory_space<vmem>>, vector<16xf32>,
      %get3A_128 = arith.index_cast %scan3A_120 : i32 to index
      %get3A_129 = arith.constant 0 : index
      %get3A_130 = tpu.vector_load %arg23[%get3A_128, %get3A_129] {strides = array<i32>} : memref<16x128xf32, #tpu.memory_space<vmem>>, vector<16xf32>,
      %add3A_131 = arith.addf %get3A_127, %get3A_130 : vector<16xf32>
      %mul3A_132 = arith.mulf %add3A_131, %add3A_131 : vector<16xf32>
      %mul3A_133 = arith.constant 4.471500e-02 : f32
      %mul3A_134 = vector.broadcast %mul3A_133 : f32 to vector<16xf32>
      %mul3A_135 = arith.mulf %mul3A_134, %mul3A_132 : vector<16xf32>
      %mul3A_136 = arith.mulf %mul3A_135, %add3A_131 : vector<16xf32>
      %add3A_137 = arith.addf %add3A_131, %mul3A_136 : vector<16xf32>
      %mul3A_138 = arith.constant 1.59576917 : f32
      %mul3A_139 = vector.broadcast %mul3A_138 : f32 to vector<16xf32>
      %mul3A_140 = arith.mulf %mul3A_139, %add3A_137 : vector<16xf32>
      %neg3A = arith.constant 0.000000e+00 : f32
      %neg3A_141 = vector.broadcast %neg3A : f32 to vector<16xf32>
      %neg3A_142 = arith.subf %neg3A_141, %mul3A_140 : vector<16xf32>
      %exp3A = math.exp %neg3A_142 : vector<16xf32>
      %add3A_143 = arith.constant 1.000000e+00 : f32
      %add3A_144 = vector.broadcast %add3A_143 : f32 to vector<16xf32>
      %add3A_145 = arith.addf %add3A_144, %exp3A : vector<16xf32>
      %div3A = arith.divf %add3A_131, %add3A_145 : vector<16xf32>
      %mul3A_146 = arith.mulf %div3A, %get3A_124 : vector<16xf32>
      %swap3A_147 = arith.index_cast %scan3A_120 : i32 to index
      %swap3A_148 = arith.constant 0 : index
      %swap3A_149 = tpu.vector_load %arg22[%swap3A_147, %swap3A_148] {strides = array<i32>} : memref<16x128xf32, #tpu.memory_space<vmem>>, vector<16xf32>,
      tpu.vector_store %arg22[%swap3A_147, %swap3A_148], %mul3A_146 {strides = array<i32>} : memref<16x128xf32, #tpu.memory_space<vmem>>, vector<16xf32>,
      %get3A_150 = arith.index_cast %scan3A_120 : i32 to index
      %get3A_151 = arith.constant 16 : index
      %get3A_152 = tpu.vector_load %arg22[%get3A_150, %get3A_151] {strides = array<i32>} : memref<16x128xf32, #tpu.memory_space<vmem>>, vector<16xf32>,
      %get3A_153 = arith.index_cast %scan3A_120 : i32 to index
      %get3A_154 = arith.constant 16 : index
      %get3A_155 = tpu.vector_load %arg23[%get3A_153, %get3A_154] {strides = array<i32>} : memref<16x128xf32, #tpu.memory_space<vmem>>, vector<16xf32>,
      %add3A_156 = arith.addf %get3A_152, %get3A_155 : vector<16xf32>
      %mul3A_157 = arith.mulf %add3A_156, %add3A_156 : vector<16xf32>
      %mul3A_158 = arith.constant 4.471500e-02 : f32
      %mul3A_159 = vector.broadcast %mul3A_158 : f32 to vector<16xf32>
      %mul3A_160 = arith.mulf %mul3A_159, %mul3A_157 : vector<16xf32>
      %mul3A_161 = arith.mulf %mul3A_160, %add3A_156 : vector<16xf32>
      %add3A_162 = arith.addf %add3A_156, %mul3A_161 : vector<16xf32>
      %mul3A_163 = arith.constant 1.59576917 : f32
      %mul3A_164 = vector.broadcast %mul3A_163 : f32 to vector<16xf32>
      %mul3A_165 = arith.mulf %mul3A_164, %add3A_162 : vector<16xf32>
      %neg3A_166 = arith.constant 0.000000e+00 : f32
      %neg3A_167 = vector.broadcast %neg3A_166 : f32 to vector<16xf32>
      %neg3A_168 = arith.subf %neg3A_167, %mul3A_165 : vector<16xf32>
      %exp3A_169 = math.exp %neg3A_168 : vector<16xf32>
      %add3A_170 = arith.constant 1.000000e+00 : f32
      %add3A_171 = vector.broadcast %add3A_170 : f32 to vector<16xf32>
      %add3A_172 = arith.addf %add3A_171, %exp3A_169 : vector<16xf32>
      %div3A_173 = arith.divf %add3A_156, %add3A_172 : vector<16xf32>
      %mul3A_174 = arith.mulf %div3A_173, %get3A_124 : vector<16xf32>
      %swap3A_175 = arith.index_cast %scan3A_120 : i32 to index
      %swap3A_176 = arith.constant 16 : index
      %swap3A_177 = tpu.vector_load %arg22[%swap3A_175, %swap3A_176] {strides = array<i32>} : memref<16x128xf32, #tpu.memory_space<vmem>>, vector<16xf32>,
      tpu.vector_store %arg22[%swap3A_175, %swap3A_176], %mul3A_174 {strides = array<i32>} : memref<16x128xf32, #tpu.memory_space<vmem>>, vector<16xf32>,
      %get3A_178 = arith.index_cast %scan3A_120 : i32 to index
      %get3A_179 = arith.constant 32 : index
      %get3A_180 = tpu.vector_load %arg22[%get3A_178, %get3A_179] {strides = array<i32>} : memref<16x128xf32, #tpu.memory_space<vmem>>, vector<16xf32>,
      %get3A_181 = arith.index_cast %scan3A_120 : i32 to index
      %get3A_182 = arith.constant 32 : index
      %get3A_183 = tpu.vector_load %arg23[%get3A_181, %get3A_182] {strides = array<i32>} : memref<16x128xf32, #tpu.memory_space<vmem>>, vector<16xf32>,
      %add3A_184 = arith.addf %get3A_180, %get3A_183 : vector<16xf32>
      %mul3A_185 = arith.mulf %add3A_184, %add3A_184 : vector<16xf32>
      %mul3A_186 = arith.constant 4.471500e-02 : f32
      %mul3A_187 = vector.broadcast %mul3A_186 : f32 to vector<16xf32>
      %mul3A_188 = arith.mulf %mul3A_187, %mul3A_185 : vector<16xf32>
      %mul3A_189 = arith.mulf %mul3A_188, %add3A_184 : vector<16xf32>
      %add3A_190 = arith.addf %add3A_184, %mul3A_189 : vector<16xf32>
      %mul3A_191 = arith.constant 1.59576917 : f32
      %mul3A_192 = vector.broadcast %mul3A_191 : f32 to vector<16xf32>
      %mul3A_193 = arith.mulf %mul3A_192, %add3A_190 : vector<16xf32>
      %neg3A_194 = arith.constant 0.000000e+00 : f32
      %neg3A_195 = vector.broadcast %neg3A_194 : f32 to vector<16xf32>
      %neg3A_196 = arith.subf %neg3A_195, %mul3A_193 : vector<16xf32>
      %exp3A_197 = math.exp %neg3A_196 : vector<16xf32>
      %add3A_198 = arith.constant 1.000000e+00 : f32
      %add3A_199 = vector.broadcast %add3A_198 : f32 to vector<16xf32>
      %add3A_200 = arith.addf %add3A_199, %exp3A_197 : vector<16xf32>
      %div3A_201 = arith.divf %add3A_184, %add3A_200 : vector<16xf32>
      %mul3A_202 = arith.mulf %div3A_201, %get3A_124 : vector<16xf32>
      %swap3A_203 = arith.index_cast %scan3A_120 : i32 to index
      %swap3A_204 = arith.constant 32 : index
      %swap3A_205 = tpu.vector_load %arg22[%swap3A_203, %swap3A_204] {strides = array<i32>} : memref<16x128xf32, #tpu.memory_space<vmem>>, vector<16xf32>,
      tpu.vector_store %arg22[%swap3A_203, %swap3A_204], %mul3A_202 {strides = array<i32>} : memref<16x128xf32, #tpu.memory_space<vmem>>, vector<16xf32>,
      %get3A_206 = arith.index_cast %scan3A_120 : i32 to index
      %get3A_207 = arith.constant 48 : index
      %get3A_208 = tpu.vector_load %arg22[%get3A_206, %get3A_207] {strides = array<i32>} : memref<16x128xf32, #tpu.memory_space<vmem>>, vector<16xf32>,
      %get3A_209 = arith.index_cast %scan3A_120 : i32 to index
      %get3A_210 = arith.constant 48 : index
      %get3A_211 = tpu.vector_load %arg23[%get3A_209, %get3A_210] {strides = array<i32>} : memref<16x128xf32, #tpu.memory_space<vmem>>, vector<16xf32>,
      %add3A_212 = arith.addf %get3A_208, %get3A_211 : vector<16xf32>
      %mul3A_213 = arith.mulf %add3A_212, %add3A_212 : vector<16xf32>
      %mul3A_214 = arith.constant 4.471500e-02 : f32
      %mul3A_215 = vector.broadcast %mul3A_214 : f32 to vector<16xf32>
      %mul3A_216 = arith.mulf %mul3A_215, %mul3A_213 : vector<16xf32>
      %mul3A_217 = arith.mulf %mul3A_216, %add3A_212 : vector<16xf32>
      %add3A_218 = arith.addf %add3A_212, %mul3A_217 : vector<16xf32>
      %mul3A_219 = arith.constant 1.59576917 : f32
      %mul3A_220 = vector.broadcast %mul3A_219 : f32 to vector<16xf32>
      %mul3A_221 = arith.mulf %mul3A_220, %add3A_218 : vector<16xf32>
      %neg3A_222 = arith.constant 0.000000e+00 : f32
      %neg3A_223 = vector.broadcast %neg3A_222 : f32 to vector<16xf32>
      %neg3A_224 = arith.subf %neg3A_223, %mul3A_221 : vector<16xf32>
      %exp3A_225 = math.exp %neg3A_224 : vector<16xf32>
      %add3A_226 = arith.constant 1.000000e+00 : f32
      %add3A_227 = vector.broadcast %add3A_226 : f32 to vector<16xf32>
      %add3A_228 = arith.addf %add3A_227, %exp3A_225 : vector<16xf32>
      %div3A_229 = arith.divf %add3A_212, %add3A_228 : vector<16xf32>
      %mul3A_230 = arith.mulf %div3A_229, %get3A_124 : vector<16xf32>
      %swap3A_231 = arith.index_cast %scan3A_120 : i32 to index
      %swap3A_232 = arith.constant 48 : index
      %swap3A_233 = tpu.vector_load %arg22[%swap3A_231, %swap3A_232] {strides = array<i32>} : memref<16x128xf32, #tpu.memory_space<vmem>>, vector<16xf32>,
      tpu.vector_store %arg22[%swap3A_231, %swap3A_232], %mul3A_230 {strides = array<i32>} : memref<16x128xf32, #tpu.memory_space<vmem>>, vector<16xf32>,
      %scan3A_234 = arith.constant 0 : i32
      scf.yield %scan3A_234 : i32
    }
    %scan3A_114 = arith.constant 16 : i32
    "tpu.region"() ({
      %run_scoped3A = tpu.sem_alloc : memref<!tpu.dma_semaphore, #tpu.memory_space<semaphore_mem>>
      %dma_start3A_120 = arith.constant 0 : i32
      %dma_start3A_121 = arith.constant 0 : i32
      %dma_start3A_122 = tpu.memref_slice %arg8[%dma_start3A_120, %dma_start3A_121] : memref<5000x128xf32, #tpu.memory_space<vmem_shared>> -> memref<5000x128xf32, #tpu.memory_space<vmem_shared>>
      tpu.enqueue_indirect_dma source(%arg22 : memref<16x128xf32, #tpu.memory_space<vmem>>) target(%dma_start3A_122 : memref<5000x128xf32, #tpu.memory_space<vmem_shared>>) offsets(%arg21 : memref<16xi32, #tpu.memory_space<vmem>>) semaphore(%run_scoped3A : memref<!tpu.dma_semaphore, #tpu.memory_space<semaphore_mem>>) {add = true}
      %dma_wait3A_123 = arith.constant 0 : i32
      %dma_wait3A_124 = arith.constant 0 : i32
      %dma_wait3A_125 = tpu.memref_slice %arg8[%dma_wait3A_123, %dma_wait3A_124] : memref<5000x128xf32, #tpu.memory_space<vmem_shared>> -> memref<5000x128xf32, #tpu.memory_space<vmem_shared>>
      tpu.wait_indirect_dma semaphore(%run_scoped3A : memref<!tpu.dma_semaphore, #tpu.memory_space<semaphore_mem>>) src(%arg22 : memref<16x128xf32, #tpu.memory_space<vmem>>) dst(%dma_wait3A_125 : memref<5000x128xf32, #tpu.memory_space<vmem_shared>>)
      tpu.yield
    }) : () -> ()
    %barrier3A_115 = arith.constant 0 : index
    tpu.barrier barrier_id(%barrier3A_115)
    %eq3A = arith.constant 0 : i32
    %eq3A_116 = arith.cmpi eq, %arg1, %eq3A : i32
    %convert_element_type3A_117 = arith.extui %eq3A_116 : i1 to i32
    %cond3A_118 = arith.constant 0 : i32
    %cond3A_119 = arith.cmpi ne, %convert_element_type3A_117, %cond3A_118 : i32
    scf.if %cond3A_119 {
      "tpu.region"() ({
        %run_scoped3A = tpu.sem_alloc : memref<!tpu.dma_semaphore, #tpu.memory_space<semaphore_mem>>
        %dma_start3A_120 = arith.constant 0 : i32
        %dma_start3A_121 = arith.constant 0 : i32
        %dma_start3A_122 = tpu.memref_slice %arg7[%arg0, %dma_start3A_120, %dma_start3A_121] : memref<2x5000x128xf32, #tpu.memory_space<hbm>> -> memref<1x5000x128xf32, #tpu.memory_space<hbm>>
        %dma_start3A_123 = tpu.memref_squeeze %dma_start3A_122 : memref<1x5000x128xf32, #tpu.memory_space<hbm>> -> memref<5000x128xf32, #tpu.memory_space<hbm>>
        tpu.enqueue_dma source(%arg8 : memref<5000x128xf32, #tpu.memory_space<vmem_shared>>) target(%dma_start3A_123 : memref<5000x128xf32, #tpu.memory_space<hbm>>) target_semaphore(%run_scoped3A : memref<!tpu.dma_semaphore, #tpu.memory_space<semaphore_mem>>)
        %dma_wait3A_124 = arith.constant 0 : i32
        %dma_wait3A_125 = arith.constant 0 : i32
        %dma_wait3A_126 = tpu.memref_slice %arg7[%arg0, %dma_wait3A_124, %dma_wait3A_125] : memref<2x5000x128xf32, #tpu.memory_space<hbm>> -> memref<1x5000x128xf32, #tpu.memory_space<hbm>>
        %dma_wait3A_127 = tpu.memref_squeeze %dma_wait3A_126 : memref<1x5000x128xf32, #tpu.memory_space<hbm>> -> memref<5000x128xf32, #tpu.memory_space<hbm>>
        tpu.wait_dma2 semaphore(%run_scoped3A : memref<!tpu.dma_semaphore, #tpu.memory_space<semaphore_mem>>) src(%arg8 : memref<5000x128xf32, #tpu.memory_space<vmem_shared>>) dst(%dma_wait3A_127 : memref<5000x128xf32, #tpu.memory_space<hbm>>)
        tpu.yield
      }) : () -> ()
    } else {
    }
    return
  }
}

module attributes {stable_mosaic.version = 14 : i64} {
  func.func @_v2_body(%arg0: i32, %arg1: memref<400x8xf32, #tpu.memory_space<vmem>>, %arg2: memref<8x64xf32, #tpu.memory_space<vmem>>, %arg3: memref<400x128xf32, #tpu.memory_space<vmem>>) attributes {dimension_semantics = [#tpu.dimension_semantics<arbitrary>], iteration_bounds = array<i64: 25>, scalar_prefetch = 0 : i64, scratch_operands = 0 : i64, tpu.core_type = #tpu.core_type<tc>, window_params = [{transform_indices = @transform_0, window_bounds = array<i64: 400, 8>}, {pipeline_mode = #tpu.pipeline_mode<synchronous>, transform_indices = @transform_1, window_bounds = array<i64: 8, 64>}, {transform_indices = @transform_2, window_bounds = array<i64: 400, 128>}]} {
    %get3A = arith.constant 0 : index
    %get3A_0 = arith.constant 0 : index
    %get3A_1 = vector.load %arg1[%get3A, %get3A_0] : memref<400x8xf32, #tpu.memory_space<vmem>>, vector<400x8xf32>
    %get3A_2 = arith.constant 0 : index
    %get3A_3 = arith.constant 0 : index
    %get3A_4 = vector.load %arg2[%get3A_2, %get3A_3] : memref<8x64xf32, #tpu.memory_space<vmem>>, vector<8x64xf32>
    %dot_general3A = arith.constant dense<0.000000e+00> : vector<400x64xf32>
    %dot_general3A_5 = tpu.matmul %get3A_1, %get3A_4, %dot_general3A {dimension_numbers = #tpu.dot_dimension_numbers<[1], [0], [0], [1], [0, 0, 1, 1], [], []>, transpose_lhs_hint = false} : vector<400x8xf32>, vector<8x64xf32>, vector<400x64xf32> -> vector<400x64xf32>
    %neg3A = arith.constant 0.000000e+00 : f32
    %neg3A_6 = vector.broadcast %neg3A : f32 to vector<400x64xf32>
    %neg3A_7 = arith.subf %neg3A_6, %dot_general3A_5 : vector<400x64xf32>
    %broadcast_in_dim3A = arith.constant 0.000000e+00 : f32
    %broadcast_in_dim3A_8 = vector.broadcast %broadcast_in_dim3A : f32 to vector<400x64xf32>
    %concatenate3A = tpu.concatenate %neg3A_7, %broadcast_in_dim3A_8 in 1 : vector<400x64xf32>, vector<400x64xf32> -> vector<400x128xf32>
    %swap3A = arith.constant 0 : index
    %swap3A_9 = arith.constant 0 : index
    %swap3A_10 = vector.load %arg3[%swap3A, %swap3A_9] : memref<400x128xf32, #tpu.memory_space<vmem>>, vector<400x128xf32>
    tpu.vector_store %arg3[%swap3A, %swap3A_9], %concatenate3A {strides = array<i32>} : memref<400x128xf32, #tpu.memory_space<vmem>>, vector<400x128xf32>,
    return
  }
  func.func @transform_0(%arg0: i32) -> (i32, i32) {
    %c0_i32 = arith.constant 0 : i32
    %c0_i32_0 = arith.constant 0 : i32
    return %arg0, %c0_i32 : i32, i32
  }
  func.func @transform_1(%arg0: i32) -> (i32, i32) {
    %c0_i32 = arith.constant 0 : i32
    %c0_i32_0 = arith.constant 0 : i32
    %c0_i32_1 = arith.constant 0 : i32
    return %c0_i32, %c0_i32_0 : i32, i32
  }
  func.func @transform_2(%arg0: i32) -> (i32, i32) {
    %c0_i32 = arith.constant 0 : i32
    %c0_i32_0 = arith.constant 0 : i32
    return %arg0, %c0_i32 : i32, i32
  }
}

module attributes {stable_mosaic.version = 14 : i64} {
  func.func @_u2_body(%arg0: i32, %arg1: i32, %arg2: memref<1024x8xf32, #tpu.memory_space<vmem>>, %arg3: memref<8x64xf32, #tpu.memory_space<vmem>>, %arg4: memref<1x64xf32, #tpu.memory_space<vmem>>, %arg5: memref<32x1024xf32, #tpu.memory_space<vmem>>, %arg6: memref<1024x128xf32, #tpu.memory_space<vmem>>) attributes {dimension_semantics = [#tpu.dimension_semantics<arbitrary>, #tpu.dimension_semantics<arbitrary>], iteration_bounds = array<i64: 2, 32>, scalar_prefetch = 0 : i64, scratch_operands = 0 : i64, tpu.core_type = #tpu.core_type<tc>, window_params = [{transform_indices = @transform_0, window_bounds = array<i64: 1024, 8>}, {pipeline_mode = #tpu.pipeline_mode<synchronous>, transform_indices = @transform_1, window_bounds = array<i64: 8, 64>}, {pipeline_mode = #tpu.pipeline_mode<synchronous>, transform_indices = @transform_2, window_bounds = array<i64: 1, 64>}, {transform_indices = @transform_3, window_bounds = array<i64: 32, 1024>}, {transform_indices = @transform_4, window_bounds = array<i64: 1024, 128>}]} {
    %get3A = arith.constant 0 : index
    %get3A_0 = arith.constant 0 : index
    %get3A_1 = vector.load %arg2[%get3A, %get3A_0] : memref<1024x8xf32, #tpu.memory_space<vmem>>, vector<1024x8xf32>
    %get3A_2 = arith.constant 0 : index
    %get3A_3 = arith.constant 0 : index
    %get3A_4 = vector.load %arg3[%get3A_2, %get3A_3] : memref<8x64xf32, #tpu.memory_space<vmem>>, vector<8x64xf32>
    %dot_general3A = arith.constant dense<0.000000e+00> : vector<1024x64xf32>
    %dot_general3A_5 = tpu.matmul %get3A_1, %get3A_4, %dot_general3A {dimension_numbers = #tpu.dot_dimension_numbers<[1], [0], [0], [1], [0, 0, 1, 1], [], []>, transpose_lhs_hint = false} : vector<1024x8xf32>, vector<8x64xf32>, vector<1024x64xf32> -> vector<1024x64xf32>
    %get3A_6 = arith.constant 0 : index
    %get3A_7 = arith.constant 0 : index
    %get3A_8 = vector.load %arg4[%get3A_6, %get3A_7] : memref<1x64xf32, #tpu.memory_space<vmem>>, vector<1x64xf32>
    %add3A = vector.broadcast %get3A_8 : vector<1x64xf32> to vector<1024x64xf32>
    %add3A_9 = arith.addf %dot_general3A_5, %add3A : vector<1024x64xf32>
    %get3A_10 = arith.constant 0 : index
    %get3A_11 = arith.constant 0 : index
    %get3A_12 = vector.load %arg5[%get3A_10, %get3A_11] : memref<32x1024xf32, #tpu.memory_space<vmem>>, vector<32x1024xf32>
    %reduce_sum3A = arith.constant dense<0.000000e+00> : vector<1024xf32>
    %reduce_sum3A_13 = vector.multi_reduction <add>, %get3A_12, %reduce_sum3A [0] : vector<32x1024xf32> to vector<1024xf32>
    %max3A = arith.constant 1.000000e+00 : f32
    %max3A_14 = vector.broadcast %max3A : f32 to vector<1024xf32>
    %max3A_15 = arith.maximumf %reduce_sum3A_13, %max3A_14 : vector<1024xf32>
    %div3A = arith.constant 1.000000e+00 : f32
    %div3A_16 = vector.broadcast %div3A : f32 to vector<1024xf32>
    %div3A_17 = arith.divf %div3A_16, %max3A_15 : vector<1024xf32>
    %reshape3A = vector.shape_cast %div3A_17 : vector<1024xf32> to vector<1024x1xf32>
    %broadcast_in_dim3A = vector.shape_cast %reshape3A : vector<1024x1xf32> to vector<1024x1xf32>
    %broadcast_in_dim3A_18 = vector.broadcast %broadcast_in_dim3A : vector<1024x1xf32> to vector<1024x16xf32>
    %broadcast_in_dim3A_19 = arith.constant 0.000000e+00 : f32
    %broadcast_in_dim3A_20 = vector.broadcast %broadcast_in_dim3A_19 : f32 to vector<1024x48xf32>
    %concatenate3A = tpu.concatenate %add3A_9, %broadcast_in_dim3A_18, %broadcast_in_dim3A_20 in 1 : vector<1024x64xf32>, vector<1024x16xf32>, vector<1024x48xf32> -> vector<1024x128xf32>
    %swap3A = arith.constant 0 : index
    %swap3A_21 = arith.constant 0 : index
    %swap3A_22 = vector.load %arg6[%swap3A, %swap3A_21] : memref<1024x128xf32, #tpu.memory_space<vmem>>, vector<1024x128xf32>
    tpu.vector_store %arg6[%swap3A, %swap3A_21], %concatenate3A {strides = array<i32>} : memref<1024x128xf32, #tpu.memory_space<vmem>>, vector<1024x128xf32>,
    return
  }
  func.func @transform_0(%arg0: i32, %arg1: i32) -> (i32, i32) {
    %c0_i32 = arith.constant 0 : i32
    %c0_i32_0 = arith.constant 0 : i32
    return %arg1, %c0_i32 : i32, i32
  }
  func.func @transform_1(%arg0: i32, %arg1: i32) -> (i32, i32) {
    %c0_i32 = arith.constant 0 : i32
    %c0_i32_0 = arith.constant 0 : i32
    %c0_i32_1 = arith.constant 0 : i32
    return %c0_i32, %c0_i32_0 : i32, i32
  }
  func.func @transform_2(%arg0: i32, %arg1: i32) -> (i32, i32) {
    %c0_i32 = arith.constant 0 : i32
    %c0_i32_0 = arith.constant 0 : i32
    %c0_i32_1 = arith.constant 0 : i32
    return %c0_i32, %c0_i32_0 : i32, i32
  }
  func.func @transform_3(%arg0: i32, %arg1: i32) -> (i32, i32) {
    %mul3A = arith.constant 32 : i32
    %mul3A_0 = arith.muli %arg0, %mul3A : i32
    %add3A = arith.addi %mul3A_0, %arg1 : i32
    %c0_i32 = arith.constant 0 : i32
    %c0_i32_1 = arith.constant 0 : i32
    return %c0_i32, %add3A : i32, i32
  }
  func.func @transform_4(%arg0: i32, %arg1: i32) -> (i32, i32) {
    %mul3A = arith.constant 32 : i32
    %mul3A_0 = arith.muli %arg0, %mul3A : i32
    %add3A = arith.addi %mul3A_0, %arg1 : i32
    %c0_i32 = arith.constant 0 : i32
    %c0_i32_1 = arith.constant 0 : i32
    return %add3A, %c0_i32 : i32, i32
  }
}

module attributes {stable_mosaic.version = 14 : i64} {
  func.func @_combine_body(%arg0: i32, %arg1: memref<400x128xf32, #tpu.memory_space<vmem>>, %arg2: memref<400x128xf32, #tpu.memory_space<vmem>>, %arg3: memref<400x1xi32, #tpu.memory_space<vmem>>, %arg4: memref<128x128xf32, #tpu.memory_space<vmem>>, %arg5: memref<1x128xf32, #tpu.memory_space<vmem>>, %arg6: memref<64x128xf32, #tpu.memory_space<vmem>>, %arg7: memref<1x128xf32, #tpu.memory_space<vmem>>, %arg8: memref<2x128xf32, #tpu.memory_space<vmem>>, %arg9: memref<2x128xf32, #tpu.memory_space<vmem>>) attributes {dimension_semantics = [#tpu.dimension_semantics<arbitrary>], iteration_bounds = array<i64: 25>, scalar_prefetch = 0 : i64, scratch_operands = 1 : i64, tpu.core_type = #tpu.core_type<tc>, window_params = [{transform_indices = @transform_0, window_bounds = array<i64: 400, 128>}, {transform_indices = @transform_1, window_bounds = array<i64: 400, 128>}, {transform_indices = @transform_2, window_bounds = array<i64: 400, 1>}, {pipeline_mode = #tpu.pipeline_mode<synchronous>, transform_indices = @transform_3, window_bounds = array<i64: 128, 128>}, {pipeline_mode = #tpu.pipeline_mode<synchronous>, transform_indices = @transform_4, window_bounds = array<i64: 1, 128>}, {pipeline_mode = #tpu.pipeline_mode<synchronous>, transform_indices = @transform_5, window_bounds = array<i64: 64, 128>}, {pipeline_mode = #tpu.pipeline_mode<synchronous>, transform_indices = @transform_6, window_bounds = array<i64: 1, 128>}, {pipeline_mode = #tpu.pipeline_mode<synchronous>, transform_indices = @transform_7, window_bounds = array<i64: 2, 128>}]} {
    %eq3A = arith.constant 0 : i32
    %eq3A_0 = arith.cmpi eq, %arg0, %eq3A : i32
    %convert_element_type3A = arith.extui %eq3A_0 : i1 to i32
    %cond3A = arith.constant 0 : i32
    %cond3A_1 = arith.cmpi ne, %convert_element_type3A, %cond3A : i32
    scf.if %cond3A_1 {
      %broadcast_in_dim3A = arith.constant 0.000000e+00 : f32
      %broadcast_in_dim3A_72 = vector.broadcast %broadcast_in_dim3A : f32 to vector<2x128xf32>
      %swap3A_73 = arith.constant 0 : index
      %swap3A_74 = arith.constant 0 : index
      %swap3A_75 = vector.load %arg9[%swap3A_73, %swap3A_74] : memref<2x128xf32, #tpu.memory_space<vmem>>, vector<2x128xf32>
      tpu.vector_store %arg9[%swap3A_73, %swap3A_74], %broadcast_in_dim3A_72 {strides = array<i32>} : memref<2x128xf32, #tpu.memory_space<vmem>>, vector<2x128xf32>,
    } else {
    }
    %get3A = arith.constant 0 : index
    %get3A_2 = arith.constant 0 : index
    %get3A_3 = vector.load %arg1[%get3A, %get3A_2] : memref<400x128xf32, #tpu.memory_space<vmem>>, vector<400x128xf32>
    %get3A_4 = arith.constant 0 : index
    %get3A_5 = arith.constant 0 : index
    %get3A_6 = vector.load %arg4[%get3A_4, %get3A_5] : memref<128x128xf32, #tpu.memory_space<vmem>>, vector<128x128xf32>
    %dot_general3A = arith.constant dense<0.000000e+00> : vector<400x128xf32>
    %dot_general3A_7 = tpu.matmul %get3A_3, %get3A_6, %dot_general3A {dimension_numbers = #tpu.dot_dimension_numbers<[1], [0], [0], [1], [0, 0, 1, 1], [], []>, transpose_lhs_hint = false} : vector<400x128xf32>, vector<128x128xf32>, vector<400x128xf32> -> vector<400x128xf32>
    %get3A_8 = arith.constant 0 : index
    %get3A_9 = arith.constant 0 : index
    %get3A_10 = vector.load %arg5[%get3A_8, %get3A_9] : memref<1x128xf32, #tpu.memory_space<vmem>>, vector<1x128xf32>
    %add3A = vector.broadcast %get3A_10 : vector<1x128xf32> to vector<400x128xf32>
    %add3A_11 = arith.addf %dot_general3A_7, %add3A : vector<400x128xf32>
    %get3A_12 = arith.constant 0 : index
    %get3A_13 = arith.constant 0 : index
    %get3A_14 = vector.load %arg2[%get3A_12, %get3A_13] : memref<400x128xf32, #tpu.memory_space<vmem>>, vector<400x128xf32>
    %slice3A = vector.extract_strided_slice %get3A_14 {offsets = [0, 0], sizes = [400, 64], strides = [1, 1]} : vector<400x128xf32> to vector<400x64xf32>
    %get3A_15 = arith.constant 0 : index
    %get3A_16 = arith.constant 0 : index
    %get3A_17 = vector.load %arg6[%get3A_15, %get3A_16] : memref<64x128xf32, #tpu.memory_space<vmem>>, vector<64x128xf32>
    %dot_general3A_18 = arith.constant dense<0.000000e+00> : vector<400x128xf32>
    %dot_general3A_19 = tpu.matmul %slice3A, %get3A_17, %dot_general3A_18 {dimension_numbers = #tpu.dot_dimension_numbers<[1], [0], [0], [1], [0, 0, 1, 1], [], []>, transpose_lhs_hint = false} : vector<400x64xf32>, vector<64x128xf32>, vector<400x128xf32> -> vector<400x128xf32>
    %slice3A_20 = vector.extract_strided_slice %get3A_14 {offsets = [0, 64], sizes = [400, 1], strides = [1, 1]} : vector<400x128xf32> to vector<400x1xf32>
    %get3A_21 = arith.constant 0 : index
    %get3A_22 = arith.constant 0 : index
    %get3A_23 = vector.load %arg7[%get3A_21, %get3A_22] : memref<1x128xf32, #tpu.memory_space<vmem>>, vector<1x128xf32>
    %mul3A = vector.broadcast %slice3A_20 : vector<400x1xf32> to vector<400x128xf32>
    %mul3A_24 = vector.broadcast %get3A_23 : vector<1x128xf32> to vector<400x128xf32>
    %mul3A_25 = arith.mulf %mul3A, %mul3A_24 : vector<400x128xf32>
    %add3A_26 = arith.addf %dot_general3A_19, %mul3A_25 : vector<400x128xf32>
    %mul3A_27 = arith.mulf %add3A_26, %add3A_11 : vector<400x128xf32>
    %get3A_28 = arith.constant 0 : index
    %get3A_29 = arith.constant 0 : index
    %get3A_30 = vector.load %arg3[%get3A_28, %get3A_29] : memref<400x1xi32, #tpu.memory_space<vmem>>, vector<400x1xi32>
    %eq3A_31 = arith.constant 0 : i32
    %eq3A_32 = vector.broadcast %eq3A_31 : i32 to vector<400x1xi32>
    %eq3A_33 = arith.cmpi eq, %get3A_30, %eq3A_32 : vector<400x1xi32>
    %convert_element_type3A_34 = arith.extui %eq3A_33 : vector<400x1xi1> to vector<400x1xi32>
    %convert_element_type3A_35 = arith.sitofp %convert_element_type3A_34 : vector<400x1xi32> to vector<400x1xf32>
    %get3A_36 = arith.constant 0 : index
    %get3A_37 = arith.constant 0 : index
    %get3A_38 = vector.load %arg9[%get3A_36, %get3A_37] : memref<2x128xf32, #tpu.memory_space<vmem>>, vector<1x128xf32>
    %get3A_39 = vector.shape_cast %get3A_38 : vector<1x128xf32> to vector<128xf32>
    %mul3A_40 = vector.broadcast %convert_element_type3A_35 : vector<400x1xf32> to vector<400x128xf32>
    %mul3A_41 = arith.mulf %mul3A_27, %mul3A_40 : vector<400x128xf32>
    %reduce_sum3A = arith.constant dense<0.000000e+00> : vector<128xf32>
    %reduce_sum3A_42 = vector.multi_reduction <add>, %mul3A_41, %reduce_sum3A [0] : vector<400x128xf32> to vector<128xf32>
    %add3A_43 = arith.addf %get3A_39, %reduce_sum3A_42 : vector<128xf32>
    %swap3A = arith.constant 0 : index
    %swap3A_44 = arith.constant 0 : index
    %swap3A_45 = vector.load %arg9[%swap3A, %swap3A_44] : memref<2x128xf32, #tpu.memory_space<vmem>>, vector<1x128xf32>
    %swap3A_46 = vector.shape_cast %swap3A_45 : vector<1x128xf32> to vector<128xf32>
    %swap3A_47 = vector.shape_cast %add3A_43 : vector<128xf32> to vector<1x128xf32>
    tpu.vector_store %arg9[%swap3A, %swap3A_44], %swap3A_47 {strides = array<i32>} : memref<2x128xf32, #tpu.memory_space<vmem>>, vector<1x128xf32>,
    %eq3A_48 = arith.constant 1 : i32
    %eq3A_49 = vector.broadcast %eq3A_48 : i32 to vector<400x1xi32>
    %eq3A_50 = arith.cmpi eq, %get3A_30, %eq3A_49 : vector<400x1xi32>
    %convert_element_type3A_51 = arith.extui %eq3A_50 : vector<400x1xi1> to vector<400x1xi32>
    %convert_element_type3A_52 = arith.sitofp %convert_element_type3A_51 : vector<400x1xi32> to vector<400x1xf32>
    %get3A_53 = arith.constant 1 : index
    %get3A_54 = arith.constant 0 : index
    %get3A_55 = vector.load %arg9[%get3A_53, %get3A_54] : memref<2x128xf32, #tpu.memory_space<vmem>>, vector<1x128xf32>
    %get3A_56 = vector.shape_cast %get3A_55 : vector<1x128xf32> to vector<128xf32>
    %mul3A_57 = vector.broadcast %convert_element_type3A_52 : vector<400x1xf32> to vector<400x128xf32>
    %mul3A_58 = arith.mulf %mul3A_27, %mul3A_57 : vector<400x128xf32>
    %reduce_sum3A_59 = arith.constant dense<0.000000e+00> : vector<128xf32>
    %reduce_sum3A_60 = vector.multi_reduction <add>, %mul3A_58, %reduce_sum3A_59 [0] : vector<400x128xf32> to vector<128xf32>
    %add3A_61 = arith.addf %get3A_56, %reduce_sum3A_60 : vector<128xf32>
    %swap3A_62 = arith.constant 1 : index
    %swap3A_63 = arith.constant 0 : index
    %swap3A_64 = vector.load %arg9[%swap3A_62, %swap3A_63] : memref<2x128xf32, #tpu.memory_space<vmem>>, vector<1x128xf32>
    %swap3A_65 = vector.shape_cast %swap3A_64 : vector<1x128xf32> to vector<128xf32>
    %swap3A_66 = vector.shape_cast %add3A_61 : vector<128xf32> to vector<1x128xf32>
    tpu.vector_store %arg9[%swap3A_62, %swap3A_63], %swap3A_66 {strides = array<i32>} : memref<2x128xf32, #tpu.memory_space<vmem>>, vector<1x128xf32>,
    %eq3A_67 = arith.constant 24 : i32
    %eq3A_68 = arith.cmpi eq, %arg0, %eq3A_67 : i32
    %convert_element_type3A_69 = arith.extui %eq3A_68 : i1 to i32
    %cond3A_70 = arith.constant 0 : i32
    %cond3A_71 = arith.cmpi ne, %convert_element_type3A_69, %cond3A_70 : i32
    scf.if %cond3A_71 {
      %get3A_72 = arith.constant 0 : index
      %get3A_73 = arith.constant 0 : index
      %get3A_74 = vector.load %arg9[%get3A_72, %get3A_73] : memref<2x128xf32, #tpu.memory_space<vmem>>, vector<2x128xf32>
      %swap3A_75 = arith.constant 0 : index
      %swap3A_76 = arith.constant 0 : index
      %swap3A_77 = vector.load %arg8[%swap3A_75, %swap3A_76] : memref<2x128xf32, #tpu.memory_space<vmem>>, vector<2x128xf32>
      tpu.vector_store %arg8[%swap3A_75, %swap3A_76], %get3A_74 {strides = array<i32>} : memref<2x128xf32, #tpu.memory_space<vmem>>, vector<2x128xf32>,
    } else {
    }
    return
  }
  func.func @transform_0(%arg0: i32) -> (i32, i32) {
    %c0_i32 = arith.constant 0 : i32
    %c0_i32_0 = arith.constant 0 : i32
    return %arg0, %c0_i32 : i32, i32
  }
  func.func @transform_1(%arg0: i32) -> (i32, i32) {
    %c0_i32 = arith.constant 0 : i32
    %c0_i32_0 = arith.constant 0 : i32
    return %arg0, %c0_i32 : i32, i32
  }
  func.func @transform_2(%arg0: i32) -> (i32, i32) {
    %c0_i32 = arith.constant 0 : i32
    %c0_i32_0 = arith.constant 0 : i32
    return %arg0, %c0_i32 : i32, i32
  }
  func.func @transform_3(%arg0: i32) -> (i32, i32) {
    %c0_i32 = arith.constant 0 : i32
    %c0_i32_0 = arith.constant 0 : i32
    %c0_i32_1 = arith.constant 0 : i32
    return %c0_i32, %c0_i32_0 : i32, i32
  }
  func.func @transform_4(%arg0: i32) -> (i32, i32) {
    %c0_i32 = arith.constant 0 : i32
    %c0_i32_0 = arith.constant 0 : i32
    %c0_i32_1 = arith.constant 0 : i32
    return %c0_i32, %c0_i32_0 : i32, i32
  }
  func.func @transform_5(%arg0: i32) -> (i32, i32) {
    %c0_i32 = arith.constant 0 : i32
    %c0_i32_0 = arith.constant 0 : i32
    %c0_i32_1 = arith.constant 0 : i32
    return %c0_i32, %c0_i32_0 : i32, i32
  }
  func.func @transform_6(%arg0: i32) -> (i32, i32) {
    %c0_i32 = arith.constant 0 : i32
    %c0_i32_0 = arith.constant 0 : i32
    %c0_i32_1 = arith.constant 0 : i32
    return %c0_i32, %c0_i32_0 : i32, i32
  }
  func.func @transform_7(%arg0: i32) -> (i32, i32) {
    %c0_i32 = arith.constant 0 : i32
    %c0_i32_0 = arith.constant 0 : i32
    %c0_i32_1 = arith.constant 0 : i32
    return %c0_i32, %c0_i32_0 : i32, i32
  }
}

module attributes {stable_mosaic.version = 14 : i64} {
  func.func @_expand_body(%arg0: i32, %arg1: memref<2x128xf32, #tpu.memory_space<vmem>>, %arg2: memref<128x128xf32, #tpu.memory_space<vmem>>, %arg3: memref<1x128xf32, #tpu.memory_space<vmem>>, %arg4: memref<400x1xi32, #tpu.memory_space<vmem>>, %arg5: memref<400x128xf32, #tpu.memory_space<vmem>>) attributes {dimension_semantics = [#tpu.dimension_semantics<arbitrary>], iteration_bounds = array<i64: 25>, scalar_prefetch = 0 : i64, scratch_operands = 0 : i64, tpu.core_type = #tpu.core_type<tc>, window_params = [{pipeline_mode = #tpu.pipeline_mode<synchronous>, transform_indices = @transform_0, window_bounds = array<i64: 2, 128>}, {pipeline_mode = #tpu.pipeline_mode<synchronous>, transform_indices = @transform_1, window_bounds = array<i64: 128, 128>}, {pipeline_mode = #tpu.pipeline_mode<synchronous>, transform_indices = @transform_2, window_bounds = array<i64: 1, 128>}, {transform_indices = @transform_3, window_bounds = array<i64: 400, 1>}, {transform_indices = @transform_4, window_bounds = array<i64: 400, 128>}]} {
    %get3A = arith.constant 0 : index
    %get3A_0 = arith.constant 0 : index
    %get3A_1 = vector.load %arg1[%get3A, %get3A_0] : memref<2x128xf32, #tpu.memory_space<vmem>>, vector<2x128xf32>
    %mul3A = arith.constant 3.05175781E-5 : f32
    %mul3A_2 = vector.broadcast %mul3A : f32 to vector<2x128xf32>
    %mul3A_3 = arith.mulf %get3A_1, %mul3A_2 : vector<2x128xf32>
    %get3A_4 = arith.constant 0 : index
    %get3A_5 = arith.constant 0 : index
    %get3A_6 = vector.load %arg2[%get3A_4, %get3A_5] : memref<128x128xf32, #tpu.memory_space<vmem>>, vector<128x128xf32>
    %dot_general3A = arith.constant dense<0.000000e+00> : vector<2x128xf32>
    %dot_general3A_7 = tpu.matmul %mul3A_3, %get3A_6, %dot_general3A {dimension_numbers = #tpu.dot_dimension_numbers<[1], [0], [0], [1], [0, 0, 1, 1], [], []>, transpose_lhs_hint = false} : vector<2x128xf32>, vector<128x128xf32>, vector<2x128xf32> -> vector<2x128xf32>
    %get3A_8 = arith.constant 0 : index
    %get3A_9 = arith.constant 0 : index
    %get3A_10 = vector.load %arg3[%get3A_8, %get3A_9] : memref<1x128xf32, #tpu.memory_space<vmem>>, vector<1x128xf32>
    %add3A = vector.broadcast %get3A_10 : vector<1x128xf32> to vector<2x128xf32>
    %add3A_11 = arith.addf %dot_general3A_7, %add3A : vector<2x128xf32>
    %get3A_12 = arith.constant 0 : index
    %get3A_13 = arith.constant 0 : index
    %get3A_14 = vector.load %arg4[%get3A_12, %get3A_13] : memref<400x1xi32, #tpu.memory_space<vmem>>, vector<400x1xi32>
    %eq3A = arith.constant 0 : i32
    %eq3A_15 = vector.broadcast %eq3A : i32 to vector<400x1xi32>
    %eq3A_16 = arith.cmpi eq, %get3A_14, %eq3A_15 : vector<400x1xi32>
    %slice3A = vector.extract_strided_slice %add3A_11 {offsets = [0, 0], sizes = [1, 128], strides = [1, 1]} : vector<2x128xf32> to vector<1x128xf32>
    %squeeze3A = vector.shape_cast %slice3A : vector<1x128xf32> to vector<128xf32>
    %broadcast_in_dim3A = vector.shape_cast %squeeze3A : vector<128xf32> to vector<1x128xf32>
    %slice3A_17 = vector.extract_strided_slice %add3A_11 {offsets = [1, 0], sizes = [1, 128], strides = [1, 1]} : vector<2x128xf32> to vector<1x128xf32>
    %squeeze3A_18 = vector.shape_cast %slice3A_17 : vector<1x128xf32> to vector<128xf32>
    %broadcast_in_dim3A_19 = vector.shape_cast %squeeze3A_18 : vector<128xf32> to vector<1x128xf32>
    %broadcast_in_dim3A_20 = vector.shape_cast %eq3A_16 : vector<400x1xi1> to vector<400x1xi1>
    %broadcast_in_dim3A_21 = vector.broadcast %broadcast_in_dim3A_20 : vector<400x1xi1> to vector<400x128xi1>
    %broadcast_in_dim3A_22 = vector.shape_cast %broadcast_in_dim3A : vector<1x128xf32> to vector<1x128xf32>
    %broadcast_in_dim3A_23 = vector.broadcast %broadcast_in_dim3A_22 : vector<1x128xf32> to vector<400x128xf32>
    %broadcast_in_dim3A_24 = vector.shape_cast %broadcast_in_dim3A_19 : vector<1x128xf32> to vector<1x128xf32>
    %broadcast_in_dim3A_25 = vector.broadcast %broadcast_in_dim3A_24 : vector<1x128xf32> to vector<400x128xf32>
    %select_n3A = arith.select %broadcast_in_dim3A_21, %broadcast_in_dim3A_23, %broadcast_in_dim3A_25 : vector<400x128xi1>, vector<400x128xf32>
    %swap3A = arith.constant 0 : index
    %swap3A_26 = arith.constant 0 : index
    %swap3A_27 = vector.load %arg5[%swap3A, %swap3A_26] : memref<400x128xf32, #tpu.memory_space<vmem>>, vector<400x128xf32>
    tpu.vector_store %arg5[%swap3A, %swap3A_26], %select_n3A {strides = array<i32>} : memref<400x128xf32, #tpu.memory_space<vmem>>, vector<400x128xf32>,
    return
  }
  func.func @transform_0(%arg0: i32) -> (i32, i32) {
    %c0_i32 = arith.constant 0 : i32
    %c0_i32_0 = arith.constant 0 : i32
    %c0_i32_1 = arith.constant 0 : i32
    return %c0_i32, %c0_i32_0 : i32, i32
  }
  func.func @transform_1(%arg0: i32) -> (i32, i32) {
    %c0_i32 = arith.constant 0 : i32
    %c0_i32_0 = arith.constant 0 : i32
    %c0_i32_1 = arith.constant 0 : i32
    return %c0_i32, %c0_i32_0 : i32, i32
  }
  func.func @transform_2(%arg0: i32) -> (i32, i32) {
    %c0_i32 = arith.constant 0 : i32
    %c0_i32_0 = arith.constant 0 : i32
    %c0_i32_1 = arith.constant 0 : i32
    return %c0_i32, %c0_i32_0 : i32, i32
  }
  func.func @transform_3(%arg0: i32) -> (i32, i32) {
    %c0_i32 = arith.constant 0 : i32
    %c0_i32_0 = arith.constant 0 : i32
    return %arg0, %c0_i32 : i32, i32
  }
  func.func @transform_4(%arg0: i32) -> (i32, i32) {
    %c0_i32 = arith.constant 0 : i32
    %c0_i32_0 = arith.constant 0 : i32
    return %arg0, %c0_i32 : i32, i32
  }
}

</mosaic_0001>

<sc_bundles>
// kernel: kernel.11.cloned.1.call-start
scs
__scs_entry_jumppad:
0x0: {  	(pc) =	sbr.rel $0x88, $3  }
0x1: {  	(tag) =	ssettag $0x0;
	lr =	simm.s32 $0x1  }
0x2: {  	[smem:$0x3F94] =	sst lr;
	_ =	strace $0xD0000000  }
0x3: {  	_ = 	snop  }
0x4: {  	_ = 	snop  }
0x5: {  	_ = 	snop  }
0x6: {  	_ = 	snop  }
0x7: {  	_ = 	snop  }
__scs_overlays_trampoline_lowered:
0x8: {  	[smem:$0x3FA3] =	sst s0  }
0x9: {  	[smem:$0x3FA4] =	sst s1  }
0xa: {  	[smem:$0x3FA5] =	sst s2  }
0xb: {  	[smem:$0x3FA6] =	sst s3  }
0xc: {  	[smem:$0x3FA7] =	sst s4  }
0xd: {  	[smem:$0x3FA8] =	sst s5  }
0xe: {  	[smem:$0x3FA9] =	sst s6  }
0xf: {  	[smem:$0x3FAA] =	sst s7  }
0x10: {  	[smem:$0x3FAB] =	sst s8  }
0x11: {  	[smem:$0x3FAC] =	sst s9;
	s0 =	simm.s32 @!p0 $0x0  }
0x12: {  	s1 =	sld [smem:$0x3F92];
	s0 =	simm.s32 @p0 $0x1  }
0x13: {  	[smem:$0x3FAD] =	sst s0;
	s0 =	simm.s32 @!p1 $0x0  }
0x14: {  	s2 =	sld [smem:$0x3F91];
	s0 =	simm.s32 @p1 $0x1  }
0x15: {  	[smem:$0x3FAE] =	sst s0;
	s0 =	simm.s32 @!p2 $0x0  }
0x16: {  	s3 =	sld [smem:$0x3FDB];
	s0 =	simm.s32 @p2 $0x1  }
0x17: {  	s4 =	simm.s32 $0x1BF5;
	[smem:$0x3FB0] =	sst s0  }
0x18: {  	s0 =	sld [smem:$0x3F93];
	_ =	swait.ge [sflag:s4], $0x0  }
0x19: {  	s7 =	sld [smem:$0x3F94]  }
0x1a: {  	s8 =	sadd.s32 $0xFFFFE003, lr  }
0x1b: {  	s9 =	sadd.s32 $0xFFFFFEF7, lr;
	s5 =	simm.s32 $0xFFFFFFFF;
	p2 =	slt.u32 s8, $0xFFFFF086  }
0x1c: {  	p1 =	slt.u32 s9, $0xF7A;
	s5 =	simm.s32 @!p2 $0x0  }
0x1d: {  	s5 =	simm.s32 @p1 $0x1;
	p0 =	seq.s32 s7, s2  }
0x1e: {  	s7 =	smul.u32 @!p0 $0xF7A, s2;
	p2 =	seq.s32 @!p0 s5, $0x0  }
0x1f: {  	s9 =	smul.u32 $0xF7A, s1;
	s8 =	simm.s32 @!p0 $0x1BF5;
	p2 =	por !p2, p0  }
0x20: {  	[sflag:s8] =	ssyncset.s32 @!p0 $0xFFFFF086;
	s6 =	sadd.s32 @!p0 s3, s7;
	s7 =	simm.s32 @!p0 $0x108  }
0x21: {  	s3 =	sadd.s32 s3, s9;
	s6 =	sadd.s32 @!p0 $0x88, s6;
	s7 =	simm.s32 @p2 $0x1082  }
0x22: {  	[simem:s7], [sflag:s8] =	dma.local @!p0 [hbm:s6], $0xF7A  }
0x23: {  	s9 =	sor.u32 $0xD0000000, s2;
	s6 =	simm.s32 $0x108;
	_ =	swait.ge @!p0 [sflag:s8], $0x0  }
0x24: {  	s3 =	sadd.s32 $0x88, s3;
	s6 =	simm.s32 @!p1 $0x1082;
	[sflag:s4] =	ssyncset.s32 $0xFFFFF086  }
0x25: {  	[simem:s6], [sflag:s4] =	dma.local [hbm:s3], $0xF7A  }
0x26: {  	[smem:$0x3F94] =	sst s1;
	(tag) =	ssettag s2;
	_ =	strace s9  }
0x27: {  	s1 =	sld [smem:$0x3FA4]  }
0x28: {  	s2 =	sld [smem:$0x3FA5]  }
0x29: {  	s4 =	sld [smem:$0x3FA7]  }
0x2a: {  	p0 =	seq.s32 s5, $0x0;
	s5 =	sld [smem:$0x3FA8]  }
0x2b: {  	s6 =	sld [smem:$0x3FA9]  }
0x2c: {  	s7 =	sld [smem:$0x3FAA]  }
0x2d: {  	s3 =	simm.s32 $0x108;
	s8 =	sld [smem:$0x3FAB]  }
0x2e: {  	s3 =	simm.s32 @!p0 $0x1082;
	s9 =	sld [smem:$0x3FAC]  }
0x2f: {  	lr =	sadd.s32 s0, s3;
	s0 =	sld [smem:$0x3FA3]  }
0x30: {  	s3 =	sld [smem:$0x3FA6]  }
0x31: {  	[smem:$0x3FAF] =	sst s10  }
0x32: {  	s10 =	sld [smem:$0x3FAD];
	_ =	sdelay $0x3  }
0x33: {  	p0 =	seq.s32 s10, $0x1;
	s10 =	sld [smem:$0x3FAF];
	_ =	sdelay $0x3  }
0x34: {  	[smem:$0x3FAF] =	sst s10  }
0x35: {  	s10 =	sld [smem:$0x3FAE];
	_ =	sdelay $0x3  }
0x36: {  	p1 =	seq.s32 s10, $0x1;
	s10 =	sld [smem:$0x3FAF];
	_ =	sdelay $0x3  }
0x37: {  	[smem:$0x3FAF] =	sst s10  }
0x38: {  	s10 =	sld [smem:$0x3FB0]  }
0x39: {  	_ = 	snop;
	(pc) =	sbr.ind lr, $3  }
0x3a: {  	_ = 	snop  }
0x3b: {  	_ = 	snop  }
0x3c: {  	p2 =	seq.s32 s10, $0x1;
	s10 =	sld [smem:$0x3FAF]  }
0x3d: {  	_ =	shalt  }
0x3e: {  	_ =	shalt  }
0x3f: {  	_ =	shalt  }
0x40: {  	_ =	shalt  }
0x41: {  	_ =	shalt  }
0x42: {  	_ =	shalt  }
0x43: {  	_ =	shalt  }
0x44: {  	_ =	shalt  }
0x45: {  	_ =	shalt  }
0x46: {  	_ =	shalt  }
0x47: {  	_ =	shalt  }
0x48: {  	_ =	shalt  }
0x49: {  	_ =	shalt  }
0x4a: {  	_ =	shalt  }
0x4b: {  	_ =	shalt  }
0x4c: {  	_ =	shalt  }
0x4d: {  	_ =	shalt  }
0x4e: {  	_ =	shalt  }
0x4f: {  	_ =	shalt  }
0x50: {  	_ =	shalt  }
0x51: {  	_ =	shalt  }
0x52: {  	_ =	shalt  }
0x53: {  	_ =	shalt  }
0x54: {  	_ =	shalt  }
0x55: {  	_ =	shalt  }
0x56: {  	_ =	shalt  }
0x57: {  	_ =	shalt  }
0x58: {  	_ =	shalt  }
0x59: {  	_ =	shalt  }
0x5a: {  	_ =	shalt  }
0x5b: {  	_ =	shalt  }
0x5c: {  	_ =	shalt  }
0x5d: {  	_ =	shalt  }
0x5e: {  	_ =	shalt  }
0x5f: {  	_ =	shalt  }
0x60: {  	_ =	shalt  }
0x61: {  	_ =	shalt  }
0x62: {  	_ =	shalt  }
0x63: {  	_ =	shalt  }
0x64: {  	_ =	shalt  }
0x65: {  	_ =	shalt  }
0x66: {  	_ =	shalt  }
0x67: {  	_ =	shalt  }
0x68: {  	_ =	shalt  }
0x69: {  	_ =	shalt  }
0x6a: {  	_ =	shalt  }
0x6b: {  	_ =	shalt  }
0x6c: {  	_ =	shalt  }
0x6d: {  	_ =	shalt  }
0x6e: {  	_ =	shalt  }
0x6f: {  	_ =	shalt  }
0x70: {  	_ =	shalt  }
0x71: {  	_ =	shalt  }
0x72: {  	_ =	shalt  }
0x73: {  	_ =	shalt  }
0x74: {  	_ =	shalt  }
0x75: {  	_ =	shalt  }
0x76: {  	_ =	shalt  }
0x77: {  	_ =	shalt  }
0x78: {  	_ =	shalt  }
0x79: {  	_ =	shalt  }
0x7a: {  	_ =	shalt  }
0x7b: {  	_ =	shalt  }
0x7c: {  	_ =	shalt  }
0x7d: {  	_ =	shalt  }
0x7e: {  	_ =	shalt  }
0x7f: {  	_ =	shalt  }
0x80: {  	_ =	shalt  }
0x81: {  	_ =	shalt  }
0x82: {  	_ =	shalt  }
0x83: {  	_ =	shalt  }
0x84: {  	_ =	shalt  }
0x85: {  	_ =	shalt  }
0x86: {  	_ =	shalt  }
0x87: {  	_ =	shalt  }
.Lfunc_end0:
.L_simem_size_0:
called_computation.1_lowered:
.L_overlay_start_0:
0x88: {  	s2 =	sld [smem:$0x3FD9]  }
0x89: {  	s3 =	sld [smem:$0x3FFE];
	_ =	sdelay $0x1  }
0x8a: {  	s1 =	srdreg.scid  }
0x8b: {  	s0 =	sand.u32 $0x1, s1  }
0x8c: {  	s17 =	sshll.u32 s0, $0xA;
	s2 =	sadd.s32 s3, s2  }
0x8d: {  	s2 =	sadd.s32 s2, s17  }
0x8e: {  	[smem:$0x3FBB] =	sst s2  }
0x8f: {  	_ = 	snop  }
0x90: {  	s2 =	sld [smem:$0x3FD0];
	(tm) =	ssettm $0x1  }
0x91: {  	s18 =	sld [smem:$0x3FFB];
	_ =	sdelay $0x3  }
0x92: {  	_ =	strace s18  }
0x93: {  	s3 =	sld [smem:$0x3FFC];
	_ =	sdelay $0x3  }
0x94: {  	_ =	strace s3  }
0x95: {  	s3 =	sld [smem:$0x3FFD];
	_ =	sdelay $0x3  }
0x96: {  	_ =	strace s3  }
0x97: {  	_ =	strace $0x8FFFFFFF  }
0x98: {  	s19 =	sld [smem:$0x3FDB];
	_ =	sdelay $0x1  }
0x99: {  	s4 =	simm.s32 $_scs_section_size  }
0x9a: {  	s5 =	simm.s32 $_size__tile_overlayer_lowered;
	s6 =	simm.s32 $_tile_overlayer_lowered  }
0x9b: {  	s22 =	simm.s32 $0x1BFF;
	s21 =	sshll.u32 s6, $0x1;
	s3 =	sadd.s32 s4, s19  }
0x9c: {  	s7 =	simm.s32 $0x0;
	s20 =	sshll.u32 s5, $0x1;
	s5 =	sadd.s32 s21, s3  }
0x9d: {  	[timem:s7], [sflag:s22] =	dma.local [hbm:s5], s20  }
0x9e: {  	_ =	swait.ge [sflag:s22], s20  }
0x9f: {  	s4 =	ssub.s32 $0x0, s20;
	[sflag:s22] =	ssyncset.done $0x0  }
0xa0: {  	[sflag:s22] =	ssyncadd.s32 s4;
	_ =	sdelay $0x1  }
0xa1: {  	s23 =	simm.s32 $0x1B8B  }
0xa2: {  	_ =	swait.ge [sflag:s23], $0x1  }
0xa3: {  	[sflag:s23] =	ssyncset.done $0x0  }
0xa4: {  	s25 =	simm.s32 $0x1B8E;
	s24 =	sld [smem:$0x3FFE];
	[sflag:s23] =	ssyncadd.s32 $0xFFFFFFFF  }
0xa5: {  	s26 =	simm.s32 $execute0_lowered;
	[smem:$0x3FD2] =	sst s25  }
0xa6: {  	s5 =	sshll.u32 s26, $0x1;
	_ =	strace $0x80000049;
	[dreg:$0x1] =	wrdreg $0xFFFFFFFF  }
0xa7: {  	s28 =	simm.s32 $_size_execute0_lowered;
	s3 =	sadd.s32 s3, s5;
	[dreg:$0x0] =	wrdreg $0x0  }
0xa8: {  	s5 =	sshll.u32 s28, $0x1;
	[dreg:$0x2] =	wrdreg s3  }
0xa9: {  	[dreg:$0x3] =	wrdreg s5  }
0xaa: {  	[dreg:$0x4] =	wrdreg $0xC0  }
0xab: {  	_ =	task [dreg:s7], $0x5FFFF  }
0xac: {  	[dreg:$0x1] =	wrdreg $0xFFFFFFFF  }
0xad: {  	[dreg:$0x0] =	wrdreg $0x60  }
0xae: {  	[dreg:$0x2] =	wrdreg s24  }
0xaf: {  	[dreg:$0x3] =	wrdreg s2  }
0xb0: {  	[dreg:$0x4] =	wrdreg $0x0  }
0xb1: {  	[dreg:$0x5] =	wrdreg $0x9  }
0xb2: {  	_ =	task.clear_ibuf [dreg:s7], $0x6FFFF;
	_ =	strace $0x90000049  }
0xb3: {  	s29 =	simm.s32 $0x9;
	_ =	strace $0x8000004B  }
0xb4: {  	_ =	swait.ge [sflag:s29], $0x1  }
0xb5: {  	[sflag:s29] =	ssyncadd.s32 $0xFFFFFFFF  }
0xb6: {  	_ =	strace $0x9000004B  }
0xb7: {  	_ =	sfence  }
0xb8: {  	s30 =	sld [smem:$0x0];
	_ =	sdelay $0x2  }
0xb9: {  	s31 =	sshll.u32 s1, $0xD;
	s1 =	sshrl.u32 s1, $0x2  }
0xba: {  	s3 =	sand.u32 $0x4000, s31;
	s1 =	sadd.s32 s1, s30  }
0xbb: {  	s0 =	sor.u32 s3, s0;
	s1 =	sshll.u32 s1, $0x11  }
0xbc: {  	s0 =	sor.u32 s1, s0  }
0xbd: {  	s0 =	sadd.s32 $0x8F2B, s0  }
0xbe: {  	[sflag:s0] =	ssyncadd.remote.s32 $0x1  }
0xbf: {  	_ =	sfence.sel $0xFFFF  }
0xc0: {  	[dreg:$0x0] =	wrdreg $0xFFFFFFFF;
	(pc) =	sbr.abs _section_cstart, $3  }
0xc1: {  	[dreg:$0x1] =	wrdreg $0xFFFFFFFF  }
0xc2: {  	_ =	task.clear_ibuf [dreg:s7], $0x2FFFF;
	_ =	strace $0x9FFFFFFF  }
0xc3: {  	(tm) =	ssettm $0x7FFFFFFF  }
tec
execute0_lowered:
.L_overlay_start_1:
0x0: {  	(tag) =	ssettag $0x1  }
0x1: {  	s0 =	rddreg [dreg:$0x0]  }
0x2: {  	s1 =	rddreg [dreg:$0x1]  }
0x3: {  	s2 =	rddreg [dreg:$0x2];
	s3 =	simm.s32 $0x0;
	s7 =	stileid.u32  }
0x4: {  	s6 =	srdreg.scid;
	s28 =	simm.s32 $0x9DC0;
	s29 =	simm.s32 $0x2  }
0x5: {  	s30 =	simm.s32 $0xCF40;
	s31 =	simm.s32 $0x12F40;
	[smem:$0x7FF] =	sst s3  }
0x6: {  	s4 =	sadd.s32 $0xC200, s0;
	s5 =	sadd.s32 $0x2400, s0;
	s8 =	smul.u32 $0x3E80, s7  }
0x7: {  	s9 =	sand.u32 $0x1, s6;
	s6 =	sadd.s32 $0xD8000, s0;
	s13 =	smul.u32 $0x7D000, s7  }
0x8: {  	p0 =	sgt.u32 s7, $0x4;
	p1 =	sne.s32 s7, $0x0;
	_ =	strace $0x8000004A  }
0x9: {  	s10 =	smul.u32 $0x13880, s9;
	s11 =	sshll.u32 s9, $0x4;
	s12 =	ssub.s32 $0x2, s9  }
0xa: {  	s15 =	smul.u32 $0x1388, s9;
	s11 =	sor.u32 s7, s11;
	s8 =	sadd.s32 s8, s0  }
0xb: {  	s14 =	sshrl.u32 s12, $0x1;
	s18 =	sshrl.u32 s13, $0x2;
	s11 =	smul.u32 $0x2710, s11  }
0xc: {  	s0 =	sadd.s32 s10, s0;
	s17 =	ssub.s32 s12, s14;
	s9 =	sadd.s32 s18, s2  }
0xd: {  	s8 =	sadd.s32 $0x16000, s8;
	s10 =	simm.s32 $0x9EC0;
	s14 =	simm.s32 $0x160C0  }
0xe: {  	v0 =	vmov s15;
	s15 =	simm.s32 $0x0;
	[dreg:$0x4] =	wrdreg s8;
	s0 =	sadd.s32 $0x29A00, s0  }
0xf: {  	s26 =	smax.u32 s17, $0x1;
	s19 =	sshrl.u32 s11, $0x3;
	[dreg:$0xb] =	wrdreg s0  }
0x10: {  	s12 =	sadd.s32 $0xC0, s11;
	s13 =	sadd.s32 $0x120, s11;
	[dreg:$0xc] =	wrdreg s26  }
0x11: {  	s0 =	sshll.u32 @!p0 s7, $0x6;
	s26 =	simm.s32 $0x9CC0;
	s20 =	sadd.s32 s4, s19  }
0x12: {  	s7 =	simm.s32 $0x9E40;
	s22 =	sadd.s32 s5, s19;
	[dreg:$0x5] =	wrdreg s20  }
0x13: {  	s21 =	sadd.s32 $0xC, s19;
	s0 =	sor.u32 @!p0 $0x1C07, s0;
	[dreg:$0x6] =	wrdreg s22  }
0x14: {  	s11 =	simm.s32 $0x15FC0;
	s23 =	sadd.s32 s4, s21;
	[dreg:$0xd] =	wrdreg s0  }
0x15: {  	s24 =	sadd.s32 $0x4E0, s19;
	s8 =	sadd.s32 s5, s21;
	[dreg:$0x7] =	wrdreg s23  }
0x16: {  	s25 =	sadd.s32 s4, s24;
	s0 =	sshrl.u32 @!p0 s9, $0x3;
	[dreg:$0x8] =	wrdreg s8  }
0x17: {  	s21 =	simm.s32 $0x7;
	s9 =	simm.s32 $0x6;
	[dreg:$0x9] =	wrdreg s25  }
0x18: {  	s22 =	simm.s32 $0x10;
	s8 =	sadd.s32 s5, s24;
	[dreg:$0xe] =	wrdreg s0  }
0x19: {  	s23 =	simm.s32 $0x60;
	s24 =	simm.s32 $0x9F40;
	s0 =	simm.s32 $0x3  }
0x1a: {  	s25 =	simm.s32 $0x5;
	[dreg:$0xa] =	wrdreg s8;
	s8 =	simm.s32 $0x4  }
.LBB2_1:
0x1b: {  	s16 =	rddreg [dreg:$0x4]  }
0x1c: {  	s17 =	rddreg [dreg:$0xd]  }
0x1d: {  	s18 =	rddreg [dreg:$0xe]  }
0x1e: {  	[spmem:s18], [sflag:s17] =	dma.local @!p0 [hbm:s16], $0x3E80  }
0x1f: {  	s16 =	simm.s32 @!p0 $0x7  }
0x20: {  	_ =	swait.ge @!p0 [sflag:s16], $0x3E80  }
0x21: {  	[sflag:s16] =	ssyncset.done @!p0 $0x0  }
0x22: {  	[sflag:s16] =	ssyncadd.s32 @!p0 $0xFFFFC180  }
0x23: {  	[bflag:$0x0] =	sbarrier.arrive $0xFFFF  }
0x24: {  	s17 =	simm.s32 $0x9C40;
	s18 =	rddreg [dreg:$0x5]  }
0x25: {  	[tilespmem:s17], [sflag:$0x7] =	stream.linear.gather [hbm4b:s18+s3], $0x60, $0x38;
	[tilespmem:$0x170C0] =	vst v63  }
0x26: {  	_ =	swait.ge [sflag:s21], $0x60  }
0x27: {  	[sflag:s21] =	ssyncset.done $0x0  }
0x28: {  	s20 =	simm.s32 $0x9D40;
	s19 =	rddreg [dreg:$0x6];
	[sflag:s21] =	ssyncadd.s32 $0xFFFFFFA0  }
0x29: {  	[tilespmem:s20], [sflag:$0x7] =	stream.linear.gather [hbm4b:s19+s3], $0x60, $0x38;
	[tilespmem:$0x170C0] =	vst v63  }
0x2a: {  	_ =	swait.ge [sflag:s21], $0x60  }
0x2b: {  	[sflag:s21] =	ssyncset.done $0x0  }
0x2c: {  	[sflag:s21] =	ssyncadd.s32 $0xFFFFFFA0  }
0x2d: {  	[tilespmem:s24], [sflag:$0x3] =	stream.indirect.gather [hbm4b:s6+s23], $0x80, s20, s23, $0xb8;
	[tilespmem:$0x170C0] =	vst v63  }
0x2e: {  	s18 =	simm.s32 $0xFF40  }
0x2f: {  	[tilespmem:s18], [sflag:$0x5] =	stream.indirect.gather [hbm4b:s1+s23], $0x80, s17, s23, $0xb8;
	[tilespmem:$0x170C0] =	vst v63  }
0x30: {  	v1 =	vld [tilespmem:$0x9C40]  }
0x31: {  	v2 =	vld [tilespmem:$0x9C50]  }
0x32: {  	v3 =	vld [tilespmem:$0x9C60]  }
0x33: {  	v4 =	vld [tilespmem:$0x9C70]  }
0x34: {  	v5 =	vld [tilespmem:$0x9C80]  }
0x35: {  	v6 =	vld [tilespmem:$0x9C90];
	v1 =	vsub.s32 v1, v0  }
0x36: {  	[tilespmem:$0x9E40] =	vst v1;
	v1 =	vsub.s32 v2, v0  }
0x37: {  	[tilespmem:$0x9E50] =	vst v1;
	v1 =	vsub.s32 v3, v0  }
0x38: {  	[tilespmem:$0x9E60] =	vst v1;
	v1 =	vsub.s32 v4, v0  }
0x39: {  	[tilespmem:$0x9E70] =	vst v1;
	v1 =	vsub.s32 v5, v0  }
0x3a: {  	[tilespmem:$0x9E80] =	vst v1;
	v1 =	vsub.s32 v6, v0  }
0x3b: {  	s19 =	rddreg [dreg:$0x7];
	[tilespmem:$0x9E90] =	vst v1  }
0x3c: {  	[tilespmem:s26], [sflag:$0x2] =	stream.linear.gather [hbm4b:s19+s3], $0x60, $0x38;
	[tilespmem:$0x170C0] =	vst v63  }
0x3d: {  	s16 =	simm.s32 $0x0;
	s20 =	rddreg [dreg:$0x8]  }
0x3e: {  	[tilespmem:s28], [sflag:$0x2] =	stream.linear.gather [hbm4b:s20+s3], $0x60, $0x38;
	[tilespmem:$0x170C0] =	vst v63  }
.LBB2_2:
0x3f: {  	_ =	swait.ge [sflag:s29], $0x60  }
0x40: {  	[sflag:s29] =	ssyncset.done $0x0  }
0x41: {  	[sflag:s29] =	ssyncadd.s32 $0xFFFFFFA0  }
0x42: {  	_ =	swait.ge [sflag:s29], $0x60  }
0x43: {  	[sflag:s29] =	ssyncset.done $0x0  }
0x44: {  	[sflag:s29] =	ssyncadd.s32 $0xFFFFFFA0  }
0x45: {  	[tilespmem:s30], [sflag:$0x4] =	stream.indirect.gather [hbm4b:s6+s23], $0x80, s28, s23, $0xb8;
	[tilespmem:$0x170C0] =	vst v63  }
0x46: {  	_ = 	snop  }
0x47: {  	[tilespmem:s31], [sflag:$0x6] =	stream.indirect.gather [hbm4b:s1+s23], $0x80, s26, s23, $0xb8;
	[tilespmem:$0x170C0] =	vst v63  }
0x48: {  	v1 =	vld [tilespmem:$0x9CC0]  }
0x49: {  	v2 =	vld [tilespmem:$0x9CD0]  }
0x4a: {  	v3 =	vld [tilespmem:$0x9CE0]  }
0x4b: {  	v4 =	vld [tilespmem:$0x9CF0]  }
0x4c: {  	v5 =	vld [tilespmem:$0x9D00]  }
0x4d: {  	v6 =	vld [tilespmem:$0x9D10];
	v1 =	vsub.s32 v1, v0  }
0x4e: {  	[tilespmem:$0x9EC0] =	vst v1;
	v1 =	vsub.s32 v2, v0  }
0x4f: {  	[tilespmem:$0x9ED0] =	vst v1;
	v1 =	vsub.s32 v3, v0  }
0x50: {  	[tilespmem:$0x9EE0] =	vst v1;
	v1 =	vsub.s32 v4, v0  }
0x51: {  	[tilespmem:$0x9EF0] =	vst v1;
	v1 =	vsub.s32 v5, v0  }
0x52: {  	[tilespmem:$0x9F00] =	vst v1;
	v1 =	vsub.s32 v6, v0  }
0x53: {  	[tilespmem:$0x9F10] =	vst v1  }
0x54: {  	_ =	swait.ge [sflag:s0], $0x3000  }
0x55: {  	[sflag:s0] =	ssyncset.done $0x0  }
0x56: {  	[sflag:s0] =	ssyncadd.s32 $0xFFFFD000  }
0x57: {  	_ =	swait.ge [sflag:s25], $0x3000  }
0x58: {  	[sflag:s25] =	ssyncset.done $0x0  }
0x59: {  	s17 =	simm.s32 $0x0;
	[sflag:s25] =	ssyncadd.s32 $0xFFFFD000  }
0x5a: {  	v1 =	vld [tilespmem:s17+$0xFF40]  }
0x5b: {  	v2 =	vld [tilespmem:s17+$0xFF50]  }
0x5c: {  	v3 =	vld [tilespmem:s17+$0xFF60]  }
0x5d: {  	v4 =	vld [tilespmem:s17+$0xFF70]  }
0x5e: {  	v5 =	vld [tilespmem:s17+$0x9F40]  }
0x5f: {  	v7 =	vld [tilespmem:s17+$0x9F50]  }
0x60: {  	s18 =	simm.s32 $0x200;
	v6 =	vld [tilespmem:s17+$0x9F60]  }
.LBB2_3:
0x61: {  	p2 =	sne.s32 s18, $0xBE00;
	v8 =	vld [tilespmem:s17+$0x9F70];
	_ =	sdelay $0x1  }
0x62: {  	v1 =	vadd.f32 v1, v5  }
0x63: {  	v2 =	vadd.f32 v2, v7  }
0x64: {  	v5 =	vmul.f32 v1, v1;
	v3 =	vadd.f32 v3, v6  }
0x65: {  	v6 =	vmul.f32 v2, v2;
	v4 =	vadd.f32 v4, v8  }
0x66: {  	v5 =	vmul.f32 $4.471499850e-02, v5;
	v7 =	vmul.f32 v3, v3  }
0x67: {  	v6 =	vmul.f32 $4.471499850e-02, v6;
	v8 =	vmul.f32 v4, v4  }
0x68: {  	v5 =	vmul.f32 v5, v1;
	v7 =	vmul.f32 $4.471499850e-02, v7  }
0x69: {  	v6 =	vmul.f32 v6, v2;
	v8 =	vmul.f32 $4.471499850e-02, v8  }
0x6a: {  	v5 =	vadd.f32 v5, v1;
	v7 =	vmul.f32 v7, v3  }
0x6b: {  	v6 =	vadd.f32 v6, v2;
	v8 =	vmul.f32 v8, v4  }
0x6c: {  	v5 =	vmul.f32 $1.595769170e+00, v5;
	v7 =	vadd.f32 v7, v3  }
0x6d: {  	v6 =	vmul.f32 $1.595769170e+00, v6;
	v8 =	vadd.f32 v8, v4  }
0x6e: {  	v5 =	vsub.f32 $0.0e+00, v5;
	v7 =	vmul.f32 $1.595769170e+00, v7  }
0x6f: {  	v6 =	vsub.f32 $0.0e+00, v6;
	v8 =	vmul.f32 $1.595769170e+00, v8  }
0x70: {  	v5 =	vmul.f32 $1.442695020e+00, v5;
	v7 =	vsub.f32 $0.0e+00, v7  }
0x71: {  	v6 =	vmul.f32 $1.442695020e+00, v6;
	v8 =	vsub.f32 $0.0e+00, v8  }
0x72: {  	v7 =	vmul.f32 $1.442695020e+00, v7;
	(erf) = vpow2.f32 v5  }
0x73: {  	v5 =	vmul.f32 $1.442695020e+00, v8;
	(erf) = vpow2.f32 v6  }
0x74: {  	(erf) = vpow2.f32 v7  }
0x75: {  	(erf) = vpow2.f32 v5;
	_ =	sdelay $0x5  }
0x76: {  	v5 =	vpop (erf)  }
0x77: {  	v8 =	vadd.f32 $1.000000000e+00, v5;
	v6 =	vpop (erf)  }
0x78: {  	v6 =	vadd.f32 $1.000000000e+00, v6;
	v7 =	vpop (erf)  }
0x79: {  	v7 =	vadd.f32 $1.000000000e+00, v7;
	(erf) = vrcp.f32 v8;
	v5 =	vpop (erf)  }
0x7a: {  	v5 =	vadd.f32 $1.000000000e+00, v5;
	(erf) = vrcp.f32 v6  }
0x7b: {  	(erf) = vrcp.f32 v7  }
0x7c: {  	(erf) = vrcp.f32 v5;
	_ =	sdelay $0x3  }
0x7d: {  	v6 =	vld [tilespmem:s17+$0x9F80];
	_ =	sdelay $0x1  }
0x7e: {  	v5 =	vpop (erf)  }
0x7f: {  	s19 =	sshra.s32 s18, $0x2;
	v5 =	vmul.f32 v5, v1;
	v7 =	vpop (erf)  }
0x80: {  	v1 =	vld [tilespmem:s19+$0xFF40];
	v7 =	vmul.f32 v7, v2;
	v8 =	vpop (erf)  }
0x81: {  	v2 =	vld [tilespmem:s19+$0xFF50];
	v5 =	vmul.f32 v5, v6;
	v8 =	vmul.f32 v8, v3;
	v9 =	vpop (erf)  }
.Ltmp0:
0x82: {  	v3 =	vld [tilespmem:s19+$0xFF60];
	v7 =	vmul.f32 v7, v6;
	v9 =	vmul.f32 v9, v4;
	(pc) =	sbr.rel @p2 .LBB2_3-.Ltmp0, $4  }
0x83: {  	v4 =	vld [tilespmem:s19+$0xFF70];
	[tilespmem:s17+$0x9F40] =	vst v5;
	v8 =	vmul.f32 v8, v6  }
0x84: {  	v5 =	vld [tilespmem:s19+$0x9F40];
	[tilespmem:s17+$0x9F50] =	vst v7;
	v9 =	vmul.f32 v9, v6  }
0x85: {  	v7 =	vld [tilespmem:s19+$0x9F50];
	[tilespmem:s17+$0x9F60] =	vst v8  }
0x86: {  	s18 =	sadd.s32 $0x200, s18;
	v6 =	vld [tilespmem:s19+$0x9F60];
	[tilespmem:s17+$0x9F70] =	vst v9;
	s17 =	smov.u32 s19  }
0x87: {  	_ =	sdelay $0x1  }
0x88: {  	v8 =	vld [tilespmem:s17+$0x9F70];
	v1 =	vadd.f32 v1, v5;
	_ =	sdelay $0x1  }
0x89: {  	v5 =	vmul.f32 v1, v1  }
0x8a: {  	v2 =	vadd.f32 v2, v7  }
0x8b: {  	v3 =	vadd.f32 v3, v6;
	v5 =	vmul.f32 $4.471499850e-02, v5  }
0x8c: {  	v6 =	vmul.f32 v2, v2;
	v4 =	vadd.f32 v4, v8  }
0x8d: {  	v7 =	vmul.f32 v3, v3;
	v5 =	vmul.f32 v5, v1  }
0x8e: {  	v6 =	vmul.f32 $4.471499850e-02, v6;
	v8 =	vmul.f32 v4, v4  }
0x8f: {  	v7 =	vmul.f32 $4.471499850e-02, v7;
	v5 =	vadd.f32 v5, v1  }
0x90: {  	v6 =	vmul.f32 v6, v2;
	v8 =	vmul.f32 $4.471499850e-02, v8  }
0x91: {  	v7 =	vmul.f32 v7, v3;
	v5 =	vmul.f32 $1.595769170e+00, v5  }
0x92: {  	v6 =	vadd.f32 v6, v2;
	v8 =	vmul.f32 v8, v4  }
0x93: {  	v7 =	vadd.f32 v7, v3;
	v5 =	vsub.f32 $0.0e+00, v5  }
0x94: {  	v6 =	vmul.f32 $1.595769170e+00, v6;
	v8 =	vadd.f32 v8, v4  }
0x95: {  	v7 =	vmul.f32 $1.595769170e+00, v7;
	v5 =	vmul.f32 $1.442695020e+00, v5  }
0x96: {  	v6 =	vsub.f32 $0.0e+00, v6;
	v8 =	vmul.f32 $1.595769170e+00, v8  }
0x97: {  	v7 =	vsub.f32 $0.0e+00, v7;
	(erf) = vpow2.f32 v5  }
0x98: {  	v6 =	vmul.f32 $1.442695020e+00, v6;
	v8 =	vsub.f32 $0.0e+00, v8  }
0x99: {  	v7 =	vmul.f32 $1.442695020e+00, v7  }
0x9a: {  	v5 =	vmul.f32 $1.442695020e+00, v8;
	(erf) = vpow2.f32 v6  }
0x9b: {  	(erf) = vpow2.f32 v7  }
0x9c: {  	(erf) = vpow2.f32 v5;
	_ =	sdelay $0x3  }
0x9d: {  	v5 =	vpop (erf)  }
0x9e: {  	v5 =	vadd.f32 $1.000000000e+00, v5;
	_ =	sdelay $0x1  }
0x9f: {  	v6 =	vpop (erf)  }
0xa0: {  	v6 =	vadd.f32 $1.000000000e+00, v6;
	v7 =	vpop (erf)  }
0xa1: {  	v7 =	vadd.f32 $1.000000000e+00, v7;
	(erf) = vrcp.f32 v5;
	v5 =	vpop (erf)  }
0xa2: {  	(erf) = vrcp.f32 v6;
	v5 =	vadd.f32 $1.000000000e+00, v5  }
0xa3: {  	(erf) = vrcp.f32 v7  }
0xa4: {  	(erf) = vrcp.f32 v5;
	_ =	sdelay $0x3  }
0xa5: {  	v5 =	vld [tilespmem:s17+$0x9F80];
	_ =	sdelay $0x1  }
0xa6: {  	v6 =	vpop (erf)  }
0xa7: {  	v1 =	vmul.f32 v6, v1;
	v6 =	vpop (erf)  }
0xa8: {  	v2 =	vmul.f32 v6, v2;
	v6 =	vpop (erf)  }
0xa9: {  	v1 =	vmul.f32 v1, v5;
	v3 =	vmul.f32 v6, v3;
	v6 =	vpop (erf)  }
0xaa: {  	v2 =	vmul.f32 v2, v5;
	v4 =	vmul.f32 v6, v4  }
0xab: {  	[tilespmem:s17+$0x9F40] =	vst v1;
	v1 =	vmul.f32 v3, v5  }
0xac: {  	[tilespmem:s17+$0x9F50] =	vst v2;
	v2 =	vmul.f32 v4, v5  }
0xad: {  	p2 =	seq.s32 s16, $0x33;
	[tilespmem:s17+$0x9F60] =	vst v1  }
0xae: {  	[tilespmem:s17+$0x9F70] =	vst v2;
	s17 =	smul.u32 @!p2 $0xC0, s16  }
0xaf: {  	[spmem:s2] =	stream.indirect.scatter.add.f32 [tilespmem:s24], [sflag:$0x7], $0x80, s7, s23, $0xb8;
	[tilespmem:$0x170C0] =	vst v63  }
0xb0: {  	_ =	swait.ge [sflag:s21], $0x3000;
	s17 =	sadd.s32 @!p2 s17, s12  }
0xb1: {  	s19 =	simm.s32 @!p2 $0x0;
	[sflag:s21] =	ssyncset.done $0x0;
	s17 =	sshrl.u32 @!p2 s17, $0x3  }
0xb2: {  	s20 =	simm.s32 @!p2 $0x9C40;
	[sflag:s21] =	ssyncadd.s32 $0xFFFFD000;
	s18 =	sadd.s32 @!p2 s4, s17  }
0xb3: {  	[tilespmem:s20], [sflag:$0x1] =	stream.linear.gather @!p2 [hbm4b:s18+s19], $0x60, $0x38;
	[tilespmem:$0x170C0] =	vst v63  }
0xb4: {  	s17 =	sadd.s32 @!p2 s5, s17;
	s18 =	simm.s32 @!p2 $0x9D40  }
0xb5: {  	[tilespmem:s18], [sflag:$0x1] =	stream.linear.gather @!p2 [hbm4b:s17+s19], $0x60, $0x38;
	[tilespmem:$0x170C0] =	vst v63  }
0xb6: {  	s17 =	simm.s32 @!p2 $0x1  }
0xb7: {  	_ =	swait.ge @!p2 [sflag:s17], $0x60  }
0xb8: {  	[sflag:s17] =	ssyncset.done @!p2 $0x0  }
0xb9: {  	[sflag:s17] =	ssyncadd.s32 @!p2 $0xFFFFFFA0  }
0xba: {  	_ =	swait.ge @!p2 [sflag:s17], $0x60  }
0xbb: {  	[sflag:s17] =	ssyncset.done @!p2 $0x0  }
0xbc: {  	s19 =	simm.s32 @!p2 $0x9F40;
	[sflag:s17] =	ssyncadd.s32 @!p2 $0xFFFFFFA0;
	s17 =	simm.s32 @!p2 $0x60  }
0xbd: {  	[tilespmem:s19], [sflag:$0x3] =	stream.indirect.gather @!p2 [hbm4b:s6+s17], $0x80, s18, s17, $0xb8;
	[tilespmem:$0x170C0] =	vst v63  }
0xbe: {  	s18 =	simm.s32 @!p2 $0xFF40  }
0xbf: {  	[tilespmem:s18], [sflag:$0x5] =	stream.indirect.gather @!p2 [hbm4b:s1+s17], $0x80, s20, s17, $0xb8;
	[tilespmem:$0x170C0] =	vst v63  }
0xc0: {  	v1 =	vld @!p2 [tilespmem:$0x9C40]  }
0xc1: {  	v2 =	vld @!p2 [tilespmem:$0x9C50]  }
0xc2: {  	v3 =	vld @!p2 [tilespmem:$0x9C60]  }
0xc3: {  	v4 =	vld @!p2 [tilespmem:$0x9C70]  }
0xc4: {  	v5 =	vld @!p2 [tilespmem:$0x9C80]  }
0xc5: {  	v6 =	vld @!p2 [tilespmem:$0x9C90];
	v1 =	vsub.s32 @!p2 v1, v0  }
0xc6: {  	[tilespmem:$0x9E40] =	vst @!p2 v1;
	v1 =	vsub.s32 @!p2 v2, v0  }
0xc7: {  	[tilespmem:$0x9E50] =	vst @!p2 v1;
	v1 =	vsub.s32 @!p2 v3, v0  }
0xc8: {  	[tilespmem:$0x9E60] =	vst @!p2 v1;
	v1 =	vsub.s32 @!p2 v4, v0  }
0xc9: {  	[tilespmem:$0x9E70] =	vst @!p2 v1;
	v1 =	vsub.s32 @!p2 v5, v0  }
0xca: {  	[tilespmem:$0x9E80] =	vst @!p2 v1;
	v1 =	vsub.s32 @!p2 v6, v0  }
0xcb: {  	[tilespmem:$0x9E90] =	vst @!p2 v1  }
0xcc: {  	_ =	swait.ge [sflag:s8], $0x3000  }
0xcd: {  	[sflag:s8] =	ssyncset.done $0x0  }
0xce: {  	[sflag:s8] =	ssyncadd.s32 $0xFFFFD000  }
0xcf: {  	_ =	swait.ge [sflag:s9], $0x3000  }
0xd0: {  	[sflag:s9] =	ssyncset.done $0x0  }
0xd1: {  	s17 =	simm.s32 $0x0;
	[sflag:s9] =	ssyncadd.s32 $0xFFFFD000  }
0xd2: {  	v1 =	vld [tilespmem:s17+$0x12F40]  }
0xd3: {  	v2 =	vld [tilespmem:s17+$0x12F50]  }
0xd4: {  	v3 =	vld [tilespmem:s17+$0x12F60]  }
0xd5: {  	v4 =	vld [tilespmem:s17+$0x12F70]  }
0xd6: {  	v5 =	vld [tilespmem:s17+$0xCF40]  }
0xd7: {  	v7 =	vld [tilespmem:s17+$0xCF50]  }
0xd8: {  	s18 =	simm.s32 $0x200;
	v6 =	vld [tilespmem:s17+$0xCF60]  }
.LBB2_5:
0xd9: {  	p3 =	sne.s32 s18, $0xBE00;
	v8 =	vld [tilespmem:s17+$0xCF70];
	_ =	sdelay $0x1  }
0xda: {  	v1 =	vadd.f32 v1, v5  }
0xdb: {  	v2 =	vadd.f32 v2, v7  }
0xdc: {  	v5 =	vmul.f32 v1, v1;
	v3 =	vadd.f32 v3, v6  }
0xdd: {  	v6 =	vmul.f32 v2, v2;
	v4 =	vadd.f32 v4, v8  }
0xde: {  	v5 =	vmul.f32 $4.471499850e-02, v5;
	v7 =	vmul.f32 v3, v3  }
0xdf: {  	v6 =	vmul.f32 $4.471499850e-02, v6;
	v8 =	vmul.f32 v4, v4  }
0xe0: {  	v5 =	vmul.f32 v5, v1;
	v7 =	vmul.f32 $4.471499850e-02, v7  }
0xe1: {  	v6 =	vmul.f32 v6, v2;
	v8 =	vmul.f32 $4.471499850e-02, v8  }
0xe2: {  	v5 =	vadd.f32 v5, v1;
	v7 =	vmul.f32 v7, v3  }
0xe3: {  	v6 =	vadd.f32 v6, v2;
	v8 =	vmul.f32 v8, v4  }
0xe4: {  	v5 =	vmul.f32 $1.595769170e+00, v5;
	v7 =	vadd.f32 v7, v3  }
0xe5: {  	v6 =	vmul.f32 $1.595769170e+00, v6;
	v8 =	vadd.f32 v8, v4  }
0xe6: {  	v5 =	vsub.f32 $0.0e+00, v5;
	v7 =	vmul.f32 $1.595769170e+00, v7  }
0xe7: {  	v6 =	vsub.f32 $0.0e+00, v6;
	v8 =	vmul.f32 $1.595769170e+00, v8  }
0xe8: {  	v5 =	vmul.f32 $1.442695020e+00, v5;
	v7 =	vsub.f32 $0.0e+00, v7  }
0xe9: {  	v6 =	vmul.f32 $1.442695020e+00, v6;
	v8 =	vsub.f32 $0.0e+00, v8  }
0xea: {  	v7 =	vmul.f32 $1.442695020e+00, v7;
	(erf) = vpow2.f32 v5  }
0xeb: {  	v5 =	vmul.f32 $1.442695020e+00, v8;
	(erf) = vpow2.f32 v6  }
0xec: {  	(erf) = vpow2.f32 v7  }
0xed: {  	(erf) = vpow2.f32 v5;
	_ =	sdelay $0x5  }
0xee: {  	v5 =	vpop (erf)  }
0xef: {  	v8 =	vadd.f32 $1.000000000e+00, v5;
	v6 =	vpop (erf)  }
0xf0: {  	v6 =	vadd.f32 $1.000000000e+00, v6;
	v7 =	vpop (erf)  }
0xf1: {  	v7 =	vadd.f32 $1.000000000e+00, v7;
	(erf) = vrcp.f32 v8;
	v5 =	vpop (erf)  }
0xf2: {  	v5 =	vadd.f32 $1.000000000e+00, v5;
	(erf) = vrcp.f32 v6  }
0xf3: {  	(erf) = vrcp.f32 v7  }
0xf4: {  	(erf) = vrcp.f32 v5;
	_ =	sdelay $0x3  }
0xf5: {  	v6 =	vld [tilespmem:s17+$0xCF80];
	_ =	sdelay $0x1  }
0xf6: {  	v5 =	vpop (erf)  }
0xf7: {  	s19 =	sshra.s32 s18, $0x2;
	v5 =	vmul.f32 v5, v1;
	v7 =	vpop (erf)  }
0xf8: {  	v1 =	vld [tilespmem:s19+$0x12F40];
	v7 =	vmul.f32 v7, v2;
	v8 =	vpop (erf)  }
0xf9: {  	v2 =	vld [tilespmem:s19+$0x12F50];
	v5 =	vmul.f32 v5, v6;
	v8 =	vmul.f32 v8, v3;
	v9 =	vpop (erf)  }
.Ltmp1:
0xfa: {  	v3 =	vld [tilespmem:s19+$0x12F60];
	v7 =	vmul.f32 v7, v6;
	v9 =	vmul.f32 v9, v4;
	(pc) =	sbr.rel @p3 .LBB2_5-.Ltmp1, $4  }
0xfb: {  	v4 =	vld [tilespmem:s19+$0x12F70];
	[tilespmem:s17+$0xCF40] =	vst v5;
	v8 =	vmul.f32 v8, v6  }
0xfc: {  	v5 =	vld [tilespmem:s19+$0xCF40];
	[tilespmem:s17+$0xCF50] =	vst v7;
	v9 =	vmul.f32 v9, v6  }
0xfd: {  	v7 =	vld [tilespmem:s19+$0xCF50];
	[tilespmem:s17+$0xCF60] =	vst v8  }
0xfe: {  	s18 =	sadd.s32 $0x200, s18;
	v6 =	vld [tilespmem:s19+$0xCF60];
	[tilespmem:s17+$0xCF70] =	vst v9;
	s17 =	smov.u32 s19  }
0xff: {  	v8 =	vld [tilespmem:s17+$0xCF70];
	_ =	sdelay $0x1  }
0x100: {  	v1 =	vadd.f32 v1, v5  }
0x101: {  	v2 =	vadd.f32 v2, v7  }
0x102: {  	v5 =	vmul.f32 v1, v1;
	v3 =	vadd.f32 v3, v6  }
0x103: {  	v54 =	vmul.f32 v2, v2;
	v4 =	vadd.f32 v4, v8  }
0x104: {  	v5 =	vmul.f32 $4.471499850e-02, v5;
	v55 =	vmul.f32 v3, v3  }
0x105: {  	v6 =	vmul.f32 $4.471499850e-02, v54;
	v8 =	vmul.f32 v4, v4  }
0x106: {  	v5 =	vmul.f32 v5, v1;
	v7 =	vmul.f32 $4.471499850e-02, v55  }
0x107: {  	v6 =	vmul.f32 v6, v2;
	v8 =	vmul.f32 $4.471499850e-02, v8  }
0x108: {  	v5 =	vadd.f32 v5, v1;
	v7 =	vmul.f32 v7, v3  }
0x109: {  	v6 =	vadd.f32 v6, v2;
	v8 =	vmul.f32 v8, v4  }
0x10a: {  	v5 =	vmul.f32 $1.595769170e+00, v5;
	v7 =	vadd.f32 v7, v3  }
0x10b: {  	v6 =	vmul.f32 $1.595769170e+00, v6;
	v8 =	vadd.f32 v8, v4  }
0x10c: {  	v5 =	vsub.f32 $0.0e+00, v5;
	v7 =	vmul.f32 $1.595769170e+00, v7  }
0x10d: {  	v6 =	vsub.f32 $0.0e+00, v6;
	v8 =	vmul.f32 $1.595769170e+00, v8  }
0x10e: {  	v5 =	vmul.f32 $1.442695020e+00, v5;
	v7 =	vsub.f32 $0.0e+00, v7  }
0x10f: {  	v6 =	vmul.f32 $1.442695020e+00, v6;
	v8 =	vsub.f32 $0.0e+00, v8  }
0x110: {  	v7 =	vmul.f32 $1.442695020e+00, v7;
	(erf) = vpow2.f32 v5  }
0x111: {  	v56 =	vmul.f32 $1.442695020e+00, v8;
	(erf) = vpow2.f32 v6  }
0x112: {  	(erf) = vpow2.f32 v7  }
0x113: {  	(erf) = vpow2.f32 v56;
	_ =	sdelay $0x5  }
0x114: {  	v57 =	vpop (erf)  }
0x115: {  	v5 =	vadd.f32 $1.000000000e+00, v57;
	v6 =	vpop (erf)  }
0x116: {  	v6 =	vadd.f32 $1.000000000e+00, v6;
	v7 =	vpop (erf)  }
0x117: {  	v7 =	vadd.f32 $1.000000000e+00, v7;
	(erf) = vrcp.f32 v5;
	v58 =	vpop (erf)  }
0x118: {  	v5 =	vadd.f32 $1.000000000e+00, v58;
	(erf) = vrcp.f32 v6  }
0x119: {  	(erf) = vrcp.f32 v7  }
0x11a: {  	(erf) = vrcp.f32 v5;
	_ =	sdelay $0x3  }
0x11b: {  	v59 =	vld [tilespmem:s17+$0xCF80];
	_ =	sdelay $0x1  }
0x11c: {  	v60 =	vpop (erf)  }
0x11d: {  	v1 =	vmul.f32 v60, v1;
	v61 =	vpop (erf)  }
0x11e: {  	v2 =	vmul.f32 v61, v2;
	v62 =	vpop (erf)  }
0x11f: {  	v1 =	vmul.f32 v1, v59;
	v3 =	vmul.f32 v62, v3;
	v63 =	vpop (erf)  }
0x120: {  	v2 =	vmul.f32 v2, v59;
	v4 =	vmul.f32 v63, v4  }
0x121: {  	[tilespmem:s17+$0xCF40] =	vst v1;
	v1 =	vmul.f32 v3, v59  }
0x122: {  	[tilespmem:s17+$0xCF50] =	vst v2;
	v2 =	vmul.f32 v4, v59  }
0x123: {  	[tilespmem:s17+$0xCF60] =	vst v1  }
.Ltmp2:
0x124: {  	[tilespmem:s17+$0xCF70] =	vst v2;
	(pc) =	sbr.rel @p2 .LBB2_8-.Ltmp2, $4  }
0x125: {  	[spmem:s2] =	stream.indirect.scatter.add.f32 [tilespmem:s30], [sflag:$0x7], $0x80, s10, s23, $0xb8;
	[tilespmem:$0x170C0] =	vst v63  }
0x126: {  	_ =	swait.ge [sflag:s21], $0x3000  }
0x127: {  	[sflag:s21] =	ssyncset.done $0x0  }
0x128: {  	[sflag:s21] =	ssyncadd.s32 $0xFFFFD000  }
0x129: {  	s17 =	smul.u32 $0xC0, s16;
	_ =	sdelay $0x1  }
0x12a: {  	s17 =	sadd.s32 s17, s13  }
.Ltmp3:
0x12b: {  	s17 =	sshrl.u32 s17, $0x3;
	(pc) =	sbr.rel .LBB2_2-.Ltmp3, $4  }
0x12c: {  	s18 =	sadd.s32 s4, s17  }
0x12d: {  	[tilespmem:s26], [sflag:$0x2] =	stream.linear.gather [hbm4b:s18+s3], $0x60, $0x38;
	[tilespmem:$0x170C0] =	vst v63  }
0x12e: {  	s16 =	sadd.s32 $0x1, s16;
	s17 =	sadd.s32 s5, s17  }
0x12f: {  	[tilespmem:s28], [sflag:$0x2] =	stream.linear.gather [hbm4b:s17+s3], $0x60, $0x38;
	[tilespmem:$0x170C0] =	vst v63  }
.LBB2_8:
0x130: {  	s16 =	simm.s32 $0x0;
	s17 =	rddreg [dreg:$0x9];
	s18 =	simm.s32 $0x15F40  }
0x131: {  	[tilespmem:s18], [sflag:$0x7] =	stream.linear.gather [hbm4b:s17+s16], $0x10, $0x38;
	[tilespmem:$0x170C0] =	vst v63  }
0x132: {  	_ =	swait.ge [sflag:s21], $0x10  }
0x133: {  	[sflag:s21] =	ssyncset.done $0x0  }
0x134: {  	s19 =	rddreg [dreg:$0xa];
	[sflag:s21] =	ssyncadd.s32 $0xFFFFFFF0  }
0x135: {  	[tilespmem:s11], [sflag:$0x7] =	stream.linear.gather [hbm4b:s19+s16], $0x10, $0x38;
	[tilespmem:$0x170C0] =	vst v63  }
0x136: {  	_ =	swait.ge [sflag:s21], $0x10  }
0x137: {  	[sflag:s21] =	ssyncset.done $0x0  }
0x138: {  	[sflag:s21] =	ssyncadd.s32 $0xFFFFFFF0  }
0x139: {  	[tilespmem:s14], [sflag:$0x3] =	stream.indirect.gather [hbm4b:s6+s22], $0x80, s11, s22, $0xb8;
	[tilespmem:$0x170C0] =	vst v63  }
0x13a: {  	s20 =	simm.s32 $0x168C0  }
0x13b: {  	[tilespmem:s20], [sflag:$0x5] =	stream.indirect.gather [hbm4b:s1+s22], $0x80, s18, s22, $0xb8;
	[tilespmem:$0x170C0] =	vst v63  }
0x13c: {  	v1 =	vld [tilespmem:$0x15F40];
	_ =	sdelay $0x4  }
0x13d: {  	v1 =	vsub.s32 v1, v0  }
0x13e: {  	[tilespmem:$0x16040] =	vst v1  }
0x13f: {  	_ =	swait.ge [sflag:s0], $0x800  }
0x140: {  	[sflag:s0] =	ssyncset.done $0x0  }
0x141: {  	[sflag:s0] =	ssyncadd.s32 $0xFFFFF800  }
0x142: {  	_ =	swait.ge [sflag:s25], $0x800  }
0x143: {  	[sflag:s25] =	ssyncset.done $0x0  }
0x144: {  	s16 =	simm.s32 $0x0;
	[sflag:s25] =	ssyncadd.s32 $0xFFFFF800  }
0x145: {  	v1 =	vld [tilespmem:s16+$0x168C0]  }
0x146: {  	v2 =	vld [tilespmem:s16+$0x168D0]  }
0x147: {  	v3 =	vld [tilespmem:s16+$0x168E0]  }
0x148: {  	v4 =	vld [tilespmem:s16+$0x168F0]  }
0x149: {  	v5 =	vld [tilespmem:s16+$0x160C0]  }
0x14a: {  	v7 =	vld [tilespmem:s16+$0x160D0]  }
0x14b: {  	s17 =	simm.s32 $0x200;
	v6 =	vld [tilespmem:s16+$0x160E0]  }
.LBB2_9:
0x14c: {  	p2 =	sne.s32 s17, $0x1E00;
	v8 =	vld [tilespmem:s16+$0x160F0];
	_ =	sdelay $0x1  }
0x14d: {  	v1 =	vadd.f32 v1, v5  }
0x14e: {  	v2 =	vadd.f32 v2, v7  }
0x14f: {  	v5 =	vmul.f32 v1, v1;
	v3 =	vadd.f32 v3, v6  }
0x150: {  	v6 =	vmul.f32 v2, v2;
	v4 =	vadd.f32 v4, v8  }
0x151: {  	v5 =	vmul.f32 $4.471499850e-02, v5;
	v7 =	vmul.f32 v3, v3  }
0x152: {  	v6 =	vmul.f32 $4.471499850e-02, v6;
	v8 =	vmul.f32 v4, v4  }
0x153: {  	v5 =	vmul.f32 v5, v1;
	v7 =	vmul.f32 $4.471499850e-02, v7  }
0x154: {  	v6 =	vmul.f32 v6, v2;
	v8 =	vmul.f32 $4.471499850e-02, v8  }
0x155: {  	v5 =	vadd.f32 v5, v1;
	v7 =	vmul.f32 v7, v3  }
0x156: {  	v6 =	vadd.f32 v6, v2;
	v8 =	vmul.f32 v8, v4  }
0x157: {  	v5 =	vmul.f32 $1.595769170e+00, v5;
	v7 =	vadd.f32 v7, v3  }
0x158: {  	v6 =	vmul.f32 $1.595769170e+00, v6;
	v8 =	vadd.f32 v8, v4  }
0x159: {  	v5 =	vsub.f32 $0.0e+00, v5;
	v7 =	vmul.f32 $1.595769170e+00, v7  }
0x15a: {  	v6 =	vsub.f32 $0.0e+00, v6;
	v8 =	vmul.f32 $1.595769170e+00, v8  }
0x15b: {  	v5 =	vmul.f32 $1.442695020e+00, v5;
	v7 =	vsub.f32 $0.0e+00, v7  }
0x15c: {  	v6 =	vmul.f32 $1.442695020e+00, v6;
	v8 =	vsub.f32 $0.0e+00, v8  }
0x15d: {  	v7 =	vmul.f32 $1.442695020e+00, v7;
	(erf) = vpow2.f32 v5  }
0x15e: {  	v5 =	vmul.f32 $1.442695020e+00, v8;
	(erf) = vpow2.f32 v6  }
0x15f: {  	(erf) = vpow2.f32 v7  }
0x160: {  	(erf) = vpow2.f32 v5;
	_ =	sdelay $0x5  }
0x161: {  	v5 =	vpop (erf)  }
0x162: {  	v8 =	vadd.f32 $1.000000000e+00, v5;
	v6 =	vpop (erf)  }
0x163: {  	v6 =	vadd.f32 $1.000000000e+00, v6;
	v7 =	vpop (erf)  }
0x164: {  	v7 =	vadd.f32 $1.000000000e+00, v7;
	(erf) = vrcp.f32 v8;
	v5 =	vpop (erf)  }
0x165: {  	v5 =	vadd.f32 $1.000000000e+00, v5;
	(erf) = vrcp.f32 v6  }
0x166: {  	(erf) = vrcp.f32 v7  }
0x167: {  	(erf) = vrcp.f32 v5;
	_ =	sdelay $0x3  }
0x168: {  	v6 =	vld [tilespmem:s16+$0x16100];
	_ =	sdelay $0x1  }
0x169: {  	v5 =	vpop (erf)  }
0x16a: {  	s18 =	sshra.s32 s17, $0x2;
	v5 =	vmul.f32 v5, v1;
	v7 =	vpop (erf)  }
0x16b: {  	v1 =	vld [tilespmem:s18+$0x168C0];
	v7 =	vmul.f32 v7, v2;
	v8 =	vpop (erf)  }
0x16c: {  	v2 =	vld [tilespmem:s18+$0x168D0];
	v5 =	vmul.f32 v5, v6;
	v8 =	vmul.f32 v8, v3;
	v9 =	vpop (erf)  }
.Ltmp4:
0x16d: {  	v3 =	vld [tilespmem:s18+$0x168E0];
	v7 =	vmul.f32 v7, v6;
	v9 =	vmul.f32 v9, v4;
	(pc) =	sbr.rel @p2 .LBB2_9-.Ltmp4, $4  }
0x16e: {  	v4 =	vld [tilespmem:s18+$0x168F0];
	[tilespmem:s16+$0x160C0] =	vst v5;
	v8 =	vmul.f32 v8, v6  }
0x16f: {  	v5 =	vld [tilespmem:s18+$0x160C0];
	[tilespmem:s16+$0x160D0] =	vst v7;
	v9 =	vmul.f32 v9, v6  }
0x170: {  	v7 =	vld [tilespmem:s18+$0x160D0];
	[tilespmem:s16+$0x160E0] =	vst v8  }
0x171: {  	s17 =	sadd.s32 $0x200, s17;
	v6 =	vld [tilespmem:s18+$0x160E0];
	[tilespmem:s16+$0x160F0] =	vst v9;
	s16 =	smov.u32 s18  }
0x172: {  	v8 =	vld [tilespmem:s16+$0x160F0];
	_ =	sdelay $0x1  }
0x173: {  	v1 =	vadd.f32 v1, v5  }
0x174: {  	v2 =	vadd.f32 v2, v7  }
0x175: {  	v5 =	vmul.f32 v1, v1;
	v3 =	vadd.f32 v3, v6  }
0x176: {  	v54 =	vmul.f32 v2, v2;
	v4 =	vadd.f32 v4, v8  }
0x177: {  	v5 =	vmul.f32 $4.471499850e-02, v5;
	v55 =	vmul.f32 v3, v3  }
0x178: {  	v6 =	vmul.f32 $4.471499850e-02, v54;
	v8 =	vmul.f32 v4, v4  }
0x179: {  	v5 =	vmul.f32 v5, v1;
	v7 =	vmul.f32 $4.471499850e-02, v55  }
0x17a: {  	v6 =	vmul.f32 v6, v2;
	v8 =	vmul.f32 $4.471499850e-02, v8  }
0x17b: {  	v5 =	vadd.f32 v5, v1;
	v7 =	vmul.f32 v7, v3  }
0x17c: {  	v6 =	vadd.f32 v6, v2;
	v8 =	vmul.f32 v8, v4  }
0x17d: {  	v5 =	vmul.f32 $1.595769170e+00, v5;
	v7 =	vadd.f32 v7, v3  }
0x17e: {  	v6 =	vmul.f32 $1.595769170e+00, v6;
	v8 =	vadd.f32 v8, v4  }
0x17f: {  	v5 =	vsub.f32 $0.0e+00, v5;
	v7 =	vmul.f32 $1.595769170e+00, v7  }
0x180: {  	v6 =	vsub.f32 $0.0e+00, v6;
	v8 =	vmul.f32 $1.595769170e+00, v8  }
0x181: {  	v5 =	vmul.f32 $1.442695020e+00, v5;
	v7 =	vsub.f32 $0.0e+00, v7  }
0x182: {  	v6 =	vmul.f32 $1.442695020e+00, v6;
	v8 =	vsub.f32 $0.0e+00, v8  }
0x183: {  	v7 =	vmul.f32 $1.442695020e+00, v7;
	(erf) = vpow2.f32 v5  }
0x184: {  	v56 =	vmul.f32 $1.442695020e+00, v8;
	(erf) = vpow2.f32 v6  }
0x185: {  	(erf) = vpow2.f32 v7  }
0x186: {  	(erf) = vpow2.f32 v56;
	_ =	sdelay $0x5  }
0x187: {  	v57 =	vpop (erf)  }
0x188: {  	v5 =	vadd.f32 $1.000000000e+00, v57;
	v6 =	vpop (erf)  }
0x189: {  	v6 =	vadd.f32 $1.000000000e+00, v6;
	v7 =	vpop (erf)  }
0x18a: {  	v7 =	vadd.f32 $1.000000000e+00, v7;
	(erf) = vrcp.f32 v5;
	v58 =	vpop (erf)  }
0x18b: {  	v5 =	vadd.f32 $1.000000000e+00, v58;
	(erf) = vrcp.f32 v6  }
0x18c: {  	(erf) = vrcp.f32 v7  }
0x18d: {  	(erf) = vrcp.f32 v5;
	_ =	sdelay $0x3  }
0x18e: {  	v59 =	vld [tilespmem:s16+$0x16100];
	_ =	sdelay $0x1  }
0x18f: {  	v60 =	vpop (erf)  }
0x190: {  	v1 =	vmul.f32 v60, v1;
	v61 =	vpop (erf)  }
0x191: {  	v2 =	vmul.f32 v61, v2;
	v62 =	vpop (erf)  }
0x192: {  	v1 =	vmul.f32 v1, v59;
	v3 =	vmul.f32 v62, v3;
	v63 =	vpop (erf)  }
0x193: {  	v2 =	vmul.f32 v2, v59;
	v4 =	vmul.f32 v63, v4  }
0x194: {  	[tilespmem:s16+$0x160C0] =	vst v1;
	v1 =	vmul.f32 v3, v59  }
0x195: {  	[tilespmem:s16+$0x160D0] =	vst v2;
	v2 =	vmul.f32 v4, v59  }
0x196: {  	[tilespmem:s16+$0x160E0] =	vst v1  }
0x197: {  	s19 =	simm.s32 $0x16040;
	[tilespmem:s16+$0x160F0] =	vst v2  }
0x198: {  	[spmem:s2] =	stream.indirect.scatter.add.f32 [tilespmem:s14], [sflag:$0x7], $0x80, s19, s22, $0xb8;
	[tilespmem:$0x170C0] =	vst v63  }
0x199: {  	_ =	swait.ge [sflag:s21], $0x800  }
0x19a: {  	[sflag:s21] =	ssyncset.done $0x0  }
0x19b: {  	[sflag:s21] =	ssyncadd.s32 $0xFFFFF800  }
0x19c: {  	[bflag:$0x0] =	sbarrier.arrive $0xFFFF  }
0x19d: {  	s17 =	simm.s32 @!p1 $0x1C07;
	s16 =	sshrl.u32 @!p1 s2, $0x3;
	s18 =	rddreg [dreg:$0xb]  }
0x19e: {  	[hbm:s18], [sflag:s17] =	dma.local @!p1 [spmem:s16], $0x13880  }
0x19f: {  	s16 =	simm.s32 @!p1 $0x7  }
0x1a0: {  	_ =	swait.ge @!p1 [sflag:s16], $0x13880  }
0x1a1: {  	s15 =	sadd.s32 $0x1, s15;
	s20 =	rddreg [dreg:$0xc]  }
0x1a2: {  	p2 =	sne.s32 s15, s20  }
.Ltmp5:
0x1a3: {  	_ = 	snop;
	(pc) =	sbr.rel @p2 .LBB2_1-.Ltmp5, $3  }
0x1a4: {  	_ =	sdelay $0x1  }
0x1a5: {  	[sflag:s16] =	ssyncset.done @!p1 $0x0  }
0x1a6: {  	[sflag:s16] =	ssyncadd.s32 @!p1 $0xFFFEC780  }
0x1a7: {  	_ =	sfence.sel $0x180000  }
0x1a8: {  	[bflag:$0x0] =	sbarrier.arrive $0xFFFF  }
0x1a9: {  	_ =	strace $0x9000004A  }
0x1aa: {  	[bflag:$0x2] =	sbarrier.arrive $0xFFFF  }
0x1ab: {  	s0 =	rddreg [dreg:$0x3]  }
0x1ac: {  	s0 =	sadd.s32 @!p1 $0x100000, s0  }
0x1ad: {  	[sflag:s0] =	ssyncadd.tile.s32 @!p1 $0x1;
	_ =	shalt  }
.Lfunc_end2:
_tile_overlayer_lowered:
.L_overlay_start_2:
0x1ae: {  	(tag) =	ssettag $0x2  }
0x1af: {  	s0 =	rddreg [dreg:$0x0];
	s2 =	stileid.u32  }
0x1b0: {  	s1 =	rddreg [dreg:$0x1];
	p0 =	sne.s32 s2, $0x0  }
0x1b1: {  	s3 =	rddreg [dreg:$0x2];
	[bflag:$0x3] =	sbarrier.arrive $0xFFFF;
	s2 =	simm.s32 @!p0 $0x1C07  }
0x1b2: {  	[timem:s3], [sflag:s2] =	dma.local @!p0 [hbm:s0], s1  }
0x1b3: {  	s0 =	simm.s32 @!p0 $0x7  }
0x1b4: {  	_ =	swait.ge @!p0 [sflag:s0], s1  }
0x1b5: {  	s1 =	ssub.s32 @!p0 $0x0, s1;
	[sflag:s0] =	ssyncset.done @!p0 $0x0  }
0x1b6: {  	[sflag:s0] =	ssyncadd.s32 @!p0 s1  }
0x1b7: {  	[bflag:$0x3] =	sbarrier.arrive $0xFFFF  }
0x1b8: {  	_ =	shalt  }

// kernel: kernel.8.cloned.1.call-start
scs
__scs_entry_jumppad:
0x0: {  	(pc) =	sbr.rel $0x88, $3  }
0x1: {  	(tag) =	ssettag $0x0;
	lr =	simm.s32 $0x1  }
0x2: {  	[smem:$0x3F94] =	sst lr;
	_ =	strace $0xD0000000  }
0x3: {  	_ = 	snop  }
0x4: {  	_ = 	snop  }
0x5: {  	_ = 	snop  }
0x6: {  	_ = 	snop  }
0x7: {  	_ = 	snop  }
__scs_overlays_trampoline_lowered:
0x8: {  	[smem:$0x3FA3] =	sst s0  }
0x9: {  	[smem:$0x3FA4] =	sst s1  }
0xa: {  	[smem:$0x3FA5] =	sst s2  }
0xb: {  	[smem:$0x3FA6] =	sst s3  }
0xc: {  	[smem:$0x3FA7] =	sst s4  }
0xd: {  	[smem:$0x3FA8] =	sst s5  }
0xe: {  	[smem:$0x3FA9] =	sst s6  }
0xf: {  	[smem:$0x3FAA] =	sst s7  }
0x10: {  	[smem:$0x3FAB] =	sst s8  }
0x11: {  	[smem:$0x3FAC] =	sst s9;
	s0 =	simm.s32 @!p0 $0x0  }
0x12: {  	s1 =	sld [smem:$0x3F92];
	s0 =	simm.s32 @p0 $0x1  }
0x13: {  	[smem:$0x3FAD] =	sst s0;
	s0 =	simm.s32 @!p1 $0x0  }
0x14: {  	s2 =	sld [smem:$0x3F91];
	s0 =	simm.s32 @p1 $0x1  }
0x15: {  	[smem:$0x3FAE] =	sst s0;
	s0 =	simm.s32 @!p2 $0x0  }
0x16: {  	s3 =	sld [smem:$0x3FDB];
	s0 =	simm.s32 @p2 $0x1  }
0x17: {  	s4 =	simm.s32 $0x1BF5;
	[smem:$0x3FB0] =	sst s0  }
0x18: {  	s0 =	sld [smem:$0x3F93];
	_ =	swait.ge [sflag:s4], $0x0  }
0x19: {  	s7 =	sld [smem:$0x3F94]  }
0x1a: {  	s8 =	sadd.s32 $0xFFFFE003, lr  }
0x1b: {  	s9 =	sadd.s32 $0xFFFFFEF7, lr;
	s5 =	simm.s32 $0xFFFFFFFF;
	p2 =	slt.u32 s8, $0xFFFFF086  }
0x1c: {  	p1 =	slt.u32 s9, $0xF7A;
	s5 =	simm.s32 @!p2 $0x0  }
0x1d: {  	s5 =	simm.s32 @p1 $0x1;
	p0 =	seq.s32 s7, s2  }
0x1e: {  	s7 =	smul.u32 @!p0 $0xF7A, s2;
	p2 =	seq.s32 @!p0 s5, $0x0  }
0x1f: {  	s9 =	smul.u32 $0xF7A, s1;
	s8 =	simm.s32 @!p0 $0x1BF5;
	p2 =	por !p2, p0  }
0x20: {  	[sflag:s8] =	ssyncset.s32 @!p0 $0xFFFFF086;
	s6 =	sadd.s32 @!p0 s3, s7;
	s7 =	simm.s32 @!p0 $0x108  }
0x21: {  	s3 =	sadd.s32 s3, s9;
	s6 =	sadd.s32 @!p0 $0x88, s6;
	s7 =	simm.s32 @p2 $0x1082  }
0x22: {  	[simem:s7], [sflag:s8] =	dma.local @!p0 [hbm:s6], $0xF7A  }
0x23: {  	s9 =	sor.u32 $0xD0000000, s2;
	s6 =	simm.s32 $0x108;
	_ =	swait.ge @!p0 [sflag:s8], $0x0  }
0x24: {  	s3 =	sadd.s32 $0x88, s3;
	s6 =	simm.s32 @!p1 $0x1082;
	[sflag:s4] =	ssyncset.s32 $0xFFFFF086  }
0x25: {  	[simem:s6], [sflag:s4] =	dma.local [hbm:s3], $0xF7A  }
0x26: {  	[smem:$0x3F94] =	sst s1;
	(tag) =	ssettag s2;
	_ =	strace s9  }
0x27: {  	s1 =	sld [smem:$0x3FA4]  }
0x28: {  	s2 =	sld [smem:$0x3FA5]  }
0x29: {  	s4 =	sld [smem:$0x3FA7]  }
0x2a: {  	p0 =	seq.s32 s5, $0x0;
	s5 =	sld [smem:$0x3FA8]  }
0x2b: {  	s6 =	sld [smem:$0x3FA9]  }
0x2c: {  	s7 =	sld [smem:$0x3FAA]  }
0x2d: {  	s3 =	simm.s32 $0x108;
	s8 =	sld [smem:$0x3FAB]  }
0x2e: {  	s3 =	simm.s32 @!p0 $0x1082;
	s9 =	sld [smem:$0x3FAC]  }
0x2f: {  	lr =	sadd.s32 s0, s3;
	s0 =	sld [smem:$0x3FA3]  }
0x30: {  	s3 =	sld [smem:$0x3FA6]  }
0x31: {  	[smem:$0x3FAF] =	sst s10  }
0x32: {  	s10 =	sld [smem:$0x3FAD];
	_ =	sdelay $0x3  }
0x33: {  	p0 =	seq.s32 s10, $0x1;
	s10 =	sld [smem:$0x3FAF];
	_ =	sdelay $0x3  }
0x34: {  	[smem:$0x3FAF] =	sst s10  }
0x35: {  	s10 =	sld [smem:$0x3FAE];
	_ =	sdelay $0x3  }
0x36: {  	p1 =	seq.s32 s10, $0x1;
	s10 =	sld [smem:$0x3FAF];
	_ =	sdelay $0x3  }
0x37: {  	[smem:$0x3FAF] =	sst s10  }
0x38: {  	s10 =	sld [smem:$0x3FB0]  }
0x39: {  	_ = 	snop;
	(pc) =	sbr.ind lr, $3  }
0x3a: {  	_ = 	snop  }
0x3b: {  	_ = 	snop  }
0x3c: {  	p2 =	seq.s32 s10, $0x1;
	s10 =	sld [smem:$0x3FAF]  }
0x3d: {  	_ =	shalt  }
0x3e: {  	_ =	shalt  }
0x3f: {  	_ =	shalt  }
0x40: {  	_ =	shalt  }
0x41: {  	_ =	shalt  }
0x42: {  	_ =	shalt  }
0x43: {  	_ =	shalt  }
0x44: {  	_ =	shalt  }
0x45: {  	_ =	shalt  }
0x46: {  	_ =	shalt  }
0x47: {  	_ =	shalt  }
0x48: {  	_ =	shalt  }
0x49: {  	_ =	shalt  }
0x4a: {  	_ =	shalt  }
0x4b: {  	_ =	shalt  }
0x4c: {  	_ =	shalt  }
0x4d: {  	_ =	shalt  }
0x4e: {  	_ =	shalt  }
0x4f: {  	_ =	shalt  }
0x50: {  	_ =	shalt  }
0x51: {  	_ =	shalt  }
0x52: {  	_ =	shalt  }
0x53: {  	_ =	shalt  }
0x54: {  	_ =	shalt  }
0x55: {  	_ =	shalt  }
0x56: {  	_ =	shalt  }
0x57: {  	_ =	shalt  }
0x58: {  	_ =	shalt  }
0x59: {  	_ =	shalt  }
0x5a: {  	_ =	shalt  }
0x5b: {  	_ =	shalt  }
0x5c: {  	_ =	shalt  }
0x5d: {  	_ =	shalt  }
0x5e: {  	_ =	shalt  }
0x5f: {  	_ =	shalt  }
0x60: {  	_ =	shalt  }
0x61: {  	_ =	shalt  }
0x62: {  	_ =	shalt  }
0x63: {  	_ =	shalt  }
0x64: {  	_ =	shalt  }
0x65: {  	_ =	shalt  }
0x66: {  	_ =	shalt  }
0x67: {  	_ =	shalt  }
0x68: {  	_ =	shalt  }
0x69: {  	_ =	shalt  }
0x6a: {  	_ =	shalt  }
0x6b: {  	_ =	shalt  }
0x6c: {  	_ =	shalt  }
0x6d: {  	_ =	shalt  }
0x6e: {  	_ =	shalt  }
0x6f: {  	_ =	shalt  }
0x70: {  	_ =	shalt  }
0x71: {  	_ =	shalt  }
0x72: {  	_ =	shalt  }
0x73: {  	_ =	shalt  }
0x74: {  	_ =	shalt  }
0x75: {  	_ =	shalt  }
0x76: {  	_ =	shalt  }
0x77: {  	_ =	shalt  }
0x78: {  	_ =	shalt  }
0x79: {  	_ =	shalt  }
0x7a: {  	_ =	shalt  }
0x7b: {  	_ =	shalt  }
0x7c: {  	_ =	shalt  }
0x7d: {  	_ =	shalt  }
0x7e: {  	_ =	shalt  }
0x7f: {  	_ =	shalt  }
0x80: {  	_ =	shalt  }
0x81: {  	_ =	shalt  }
0x82: {  	_ =	shalt  }
0x83: {  	_ =	shalt  }
0x84: {  	_ =	shalt  }
0x85: {  	_ =	shalt  }
0x86: {  	_ =	shalt  }
0x87: {  	_ =	shalt  }
.Lfunc_end0:
.L_simem_size_0:
called_computation_lowered:
.L_overlay_start_0:
0x88: {  	s2 =	sld [smem:$0x3FD9]  }
0x89: {  	s3 =	sld [smem:$0x3FFE];
	_ =	sdelay $0x1  }
0x8a: {  	s1 =	srdreg.scid  }
0x8b: {  	s0 =	sand.u32 $0x1, s1  }
0x8c: {  	s16 =	sshll.u32 s0, $0xA;
	s2 =	sadd.s32 s3, s2  }
0x8d: {  	s2 =	sadd.s32 s2, s16  }
0x8e: {  	[smem:$0x3FBB] =	sst s2  }
0x8f: {  	_ = 	snop  }
0x90: {  	(tm) =	ssettm $0x1  }
0x91: {  	s17 =	sld [smem:$0x3FFB];
	_ =	sdelay $0x3  }
0x92: {  	_ =	strace s17  }
0x93: {  	s2 =	sld [smem:$0x3FFC];
	_ =	sdelay $0x3  }
0x94: {  	_ =	strace s2  }
0x95: {  	s2 =	sld [smem:$0x3FFD];
	_ =	sdelay $0x3  }
0x96: {  	_ =	strace s2  }
0x97: {  	_ =	strace $0x8FFFFFFF  }
0x98: {  	s18 =	sld [smem:$0x3FDB];
	_ =	sdelay $0x1  }
0x99: {  	s19 =	simm.s32 $_scs_section_size  }
0x9a: {  	s4 =	simm.s32 $_size__tile_overlayer_lowered;
	s5 =	simm.s32 $_tile_overlayer_lowered  }
0x9b: {  	s22 =	simm.s32 $0x1BFF;
	s21 =	sshll.u32 s5, $0x1;
	s2 =	sadd.s32 s19, s18  }
0x9c: {  	s6 =	simm.s32 $0x0;
	s20 =	sshll.u32 s4, $0x1;
	s4 =	sadd.s32 s21, s2  }
0x9d: {  	[timem:s6], [sflag:s22] =	dma.local [hbm:s4], s20  }
0x9e: {  	_ =	swait.ge [sflag:s22], s20  }
0x9f: {  	s3 =	ssub.s32 $0x0, s20;
	[sflag:s22] =	ssyncset.done $0x0  }
0xa0: {  	[sflag:s22] =	ssyncadd.s32 s3;
	_ =	sdelay $0x1  }
0xa1: {  	s23 =	simm.s32 $0x1B8B  }
0xa2: {  	_ =	swait.ge [sflag:s23], $0x1  }
0xa3: {  	[sflag:s23] =	ssyncset.done $0x0  }
0xa4: {  	s25 =	simm.s32 $0x1B8E;
	s24 =	sld [smem:$0x3FFE];
	[sflag:s23] =	ssyncadd.s32 $0xFFFFFFFF  }
0xa5: {  	s26 =	simm.s32 $execute0_lowered;
	[smem:$0x3FD2] =	sst s25  }
0xa6: {  	s4 =	sshll.u32 s26, $0x1;
	_ =	strace $0x80000046;
	[dreg:$0x1] =	wrdreg $0xFFFFFFFF  }
0xa7: {  	s28 =	simm.s32 $_size_execute0_lowered;
	s2 =	sadd.s32 s2, s4;
	[dreg:$0x0] =	wrdreg $0x0  }
0xa8: {  	s4 =	sshll.u32 s28, $0x1;
	[dreg:$0x2] =	wrdreg s2  }
0xa9: {  	[dreg:$0x3] =	wrdreg s4  }
0xaa: {  	[dreg:$0x4] =	wrdreg $0xC0  }
0xab: {  	_ =	task [dreg:s6], $0x5FFFF  }
0xac: {  	[dreg:$0x1] =	wrdreg $0xFFFFFFFF  }
0xad: {  	[dreg:$0x0] =	wrdreg $0x60  }
0xae: {  	[dreg:$0x2] =	wrdreg s24  }
0xaf: {  	[dreg:$0x3] =	wrdreg $0x9  }
0xb0: {  	_ =	task.clear_ibuf [dreg:s6], $0x4FFFF;
	_ =	strace $0x90000046  }
0xb1: {  	s29 =	simm.s32 $0x9;
	_ =	strace $0x80000048  }
0xb2: {  	_ =	swait.ge [sflag:s29], $0x1  }
0xb3: {  	[sflag:s29] =	ssyncadd.s32 $0xFFFFFFFF  }
0xb4: {  	_ =	strace $0x90000048  }
0xb5: {  	_ =	sfence  }
0xb6: {  	s30 =	sld [smem:$0x0];
	_ =	sdelay $0x2  }
0xb7: {  	s31 =	sshll.u32 s1, $0xD;
	s1 =	sshrl.u32 s1, $0x2  }
0xb8: {  	s3 =	sand.u32 $0x4000, s31;
	s1 =	sadd.s32 s1, s30  }
0xb9: {  	s0 =	sor.u32 s3, s0;
	s1 =	sshll.u32 s1, $0x11  }
0xba: {  	s0 =	sor.u32 s1, s0  }
0xbb: {  	s0 =	sadd.s32 $0x8F2B, s0  }
0xbc: {  	[sflag:s0] =	ssyncadd.remote.s32 $0x1  }
0xbd: {  	_ =	sfence.sel $0xFFFF  }
0xbe: {  	[dreg:$0x0] =	wrdreg $0xFFFFFFFF;
	(pc) =	sbr.abs _section_cstart, $3  }
0xbf: {  	[dreg:$0x1] =	wrdreg $0xFFFFFFFF  }
0xc0: {  	_ =	task.clear_ibuf [dreg:s6], $0x2FFFF;
	_ =	strace $0x9FFFFFFF  }
0xc1: {  	(tm) =	ssettm $0x7FFFFFFF  }
tec
execute0_lowered:
.L_overlay_start_1:
0x0: {  	(tag) =	ssettag $0x1  }
0x1: {  	s5 =	rddreg [dreg:$0x0]  }
0x2: {  	s1 =	srdreg.scid;
	s0 =	rddreg [dreg:$0x1]  }
0x3: {  	s2 =	simm.s32 $0x0;
	s12 =	simm.s32 $0x400;
	s13 =	simm.s32 $0x3  }
0x4: {  	s14 =	simm.s32 $0x1;
	s15 =	simm.s32 $0x2;
	s16 =	simm.s32 $0x80  }
0x5: {  	s17 =	simm.s32 $0x0;
	s6 =	sand.u32 $0x1, s1;
	[smem:$0x7FF] =	sst s2  }
0x6: {  	s1 =	stileid.u32;
	s3 =	sadd.s32 $0x2400, s5;
	s4 =	sshll.u32 s6, $0x4  }
0x7: {  	_ =	strace $0x80000047;
	s10 =	ssub.s32 $0x2, s6;
	s6 =	smul.u32 $0x27100, s6  }
0x8: {  	s8 =	sshll.u32 s1, $0x4;
	s11 =	smul.u32 $0x2710, s1;
	s7 =	sor.u32 s1, s4  }
0x9: {  	s4 =	sadd.s32 $0x16000, s5;
	s8 =	sand.u32 $0x70, s8;
	s29 =	sshrl.u32 s10, $0x1  }
0xa: {  	s9 =	smul.u32 $0x2710, s7;
	s8 =	sadd.s32 s8, s5;
	s10 =	ssub.s32 s10, s29  }
.Ltmp0:
0xb: {  	s7 =	sshll.u32 s7, $0xD;
	s11 =	sadd.s32 s11, s6;
	(pc) =	sbr.rel .LBB2_1-.Ltmp0, $4  }
0xc: {  	s7 =	sand.u32 $0x30000, s7;
	s31 =	sadd.s32 $0x4B0, s11;
	s30 =	sshrl.u32 s9, $0x3  }
0xd: {  	s7 =	sadd.s32 s7, s8;
	s8 =	smax.u32 s10, $0x1;
	s9 =	sshrl.u32 s31, $0x3  }
0xe: {  	s10 =	sadd.s32 $0x320, s11;
	s11 =	simm.s32 $0x200;
	s5 =	sadd.s32 s3, s30  }
0xf: {  	v0 =	vimm.f32 $1.000000000e+00;
	s7 =	sadd.s32 $0x18000, s7;
	s9 =	sadd.s32 s9, s3;
	s6 =	sadd.s32 $0x32, s5  }
.LBB2_4:
0x10: {  	_ =	swait.ge [sflag:s14], $0x190  }
0x11: {  	[sflag:s14] =	ssyncset.done $0x0  }
0x12: {  	[sflag:s14] =	ssyncadd.s32 $0xFFFFFE70  }
0x13: {  	v1 =	vld [tilespmem:$0x0];
	_ =	sdelay $0x7  }
0x14: {  	[tilespmem:v1+s12+$0x0] =	vst.idx.add.f32.msk $0xffff, v0  }
0x15: {  	v1 =	vld [tilespmem:$0x10];
	_ =	sdelay $0x7  }
0x16: {  	[tilespmem:v1+s12+$0x0] =	vst.idx.add.f32.msk $0xffff, v0  }
0x17: {  	v1 =	vld [tilespmem:$0x20];
	_ =	sdelay $0x7  }
0x18: {  	[tilespmem:v1+s12+$0x0] =	vst.idx.add.f32.msk $0xffff, v0  }
0x19: {  	v1 =	vld [tilespmem:$0x30];
	_ =	sdelay $0x7  }
0x1a: {  	[tilespmem:v1+s12+$0x0] =	vst.idx.add.f32.msk $0xffff, v0  }
0x1b: {  	v1 =	vld [tilespmem:$0x40];
	_ =	sdelay $0x7  }
0x1c: {  	[tilespmem:v1+s12+$0x0] =	vst.idx.add.f32.msk $0xffff, v0  }
0x1d: {  	v1 =	vld [tilespmem:$0x50];
	_ =	sdelay $0x7  }
0x1e: {  	[tilespmem:v1+s12+$0x0] =	vst.idx.add.f32.msk $0xffff, v0  }
0x1f: {  	v1 =	vld [tilespmem:$0x60];
	_ =	sdelay $0x7  }
0x20: {  	[tilespmem:v1+s12+$0x0] =	vst.idx.add.f32.msk $0xffff, v0  }
0x21: {  	v1 =	vld [tilespmem:$0x70];
	_ =	sdelay $0x7  }
0x22: {  	[tilespmem:v1+s12+$0x0] =	vst.idx.add.f32.msk $0xffff, v0  }
0x23: {  	v1 =	vld [tilespmem:$0x80];
	_ =	sdelay $0x7  }
0x24: {  	[tilespmem:v1+s12+$0x0] =	vst.idx.add.f32.msk $0xffff, v0  }
0x25: {  	v1 =	vld [tilespmem:$0x90];
	_ =	sdelay $0x7  }
0x26: {  	[tilespmem:v1+s12+$0x0] =	vst.idx.add.f32.msk $0xffff, v0  }
0x27: {  	v1 =	vld [tilespmem:$0xA0];
	_ =	sdelay $0x7  }
0x28: {  	[tilespmem:v1+s12+$0x0] =	vst.idx.add.f32.msk $0xffff, v0  }
0x29: {  	v1 =	vld [tilespmem:$0xB0];
	_ =	sdelay $0x7  }
0x2a: {  	[tilespmem:v1+s12+$0x0] =	vst.idx.add.f32.msk $0xffff, v0  }
0x2b: {  	v1 =	vld [tilespmem:$0xC0];
	_ =	sdelay $0x7  }
0x2c: {  	[tilespmem:v1+s12+$0x0] =	vst.idx.add.f32.msk $0xffff, v0  }
0x2d: {  	v1 =	vld [tilespmem:$0xD0];
	_ =	sdelay $0x7  }
0x2e: {  	[tilespmem:v1+s12+$0x0] =	vst.idx.add.f32.msk $0xffff, v0  }
0x2f: {  	v1 =	vld [tilespmem:$0xE0];
	_ =	sdelay $0x7  }
0x30: {  	[tilespmem:v1+s12+$0x0] =	vst.idx.add.f32.msk $0xffff, v0  }
0x31: {  	v1 =	vld [tilespmem:$0xF0];
	_ =	sdelay $0x7  }
0x32: {  	[tilespmem:v1+s12+$0x0] =	vst.idx.add.f32.msk $0xffff, v0  }
0x33: {  	v1 =	vld [tilespmem:$0x100];
	_ =	sdelay $0x7  }
0x34: {  	[tilespmem:v1+s12+$0x0] =	vst.idx.add.f32.msk $0xffff, v0  }
0x35: {  	v1 =	vld [tilespmem:$0x110];
	_ =	sdelay $0x7  }
0x36: {  	[tilespmem:v1+s12+$0x0] =	vst.idx.add.f32.msk $0xffff, v0  }
0x37: {  	v1 =	vld [tilespmem:$0x120];
	_ =	sdelay $0x7  }
0x38: {  	[tilespmem:v1+s12+$0x0] =	vst.idx.add.f32.msk $0xffff, v0  }
0x39: {  	v1 =	vld [tilespmem:$0x130];
	_ =	sdelay $0x7  }
0x3a: {  	[tilespmem:v1+s12+$0x0] =	vst.idx.add.f32.msk $0xffff, v0  }
0x3b: {  	v1 =	vld [tilespmem:$0x140];
	_ =	sdelay $0x7  }
0x3c: {  	[tilespmem:v1+s12+$0x0] =	vst.idx.add.f32.msk $0xffff, v0  }
0x3d: {  	v1 =	vld [tilespmem:$0x150];
	_ =	sdelay $0x7  }
0x3e: {  	[tilespmem:v1+s12+$0x0] =	vst.idx.add.f32.msk $0xffff, v0  }
0x3f: {  	v1 =	vld [tilespmem:$0x160];
	_ =	sdelay $0x7  }
0x40: {  	[tilespmem:v1+s12+$0x0] =	vst.idx.add.f32.msk $0xffff, v0  }
0x41: {  	v1 =	vld [tilespmem:$0x170];
	_ =	sdelay $0x7  }
0x42: {  	[tilespmem:v1+s12+$0x0] =	vst.idx.add.f32.msk $0xffff, v0  }
0x43: {  	v1 =	vld [tilespmem:$0x180];
	_ =	sdelay $0x5  }
0x44: {  	s17 =	sadd.s32 $0x1, s17  }
0x45: {  	p0 =	sne.s32 s17, s8  }
.Ltmp1:
0x46: {  	[tilespmem:v1+s12+$0x0] =	vst.idx.add.f32.msk $0xffff, v0;
	(pc) =	sbr.rel @!p0 .LBB2_5-.Ltmp1, $4  }
0x47: {  	[hbm4b:s7+s16] =	stream.strided.scatter [tilespmem:s12], [sflag:$0x3], $0x10000, s12, s16, $0x38;
	[tilespmem:$0x10400] =	vst v63  }
0x48: {  	_ =	swait.ge [sflag:s13], $0x10000  }
0x49: {  	[sflag:s13] =	ssyncset.done $0x0  }
0x4a: {  	[sflag:s13] =	ssyncadd.s32 $0xFFFF0000  }
.LBB2_1:
0x4b: {  	[tilespmem:s2], [sflag:$0x1] =	stream.linear.gather [hbm4b:s5+s2], $0x190, $0x38;
	[tilespmem:$0x10400] =	vst v63  }
0x4c: {  	_ = 	snop  }
0x4d: {  	[tilespmem:s11], [sflag:$0x2] =	stream.linear.gather [hbm4b:s6+s2], $0x190, $0x38;
	[tilespmem:$0x10400] =	vst v63  }
0x4e: {  	_ = 	snop  }
0x4f: {  	[tilespmem:s12], [sflag:$0x3] =	stream.linear.gather [hbm4b:s4+s2], $0x10000, $0x38;
	[tilespmem:$0x10400] =	vst v63  }
0x50: {  	_ =	swait.ge [sflag:s13], $0x10000  }
0x51: {  	[sflag:s13] =	ssyncset.done $0x0  }
0x52: {  	s18 =	smov.u32 s10;
	s19 =	simm.s32 $0x0;
	[sflag:s13] =	ssyncadd.s32 $0xFFFF0000  }
.LBB2_2:
0x53: {  	_ =	swait.ge [sflag:s14], $0x190  }
0x54: {  	[sflag:s14] =	ssyncset.done $0x0  }
0x55: {  	[sflag:s14] =	ssyncadd.s32 $0xFFFFFE70  }
0x56: {  	v1 =	vld [tilespmem:$0x0];
	_ =	sdelay $0x7  }
0x57: {  	[tilespmem:v1+s12+$0x0] =	vst.idx.add.f32.msk $0xffff, v0  }
0x58: {  	v1 =	vld [tilespmem:$0x10];
	_ =	sdelay $0x7  }
0x59: {  	[tilespmem:v1+s12+$0x0] =	vst.idx.add.f32.msk $0xffff, v0  }
0x5a: {  	v1 =	vld [tilespmem:$0x20];
	_ =	sdelay $0x7  }
0x5b: {  	[tilespmem:v1+s12+$0x0] =	vst.idx.add.f32.msk $0xffff, v0  }
0x5c: {  	v1 =	vld [tilespmem:$0x30];
	_ =	sdelay $0x7  }
0x5d: {  	[tilespmem:v1+s12+$0x0] =	vst.idx.add.f32.msk $0xffff, v0  }
0x5e: {  	v1 =	vld [tilespmem:$0x40];
	_ =	sdelay $0x7  }
0x5f: {  	[tilespmem:v1+s12+$0x0] =	vst.idx.add.f32.msk $0xffff, v0  }
0x60: {  	v1 =	vld [tilespmem:$0x50];
	_ =	sdelay $0x7  }
0x61: {  	[tilespmem:v1+s12+$0x0] =	vst.idx.add.f32.msk $0xffff, v0  }
0x62: {  	v1 =	vld [tilespmem:$0x60];
	_ =	sdelay $0x7  }
0x63: {  	[tilespmem:v1+s12+$0x0] =	vst.idx.add.f32.msk $0xffff, v0  }
0x64: {  	v1 =	vld [tilespmem:$0x70];
	_ =	sdelay $0x7  }
0x65: {  	[tilespmem:v1+s12+$0x0] =	vst.idx.add.f32.msk $0xffff, v0  }
0x66: {  	v1 =	vld [tilespmem:$0x80];
	_ =	sdelay $0x7  }
0x67: {  	[tilespmem:v1+s12+$0x0] =	vst.idx.add.f32.msk $0xffff, v0  }
0x68: {  	v1 =	vld [tilespmem:$0x90];
	_ =	sdelay $0x7  }
0x69: {  	[tilespmem:v1+s12+$0x0] =	vst.idx.add.f32.msk $0xffff, v0  }
0x6a: {  	v1 =	vld [tilespmem:$0xA0];
	_ =	sdelay $0x7  }
0x6b: {  	[tilespmem:v1+s12+$0x0] =	vst.idx.add.f32.msk $0xffff, v0  }
0x6c: {  	v1 =	vld [tilespmem:$0xB0];
	_ =	sdelay $0x7  }
0x6d: {  	[tilespmem:v1+s12+$0x0] =	vst.idx.add.f32.msk $0xffff, v0  }
0x6e: {  	v1 =	vld [tilespmem:$0xC0];
	_ =	sdelay $0x7  }
0x6f: {  	[tilespmem:v1+s12+$0x0] =	vst.idx.add.f32.msk $0xffff, v0  }
0x70: {  	v1 =	vld [tilespmem:$0xD0];
	_ =	sdelay $0x7  }
0x71: {  	[tilespmem:v1+s12+$0x0] =	vst.idx.add.f32.msk $0xffff, v0  }
0x72: {  	v1 =	vld [tilespmem:$0xE0];
	_ =	sdelay $0x7  }
0x73: {  	[tilespmem:v1+s12+$0x0] =	vst.idx.add.f32.msk $0xffff, v0  }
0x74: {  	v1 =	vld [tilespmem:$0xF0];
	_ =	sdelay $0x7  }
0x75: {  	[tilespmem:v1+s12+$0x0] =	vst.idx.add.f32.msk $0xffff, v0  }
0x76: {  	v1 =	vld [tilespmem:$0x100];
	_ =	sdelay $0x7  }
0x77: {  	[tilespmem:v1+s12+$0x0] =	vst.idx.add.f32.msk $0xffff, v0  }
0x78: {  	v1 =	vld [tilespmem:$0x110];
	_ =	sdelay $0x7  }
0x79: {  	[tilespmem:v1+s12+$0x0] =	vst.idx.add.f32.msk $0xffff, v0  }
0x7a: {  	v1 =	vld [tilespmem:$0x120];
	_ =	sdelay $0x7  }
0x7b: {  	[tilespmem:v1+s12+$0x0] =	vst.idx.add.f32.msk $0xffff, v0  }
0x7c: {  	v1 =	vld [tilespmem:$0x130];
	_ =	sdelay $0x7  }
0x7d: {  	[tilespmem:v1+s12+$0x0] =	vst.idx.add.f32.msk $0xffff, v0  }
0x7e: {  	v1 =	vld [tilespmem:$0x140];
	_ =	sdelay $0x7  }
0x7f: {  	[tilespmem:v1+s12+$0x0] =	vst.idx.add.f32.msk $0xffff, v0  }
0x80: {  	v1 =	vld [tilespmem:$0x150];
	_ =	sdelay $0x7  }
0x81: {  	[tilespmem:v1+s12+$0x0] =	vst.idx.add.f32.msk $0xffff, v0  }
0x82: {  	v1 =	vld [tilespmem:$0x160];
	_ =	sdelay $0x7  }
0x83: {  	[tilespmem:v1+s12+$0x0] =	vst.idx.add.f32.msk $0xffff, v0  }
0x84: {  	v1 =	vld [tilespmem:$0x170];
	_ =	sdelay $0x7  }
0x85: {  	[tilespmem:v1+s12+$0x0] =	vst.idx.add.f32.msk $0xffff, v0  }
0x86: {  	v1 =	vld [tilespmem:$0x180];
	_ =	sdelay $0x6  }
0x87: {  	s20 =	sshrl.u32 s18, $0x3  }
0x88: {  	s20 =	sadd.s32 s3, s20;
	[tilespmem:v1+s12+$0x0] =	vst.idx.add.f32.msk $0xffff, v0  }
0x89: {  	[tilespmem:s2], [sflag:$0x1] =	stream.linear.gather [hbm4b:s20+s2], $0x190, $0x38;
	[tilespmem:$0x10400] =	vst v63  }
0x8a: {  	_ =	swait.ge [sflag:s15], $0x190  }
0x8b: {  	[sflag:s15] =	ssyncset.done $0x0  }
0x8c: {  	[sflag:s15] =	ssyncadd.s32 $0xFFFFFE70  }
0x8d: {  	v1 =	vld [tilespmem:$0x200];
	_ =	sdelay $0x7  }
0x8e: {  	[tilespmem:v1+s12+$0x0] =	vst.idx.add.f32.msk $0xffff, v0  }
0x8f: {  	v1 =	vld [tilespmem:$0x210];
	_ =	sdelay $0x7  }
0x90: {  	[tilespmem:v1+s12+$0x0] =	vst.idx.add.f32.msk $0xffff, v0  }
0x91: {  	v1 =	vld [tilespmem:$0x220];
	_ =	sdelay $0x7  }
0x92: {  	[tilespmem:v1+s12+$0x0] =	vst.idx.add.f32.msk $0xffff, v0  }
0x93: {  	v1 =	vld [tilespmem:$0x230];
	_ =	sdelay $0x7  }
0x94: {  	[tilespmem:v1+s12+$0x0] =	vst.idx.add.f32.msk $0xffff, v0  }
0x95: {  	v1 =	vld [tilespmem:$0x240];
	_ =	sdelay $0x7  }
0x96: {  	[tilespmem:v1+s12+$0x0] =	vst.idx.add.f32.msk $0xffff, v0  }
0x97: {  	v1 =	vld [tilespmem:$0x250];
	_ =	sdelay $0x7  }
0x98: {  	[tilespmem:v1+s12+$0x0] =	vst.idx.add.f32.msk $0xffff, v0  }
0x99: {  	v1 =	vld [tilespmem:$0x260];
	_ =	sdelay $0x7  }
0x9a: {  	[tilespmem:v1+s12+$0x0] =	vst.idx.add.f32.msk $0xffff, v0  }
0x9b: {  	v1 =	vld [tilespmem:$0x270];
	_ =	sdelay $0x7  }
0x9c: {  	[tilespmem:v1+s12+$0x0] =	vst.idx.add.f32.msk $0xffff, v0  }
0x9d: {  	v1 =	vld [tilespmem:$0x280];
	_ =	sdelay $0x7  }
0x9e: {  	[tilespmem:v1+s12+$0x0] =	vst.idx.add.f32.msk $0xffff, v0  }
0x9f: {  	v1 =	vld [tilespmem:$0x290];
	_ =	sdelay $0x7  }
0xa0: {  	[tilespmem:v1+s12+$0x0] =	vst.idx.add.f32.msk $0xffff, v0  }
0xa1: {  	v1 =	vld [tilespmem:$0x2A0];
	_ =	sdelay $0x7  }
0xa2: {  	[tilespmem:v1+s12+$0x0] =	vst.idx.add.f32.msk $0xffff, v0  }
0xa3: {  	v1 =	vld [tilespmem:$0x2B0];
	_ =	sdelay $0x7  }
0xa4: {  	[tilespmem:v1+s12+$0x0] =	vst.idx.add.f32.msk $0xffff, v0  }
0xa5: {  	v1 =	vld [tilespmem:$0x2C0];
	_ =	sdelay $0x7  }
0xa6: {  	[tilespmem:v1+s12+$0x0] =	vst.idx.add.f32.msk $0xffff, v0  }
0xa7: {  	v1 =	vld [tilespmem:$0x2D0];
	_ =	sdelay $0x7  }
0xa8: {  	[tilespmem:v1+s12+$0x0] =	vst.idx.add.f32.msk $0xffff, v0  }
0xa9: {  	v1 =	vld [tilespmem:$0x2E0];
	_ =	sdelay $0x7  }
0xaa: {  	[tilespmem:v1+s12+$0x0] =	vst.idx.add.f32.msk $0xffff, v0  }
0xab: {  	v1 =	vld [tilespmem:$0x2F0];
	_ =	sdelay $0x7  }
0xac: {  	[tilespmem:v1+s12+$0x0] =	vst.idx.add.f32.msk $0xffff, v0  }
0xad: {  	v1 =	vld [tilespmem:$0x300];
	_ =	sdelay $0x7  }
0xae: {  	[tilespmem:v1+s12+$0x0] =	vst.idx.add.f32.msk $0xffff, v0  }
0xaf: {  	v1 =	vld [tilespmem:$0x310];
	_ =	sdelay $0x7  }
0xb0: {  	[tilespmem:v1+s12+$0x0] =	vst.idx.add.f32.msk $0xffff, v0  }
0xb1: {  	v1 =	vld [tilespmem:$0x320];
	_ =	sdelay $0x7  }
0xb2: {  	[tilespmem:v1+s12+$0x0] =	vst.idx.add.f32.msk $0xffff, v0  }
0xb3: {  	v1 =	vld [tilespmem:$0x330];
	_ =	sdelay $0x7  }
0xb4: {  	[tilespmem:v1+s12+$0x0] =	vst.idx.add.f32.msk $0xffff, v0  }
0xb5: {  	v1 =	vld [tilespmem:$0x340];
	_ =	sdelay $0x7  }
0xb6: {  	[tilespmem:v1+s12+$0x0] =	vst.idx.add.f32.msk $0xffff, v0  }
0xb7: {  	v1 =	vld [tilespmem:$0x350];
	_ =	sdelay $0x7  }
0xb8: {  	[tilespmem:v1+s12+$0x0] =	vst.idx.add.f32.msk $0xffff, v0  }
0xb9: {  	v1 =	vld [tilespmem:$0x360];
	_ =	sdelay $0x7  }
0xba: {  	[tilespmem:v1+s12+$0x0] =	vst.idx.add.f32.msk $0xffff, v0  }
0xbb: {  	v1 =	vld [tilespmem:$0x370];
	_ =	sdelay $0x7  }
0xbc: {  	[tilespmem:v1+s12+$0x0] =	vst.idx.add.f32.msk $0xffff, v0  }
0xbd: {  	v1 =	vld [tilespmem:$0x380];
	_ =	sdelay $0x2  }
0xbe: {  	p0 =	seq.s32 s19, $0x44C  }
.Ltmp2:
0xbf: {  	_ = 	snop;
	(pc) =	sbr.rel @p0 .LBB2_4-.Ltmp2, $2  }
0xc0: {  	_ =	sdelay $0x2  }
0xc1: {  	[tilespmem:v1+s12+$0x0] =	vst.idx.add.f32.msk $0xffff, v0  }
.Ltmp3:
0xc2: {  	(pc) =	sbr.rel .LBB2_2-.Ltmp3, $3  }
0xc3: {  	_ =	sdelay $0x1  }
0xc4: {  	s20 =	sadd.s32 s19, s9;
	s19 =	sadd.s32 $0x64, s19;
	s18 =	sadd.s32 $0x320, s18  }
0xc5: {  	[tilespmem:s11], [sflag:$0x2] =	stream.linear.gather [hbm4b:s20+s2], $0x190, $0x38;
	[tilespmem:$0x10400] =	vst v63  }
.LBB2_5:
0xc6: {  	_ =	sfence.sel $0x180000  }
0xc7: {  	[bflag:$0x0] =	sbarrier.arrive $0xFFFF  }
0xc8: {  	p0 =	sne.s32 s1, $0x0;
	_ =	strace $0x90000047  }
0xc9: {  	s0 =	sadd.s32 @!p0 $0x100000, s0;
	[bflag:$0x2] =	sbarrier.arrive $0xFFFF  }
0xca: {  	[sflag:s0] =	ssyncadd.tile.s32 @!p0 $0x1;
	_ =	shalt  }
.Lfunc_end2:
_tile_overlayer_lowered:
.L_overlay_start_2:
0xcb: {  	(tag) =	ssettag $0x2  }
0xcc: {  	s0 =	rddreg [dreg:$0x0];
	s2 =	stileid.u32  }
0xcd: {  	s1 =	rddreg [dreg:$0x1];
	p0 =	sne.s32 s2, $0x0  }
0xce: {  	s3 =	rddreg [dreg:$0x2];
	[bflag:$0x3] =	sbarrier.arrive $0xFFFF;
	s2 =	simm.s32 @!p0 $0x1C03  }
0xcf: {  	[timem:s3], [sflag:s2] =	dma.local @!p0 [hbm:s0], s1  }
0xd0: {  	s0 =	simm.s32 @!p0 $0x3  }
0xd1: {  	_ =	swait.ge @!p0 [sflag:s0], s1  }
0xd2: {  	s1 =	ssub.s32 @!p0 $0x0, s1;
	[sflag:s0] =	ssyncset.done @!p0 $0x0  }
0xd3: {  	[sflag:s0] =	ssyncadd.s32 @!p0 s1  }
0xd4: {  	[bflag:$0x3] =	sbarrier.arrive $0xFFFF  }
0xd5: {  	_ =	shalt  }

</sc_bundles>
